<compile_context>
chip_gen: v7x
topology: tpu7x:2x2x1
jax: 0.10.2.dev20260603
libtpu: 0.0.44.dev20260713+nightly
codegen_flags: <defaults>
</compile_context>

<pallas_src>
import functools

import jax
import jax.numpy as jnp
from jax import lax
from jax.experimental import pallas as pl
from jax.experimental.pallas import tpu as pltpu
from jax.experimental.pallas import tpu_sc as plsc

B = 32
N = 512 * 512
NC, NS, L = 2, 16, 16
NW = NC * NS

SC_B = 8
K = NW // SC_B
WROWS = 512 // K
SLAB = 32
NSLAB = WROWS // SLAB
ROWV = 512 // L

SPB = 4
TC_B = B - SC_B
TC_GRID = TC_B // SPB


def _log1p_poly(z):
    u = z * z
    p = 2.0 / 5.0 + u * (2.0 / 7.0)
    p = 2.0 / 3.0 + u * p
    p = 2.0 + u * p
    return z * p


def _sc_body(x_hbm, t_hbm, out_hbm, xb0, xb1, tb0, tb1, obuf, sem0, sem1):
    c = lax.axis_index("c")
    s = lax.axis_index("s")
    w = s * NC + c
    sid = w // K
    row0 = (w % K) * WROWS

    xbufs = (xb0, xb1)
    tbufs = (tb0, tb1)
    sems = (sem0, sem1)

    def start(slab, p):
        hx = pltpu.async_copy(
            x_hbm.at[sid, pl.ds(row0 + slab * SLAB, SLAB)], xbufs[p], sems[p])
        ht = pltpu.async_copy(
            t_hbm.at[sid, pl.ds(row0 + slab * SLAB, SLAB)], tbufs[p], sems[p])
        return hx, ht

    zero = jnp.zeros((L,), jnp.float32)
    acc = (zero, zero, zero, zero)
    pend = start(0, 0)

    for slab in range(NSLAB):
        p = slab % 2
        nxt = start(slab + 1, 1 - p) if slab + 1 < NSLAB else None
        pend[0].wait()
        pend[1].wait()
        xbuf, tbuf = xbufs[p], tbufs[p]

        @plsc.parallel_loop(0, SLAB, unroll=2, carry=acc)
        def inner(r, carry, xbuf=xbuf, tbuf=tbuf):
            sacc, stacc, tacc, bacc = carry
            for u in range(ROWV):
                xv = xbuf[r, pl.ds(u * L, L)]
                tv = tbuf[r, pl.ds(u * L, L)].astype(jnp.float32)
                sacc = sacc + xv
                tacc = tacc + tv
            return (sacc, stacc, tacc, bacc)

        acc = inner
        pend = nxt

    for k in range(4):
        obuf[pl.ds(k * L, L)] = acc[k]
    pltpu.sync_copy(obuf, out_hbm.at[w])


_sc_partials = functools.partial(
    pl.kernel,
    out_type=jax.ShapeDtypeStruct((NW, 128), jnp.float32),
    mesh=plsc.VectorSubcoreMesh(
        core_axis_name="c", subcore_axis_name="s",
        num_cores=NC, num_subcores=NS),
    scratch_types=[
        pltpu.VMEM((SLAB, 512), jnp.float32),
        pltpu.VMEM((SLAB, 512), jnp.float32),
        pltpu.VMEM((SLAB, 512), jnp.int32),
        pltpu.VMEM((SLAB, 512), jnp.int32),
        pltpu.VMEM((128,), jnp.float32),
        pltpu.SemaphoreType.DMA,
        pltpu.SemaphoreType.DMA,
    ],
    compiler_params=pltpu.CompilerParams(use_tc_tiling_on_sc=True),
)(_sc_body)


def _tc_body(x_ref, t_ref, out_ref):
    i = pl.program_id(0)
    x = x_ref[...]
    t = t_ref[...].astype(jnp.float32)

    ax = jnp.abs(x)
    e = jnp.exp(-ax)
    inv = 1.0 / (1.0 + e)
    sig = jnp.where(x >= 0.0, inv, e * inv)
    bce = jnp.maximum(x, 0.0) - x * t + jnp.log1p(e)

    for u in range(SPB):
        out_ref[i * SPB + u, 0] = jnp.sum(sig[u])
        out_ref[i * SPB + u, 1] = jnp.sum(sig[u] * t[u])
        out_ref[i * SPB + u, 2] = jnp.sum(t[u])
        out_ref[i * SPB + u, 3] = jnp.sum(bce[u])


def _tc_partials(x3, target):
    return pl.pallas_call(
        _tc_body,
        grid=(TC_GRID,),
        in_specs=[
            pl.BlockSpec((SPB, 512, 512), lambda i: (SC_B // SPB + i, 0, 0)),
            pl.BlockSpec((SPB, 512, 512), lambda i: (SC_B // SPB + i, 0, 0)),
        ],
        out_specs=pl.BlockSpec(memory_space=pltpu.SMEM),
        out_shape=jax.ShapeDtypeStruct((TC_B, 4), jnp.float32),
        compiler_params=pltpu.CompilerParams(
            dimension_semantics=("arbitrary",),
        ),
    )(x3, target)


@jax.jit
def kernel(inputs, target):
    x3 = inputs.reshape(B, 512, 512)
    sc_w = _sc_partials(x3, target)[:, :64].reshape(NW, 4, L).sum(axis=2)
    sc_parts = sc_w.reshape(SC_B, K, 4).sum(axis=1)
    tc_parts = _tc_partials(x3, target)
    parts = jnp.concatenate([sc_parts, tc_parts], axis=0)
    s_sum = parts[:, 0]
    st_sum = parts[:, 1]
    t_sum = parts[:, 2]
    b_sum = parts[:, 3]
    dice = 1.0 - (2.0 * st_sum + 1.0) / (s_sum + t_sum + 1.0)
    loss = jnp.mean(dice) + jnp.sum(b_sum) / (B * N)
    return loss.reshape(1)

# --- scband reference (transcript-rebuilt; emitter-appended) ---
"""Pipeline reference for scband-uni-head-simple-66692252172800 (READ-ONLY COPY).

The authoritative reference and input builder live on the scoring server;
editing this copy changes nothing except your own understanding.
"""

import jax, jax.numpy as jnp
import numpy as np


def setup_inputs(seed: int = 0) -> dict:
    key = jax.random.key(seed)
    k1, k2 = jax.random.split(key)
    inputs = jax.random.normal(k1, (32, 1, 512, 512), dtype=jnp.float32)
    target = jax.random.randint(k2, (32, 512, 512), 0, 2, dtype=jnp.int32)
    return {"inputs": inputs, "target": target}


def dice_loss(inputs, targets):
    s = jax.nn.sigmoid(inputs)
    s = s.reshape(s.shape[0], -1)
    t = targets.reshape(targets.shape[0], -1)
    numerator = 2.0 * jnp.sum(s * t, axis=1)
    denominator = jnp.sum(s, axis=-1) + jnp.sum(t, axis=-1)
    loss = 1.0 - (numerator + 1.0) / (denominator + 1.0)
    return jnp.mean(loss)


def sigmoid_ce_loss(inputs, targets):
    # numerically stable BCE-with-logits, mean reduction (matches F.binary_cross_entropy_with_logits)
    loss = jnp.maximum(inputs, 0.0) - inputs * targets + jnp.log1p(jnp.exp(-jnp.abs(inputs)))
    return jnp.mean(loss)


def reference(inputs, target):
    # seg_loss(inputs, target, loss_info={'dice': 1.0, 'bce': 1.0})
    t = target.astype(jnp.float32)[:, None, :, :]
    assert t.shape == inputs.shape
    loss_seg = jnp.zeros((1,), dtype=jnp.float32)
    loss_seg = loss_seg + dice_loss(inputs, t) * 1.0
    loss_seg = loss_seg + sigmoid_ce_loss(inputs, t) * 1.0
    return loss_seg

if __name__ == "__main__":
    import jax
    _d = setup_inputs()
    print(jax.jit(kernel)(*tuple(_d.values())))

</pallas_src>

<mosaic_0001>
#map = affine_map<(d0, d1) -> (0, 0, 0)>
#map1 = affine_map<(d0, d1) -> (0, 0)>
module attributes {stable_mosaic.version = 14 : i64} {
  func.func @_sc_body(%arg0: i32, %arg1: i32, %arg2: memref<32x512x512xf32, #tpu.memory_space<hbm>>, %arg3: memref<32x512x512xi32, #tpu.memory_space<hbm>>, %arg4: memref<32x128xf32, #tpu.memory_space<hbm>>, %arg5: memref<32x512xf32, #tpu.memory_space<vmem>>, %arg6: memref<32x512xf32, #tpu.memory_space<vmem>>, %arg7: memref<32x512xi32, #tpu.memory_space<vmem>>, %arg8: memref<32x512xi32, #tpu.memory_space<vmem>>, %arg9: memref<128xf32, #tpu.memory_space<vmem>>, %arg10: memref<!tpu.dma_semaphore, #tpu.memory_space<semaphore_mem>>, %arg11: memref<!tpu.dma_semaphore, #tpu.memory_space<semaphore_mem>>) attributes {dimension_semantics = [#tpu.dimension_semantics<core_parallel>, #tpu.dimension_semantics<subcore_parallel>], iteration_bounds = array<i64: 2, 16>, scalar_prefetch = 0 : i64, scratch_operands = 7 : i64, tpu.core_type = #tpu.core_type<sc_vector_subcore>, window_params = [{transform_indices = #map}, {transform_indices = #map}, {transform_indices = #map1}]} {
    %mul3A = arith.constant 2 : i32
    %mul3A_0 = arith.muli %arg1, %mul3A : i32
    %add3A = arith.addi %mul3A_0, %arg0 : i32
    %jit3A = arith.constant 4 : i32
    %div3A = arith.divsi %add3A, %jit3A : i32
    %sign3A = arith.constant 0 : i32
    %sign3A_1 = arith.cmpi sgt, %add3A, %sign3A : i32
    %sign3A_2 = arith.extui %sign3A_1 : i1 to i32
    %sign3A_3 = arith.constant 0 : i32
    %sign3A_4 = arith.cmpi slt, %add3A, %sign3A_3 : i32
    %sign3A_5 = arith.extui %sign3A_4 : i1 to i32
    %sign3A_6 = arith.subi %sign3A_2, %sign3A_5 : i32
    %sign3A_7 = arith.constant 0 : i32
    %sign3A_8 = arith.cmpi sgt, %jit3A, %sign3A_7 : i32
    %sign3A_9 = arith.extui %sign3A_8 : i1 to i32
    %sign3A_10 = arith.constant 0 : i32
    %sign3A_11 = arith.cmpi slt, %jit3A, %sign3A_10 : i32
    %sign3A_12 = arith.extui %sign3A_11 : i1 to i32
    %sign3A_13 = arith.subi %sign3A_9, %sign3A_12 : i32
    %ne3A = arith.cmpi ne, %sign3A_6, %sign3A_13 : i32
    %rem3A = arith.remsi %add3A, %jit3A : i32
    %ne3A_14 = arith.constant 0 : i32
    %ne3A_15 = arith.cmpi ne, %rem3A, %ne3A_14 : i32
    %and3A = arith.andi %ne3A, %ne3A_15 : i1
    %sub3A = arith.constant 1 : i32
    %sub3A_16 = arith.subi %div3A, %sub3A : i32
    %select_n3A = arith.select %and3A, %sub3A_16, %div3A : i32
    %jit3A_17 = arith.constant 4 : i32
    %eq3A = arith.constant 0 : i32
    %eq3A_18 = arith.cmpi eq, %jit3A_17, %eq3A : i32
    %jit3A_19 = arith.constant 1 : i32
    %select_n3A_20 = arith.select %eq3A_18, %jit3A_19, %jit3A_17 : i32
    %rem3A_21 = arith.remsi %add3A, %select_n3A_20 : i32
    %ne3A_22 = arith.constant 0 : i32
    %ne3A_23 = arith.cmpi ne, %rem3A_21, %ne3A_22 : i32
    %lt3A = arith.constant 0 : i32
    %lt3A_24 = arith.cmpi slt, %rem3A_21, %lt3A : i32
    %lt3A_25 = arith.constant 0 : i32
    %lt3A_26 = arith.cmpi slt, %select_n3A_20, %lt3A_25 : i32
    %ne3A_27 = arith.xori %lt3A_24, %lt3A_26 : i1
    %and3A_28 = arith.andi %ne3A_27, %ne3A_23 : i1
    %add3A_29 = arith.addi %rem3A_21, %select_n3A_20 : i32
    %select_n3A_30 = arith.select %and3A_28, %add3A_29, %rem3A_21 : i32
    %mul3A_31 = arith.constant 128 : i32
    %mul3A_32 = arith.muli %select_n3A_30, %mul3A_31 : i32
    %broadcast_in_dim3A = arith.constant 0.000000e+00 : f32
    %broadcast_in_dim3A_33 = vector.broadcast %broadcast_in_dim3A : f32 to vector<16xf32>
    %add3A_34 = arith.constant 0 : i32
    %add3A_35 = arith.addi %mul3A_32, %add3A_34 : i32
    %dma_start3A = arith.constant 0 : i32
    %dma_start3A_36 = tpu.memref_slice %arg2[%select_n3A, %add3A_35, %dma_start3A] : memref<32x512x512xf32, #tpu.memory_space<hbm>> -> memref<1x32x512xf32, #tpu.memory_space<hbm>>
    %dma_start3A_37 = tpu.memref_squeeze %dma_start3A_36 : memref<1x32x512xf32, #tpu.memory_space<hbm>> -> memref<32x512xf32, #tpu.memory_space<hbm>>
    %dma_start3A_38 = arith.constant 0 : i32
    %dma_start3A_39 = tpu.memref_slice %arg2[%select_n3A, %add3A_35, %dma_start3A_38] : memref<32x512x512xf32, #tpu.memory_space<hbm>> -> memref<1x32x512xf32, #tpu.memory_space<hbm>>
    %dma_start3A_40 = tpu.memref_squeeze %dma_start3A_39 : memref<1x32x512xf32, #tpu.memory_space<hbm>> -> memref<32x512xf32, #tpu.memory_space<hbm>>
    tpu.enqueue_dma source(%dma_start3A_40 : memref<32x512xf32, #tpu.memory_space<hbm>>) target(%arg5 : memref<32x512xf32, #tpu.memory_space<vmem>>) target_semaphore(%arg10 : memref<!tpu.dma_semaphore, #tpu.memory_space<semaphore_mem>>)
    %add3A_41 = arith.constant 0 : i32
    %add3A_42 = arith.addi %mul3A_32, %add3A_41 : i32
    %dma_start3A_43 = arith.constant 0 : i32
    %dma_start3A_44 = tpu.memref_slice %arg3[%select_n3A, %add3A_42, %dma_start3A_43] : memref<32x512x512xi32, #tpu.memory_space<hbm>> -> memref<1x32x512xi32, #tpu.memory_space<hbm>>
    %dma_start3A_45 = tpu.memref_squeeze %dma_start3A_44 : memref<1x32x512xi32, #tpu.memory_space<hbm>> -> memref<32x512xi32, #tpu.memory_space<hbm>>
    %dma_start3A_46 = arith.constant 0 : i32
    %dma_start3A_47 = tpu.memref_slice %arg3[%select_n3A, %add3A_42, %dma_start3A_46] : memref<32x512x512xi32, #tpu.memory_space<hbm>> -> memref<1x32x512xi32, #tpu.memory_space<hbm>>
    %dma_start3A_48 = tpu.memref_squeeze %dma_start3A_47 : memref<1x32x512xi32, #tpu.memory_space<hbm>> -> memref<32x512xi32, #tpu.memory_space<hbm>>
    tpu.enqueue_dma source(%dma_start3A_48 : memref<32x512xi32, #tpu.memory_space<hbm>>) target(%arg7 : memref<32x512xi32, #tpu.memory_space<vmem>>) target_semaphore(%arg10 : memref<!tpu.dma_semaphore, #tpu.memory_space<semaphore_mem>>)
    %add3A_49 = arith.constant 32 : i32
    %add3A_50 = arith.addi %mul3A_32, %add3A_49 : i32
    %dma_start3A_51 = arith.constant 0 : i32
    %dma_start3A_52 = tpu.memref_slice %arg2[%select_n3A, %add3A_50, %dma_start3A_51] : memref<32x512x512xf32, #tpu.memory_space<hbm>> -> memref<1x32x512xf32, #tpu.memory_space<hbm>>
    %dma_start3A_53 = tpu.memref_squeeze %dma_start3A_52 : memref<1x32x512xf32, #tpu.memory_space<hbm>> -> memref<32x512xf32, #tpu.memory_space<hbm>>
    %dma_start3A_54 = arith.constant 0 : i32
    %dma_start3A_55 = tpu.memref_slice %arg2[%select_n3A, %add3A_50, %dma_start3A_54] : memref<32x512x512xf32, #tpu.memory_space<hbm>> -> memref<1x32x512xf32, #tpu.memory_space<hbm>>
    %dma_start3A_56 = tpu.memref_squeeze %dma_start3A_55 : memref<1x32x512xf32, #tpu.memory_space<hbm>> -> memref<32x512xf32, #tpu.memory_space<hbm>>
    tpu.enqueue_dma source(%dma_start3A_56 : memref<32x512xf32, #tpu.memory_space<hbm>>) target(%arg6 : memref<32x512xf32, #tpu.memory_space<vmem>>) target_semaphore(%arg11 : memref<!tpu.dma_semaphore, #tpu.memory_space<semaphore_mem>>)
    %add3A_57 = arith.constant 32 : i32
    %add3A_58 = arith.addi %mul3A_32, %add3A_57 : i32
    %dma_start3A_59 = arith.constant 0 : i32
    %dma_start3A_60 = tpu.memref_slice %arg3[%select_n3A, %add3A_58, %dma_start3A_59] : memref<32x512x512xi32, #tpu.memory_space<hbm>> -> memref<1x32x512xi32, #tpu.memory_space<hbm>>
    %dma_start3A_61 = tpu.memref_squeeze %dma_start3A_60 : memref<1x32x512xi32, #tpu.memory_space<hbm>> -> memref<32x512xi32, #tpu.memory_space<hbm>>
    %dma_start3A_62 = arith.constant 0 : i32
    %dma_start3A_63 = tpu.memref_slice %arg3[%select_n3A, %add3A_58, %dma_start3A_62] : memref<32x512x512xi32, #tpu.memory_space<hbm>> -> memref<1x32x512xi32, #tpu.memory_space<hbm>>
    %dma_start3A_64 = tpu.memref_squeeze %dma_start3A_63 : memref<1x32x512xi32, #tpu.memory_space<hbm>> -> memref<32x512xi32, #tpu.memory_space<hbm>>
    tpu.enqueue_dma source(%dma_start3A_64 : memref<32x512xi32, #tpu.memory_space<hbm>>) target(%arg8 : memref<32x512xi32, #tpu.memory_space<vmem>>) target_semaphore(%arg11 : memref<!tpu.dma_semaphore, #tpu.memory_space<semaphore_mem>>)
    %dma_wait3A = arith.constant 0 : i32
    %dma_wait3A_65 = tpu.memref_slice %arg2[%select_n3A, %add3A_35, %dma_wait3A] : memref<32x512x512xf32, #tpu.memory_space<hbm>> -> memref<1x32x512xf32, #tpu.memory_space<hbm>>
    %dma_wait3A_66 = tpu.memref_squeeze %dma_wait3A_65 : memref<1x32x512xf32, #tpu.memory_space<hbm>> -> memref<32x512xf32, #tpu.memory_space<hbm>>
    %dma_wait3A_67 = arith.constant 0 : i32
    %dma_wait3A_68 = tpu.memref_slice %arg2[%select_n3A, %add3A_35, %dma_wait3A_67] : memref<32x512x512xf32, #tpu.memory_space<hbm>> -> memref<1x32x512xf32, #tpu.memory_space<hbm>>
    %dma_wait3A_69 = tpu.memref_squeeze %dma_wait3A_68 : memref<1x32x512xf32, #tpu.memory_space<hbm>> -> memref<32x512xf32, #tpu.memory_space<hbm>>
    tpu.wait_dma2 semaphore(%arg10 : memref<!tpu.dma_semaphore, #tpu.memory_space<semaphore_mem>>) src(%dma_wait3A_69 : memref<32x512xf32, #tpu.memory_space<hbm>>) dst(%arg5 : memref<32x512xf32, #tpu.memory_space<vmem>>)
    %dma_wait3A_70 = arith.constant 0 : i32
    %dma_wait3A_71 = tpu.memref_slice %arg3[%select_n3A, %add3A_42, %dma_wait3A_70] : memref<32x512x512xi32, #tpu.memory_space<hbm>> -> memref<1x32x512xi32, #tpu.memory_space<hbm>>
    %dma_wait3A_72 = tpu.memref_squeeze %dma_wait3A_71 : memref<1x32x512xi32, #tpu.memory_space<hbm>> -> memref<32x512xi32, #tpu.memory_space<hbm>>
    %dma_wait3A_73 = arith.constant 0 : i32
    %dma_wait3A_74 = tpu.memref_slice %arg3[%select_n3A, %add3A_42, %dma_wait3A_73] : memref<32x512x512xi32, #tpu.memory_space<hbm>> -> memref<1x32x512xi32, #tpu.memory_space<hbm>>
    %dma_wait3A_75 = tpu.memref_squeeze %dma_wait3A_74 : memref<1x32x512xi32, #tpu.memory_space<hbm>> -> memref<32x512xi32, #tpu.memory_space<hbm>>
    tpu.wait_dma2 semaphore(%arg10 : memref<!tpu.dma_semaphore, #tpu.memory_space<semaphore_mem>>) src(%dma_wait3A_75 : memref<32x512xi32, #tpu.memory_space<hbm>>) dst(%arg7 : memref<32x512xi32, #tpu.memory_space<vmem>>)
    %parallel_loop3A = arith.constant 0 : i32
    %parallel_loop3A_76 = arith.constant 32 : i32
    %parallel_loop3A_77 = arith.constant 1 : i32
    %parallel_loop3A_78:4 = scf.for %parallel_loop3A_174 = %parallel_loop3A to %parallel_loop3A_76 step %parallel_loop3A_77 iter_args(%parallel_loop3A_175 = %broadcast_in_dim3A_33, %parallel_loop3A_176 = %broadcast_in_dim3A_33, %parallel_loop3A_177 = %broadcast_in_dim3A_33, %parallel_loop3A_178 = %broadcast_in_dim3A_33) -> (vector<16xf32>, vector<16xf32>, vector<16xf32>, vector<16xf32>)  : i32 {
      %parallel_loop3A_179 = arith.index_cast %parallel_loop3A_174 : i32 to index
      %parallel_loop3A_180 = arith.constant 0 : index
      %parallel_loop3A_181 = tpu.vector_load %arg5[%parallel_loop3A_179, %parallel_loop3A_180] {strides = array<i32>} : memref<32x512xf32, #tpu.memory_space<vmem>>, vector<1x16xf32>,
      %parallel_loop3A_182 = vector.shape_cast %parallel_loop3A_181 : vector<1x16xf32> to vector<16xf32>
      %parallel_loop3A_183 = arith.index_cast %parallel_loop3A_174 : i32 to index
      %parallel_loop3A_184 = arith.constant 0 : index
      %parallel_loop3A_185 = tpu.vector_load %arg7[%parallel_loop3A_183, %parallel_loop3A_184] {strides = array<i32>} : memref<32x512xi32, #tpu.memory_space<vmem>>, vector<1x16xi32>,
      %parallel_loop3A_186 = vector.shape_cast %parallel_loop3A_185 : vector<1x16xi32> to vector<16xi32>
      %parallel_loop3A_187 = arith.sitofp %parallel_loop3A_186 : vector<16xi32> to vector<16xf32>
      %parallel_loop3A_188 = arith.addf %parallel_loop3A_175, %parallel_loop3A_182 : vector<16xf32>
      %parallel_loop3A_189 = arith.addf %parallel_loop3A_177, %parallel_loop3A_187 : vector<16xf32>
      %parallel_loop3A_190 = arith.index_cast %parallel_loop3A_174 : i32 to index
      %parallel_loop3A_191 = arith.constant 16 : index
      %parallel_loop3A_192 = tpu.vector_load %arg5[%parallel_loop3A_190, %parallel_loop3A_191] {strides = array<i32>} : memref<32x512xf32, #tpu.memory_space<vmem>>, vector<1x16xf32>,
      %parallel_loop3A_193 = vector.shape_cast %parallel_loop3A_192 : vector<1x16xf32> to vector<16xf32>
      %parallel_loop3A_194 = arith.index_cast %parallel_loop3A_174 : i32 to index
      %parallel_loop3A_195 = arith.constant 16 : index
      %parallel_loop3A_196 = tpu.vector_load %arg7[%parallel_loop3A_194, %parallel_loop3A_195] {strides = array<i32>} : memref<32x512xi32, #tpu.memory_space<vmem>>, vector<1x16xi32>,
      %parallel_loop3A_197 = vector.shape_cast %parallel_loop3A_196 : vector<1x16xi32> to vector<16xi32>
      %parallel_loop3A_198 = arith.sitofp %parallel_loop3A_197 : vector<16xi32> to vector<16xf32>
      %parallel_loop3A_199 = arith.addf %parallel_loop3A_188, %parallel_loop3A_193 : vector<16xf32>
      %parallel_loop3A_200 = arith.addf %parallel_loop3A_189, %parallel_loop3A_198 : vector<16xf32>
      %parallel_loop3A_201 = arith.index_cast %parallel_loop3A_174 : i32 to index
      %parallel_loop3A_202 = arith.constant 32 : index
      %parallel_loop3A_203 = tpu.vector_load %arg5[%parallel_loop3A_201, %parallel_loop3A_202] {strides = array<i32>} : memref<32x512xf32, #tpu.memory_space<vmem>>, vector<1x16xf32>,
      %parallel_loop3A_204 = vector.shape_cast %parallel_loop3A_203 : vector<1x16xf32> to vector<16xf32>
      %parallel_loop3A_205 = arith.index_cast %parallel_loop3A_174 : i32 to index
      %parallel_loop3A_206 = arith.constant 32 : index
      %parallel_loop3A_207 = tpu.vector_load %arg7[%parallel_loop3A_205, %parallel_loop3A_206] {strides = array<i32>} : memref<32x512xi32, #tpu.memory_space<vmem>>, vector<1x16xi32>,
      %parallel_loop3A_208 = vector.shape_cast %parallel_loop3A_207 : vector<1x16xi32> to vector<16xi32>
      %parallel_loop3A_209 = arith.sitofp %parallel_loop3A_208 : vector<16xi32> to vector<16xf32>
      %parallel_loop3A_210 = arith.addf %parallel_loop3A_199, %parallel_loop3A_204 : vector<16xf32>
      %parallel_loop3A_211 = arith.addf %parallel_loop3A_200, %parallel_loop3A_209 : vector<16xf32>
      %parallel_loop3A_212 = arith.index_cast %parallel_loop3A_174 : i32 to index
      %parallel_loop3A_213 = arith.constant 48 : index
      %parallel_loop3A_214 = tpu.vector_load %arg5[%parallel_loop3A_212, %parallel_loop3A_213] {strides = array<i32>} : memref<32x512xf32, #tpu.memory_space<vmem>>, vector<1x16xf32>,
      %parallel_loop3A_215 = vector.shape_cast %parallel_loop3A_214 : vector<1x16xf32> to vector<16xf32>
      %parallel_loop3A_216 = arith.index_cast %parallel_loop3A_174 : i32 to index
      %parallel_loop3A_217 = arith.constant 48 : index
      %parallel_loop3A_218 = tpu.vector_load %arg7[%parallel_loop3A_216, %parallel_loop3A_217] {strides = array<i32>} : memref<32x512xi32, #tpu.memory_space<vmem>>, vector<1x16xi32>,
      %parallel_loop3A_219 = vector.shape_cast %parallel_loop3A_218 : vector<1x16xi32> to vector<16xi32>
      %parallel_loop3A_220 = arith.sitofp %parallel_loop3A_219 : vector<16xi32> to vector<16xf32>
      %parallel_loop3A_221 = arith.addf %parallel_loop3A_210, %parallel_loop3A_215 : vector<16xf32>
      %parallel_loop3A_222 = arith.addf %parallel_loop3A_211, %parallel_loop3A_220 : vector<16xf32>
      %parallel_loop3A_223 = arith.index_cast %parallel_loop3A_174 : i32 to index
      %parallel_loop3A_224 = arith.constant 64 : index
      %parallel_loop3A_225 = tpu.vector_load %arg5[%parallel_loop3A_223, %parallel_loop3A_224] {strides = array<i32>} : memref<32x512xf32, #tpu.memory_space<vmem>>, vector<1x16xf32>,
      %parallel_loop3A_226 = vector.shape_cast %parallel_loop3A_225 : vector<1x16xf32> to vector<16xf32>
      %parallel_loop3A_227 = arith.index_cast %parallel_loop3A_174 : i32 to index
      %parallel_loop3A_228 = arith.constant 64 : index
      %parallel_loop3A_229 = tpu.vector_load %arg7[%parallel_loop3A_227, %parallel_loop3A_228] {strides = array<i32>} : memref<32x512xi32, #tpu.memory_space<vmem>>, vector<1x16xi32>,
      %parallel_loop3A_230 = vector.shape_cast %parallel_loop3A_229 : vector<1x16xi32> to vector<16xi32>
      %parallel_loop3A_231 = arith.sitofp %parallel_loop3A_230 : vector<16xi32> to vector<16xf32>
      %parallel_loop3A_232 = arith.addf %parallel_loop3A_221, %parallel_loop3A_226 : vector<16xf32>
      %parallel_loop3A_233 = arith.addf %parallel_loop3A_222, %parallel_loop3A_231 : vector<16xf32>
      %parallel_loop3A_234 = arith.index_cast %parallel_loop3A_174 : i32 to index
      %parallel_loop3A_235 = arith.constant 80 : index
      %parallel_loop3A_236 = tpu.vector_load %arg5[%parallel_loop3A_234, %parallel_loop3A_235] {strides = array<i32>} : memref<32x512xf32, #tpu.memory_space<vmem>>, vector<1x16xf32>,
      %parallel_loop3A_237 = vector.shape_cast %parallel_loop3A_236 : vector<1x16xf32> to vector<16xf32>
      %parallel_loop3A_238 = arith.index_cast %parallel_loop3A_174 : i32 to index
      %parallel_loop3A_239 = arith.constant 80 : index
      %parallel_loop3A_240 = tpu.vector_load %arg7[%parallel_loop3A_238, %parallel_loop3A_239] {strides = array<i32>} : memref<32x512xi32, #tpu.memory_space<vmem>>, vector<1x16xi32>,
      %parallel_loop3A_241 = vector.shape_cast %parallel_loop3A_240 : vector<1x16xi32> to vector<16xi32>
      %parallel_loop3A_242 = arith.sitofp %parallel_loop3A_241 : vector<16xi32> to vector<16xf32>
      %parallel_loop3A_243 = arith.addf %parallel_loop3A_232, %parallel_loop3A_237 : vector<16xf32>
      %parallel_loop3A_244 = arith.addf %parallel_loop3A_233, %parallel_loop3A_242 : vector<16xf32>
      %parallel_loop3A_245 = arith.index_cast %parallel_loop3A_174 : i32 to index
      %parallel_loop3A_246 = arith.constant 96 : index
      %parallel_loop3A_247 = tpu.vector_load %arg5[%parallel_loop3A_245, %parallel_loop3A_246] {strides = array<i32>} : memref<32x512xf32, #tpu.memory_space<vmem>>, vector<1x16xf32>,
      %parallel_loop3A_248 = vector.shape_cast %parallel_loop3A_247 : vector<1x16xf32> to vector<16xf32>
      %parallel_loop3A_249 = arith.index_cast %parallel_loop3A_174 : i32 to index
      %parallel_loop3A_250 = arith.constant 96 : index
      %parallel_loop3A_251 = tpu.vector_load %arg7[%parallel_loop3A_249, %parallel_loop3A_250] {strides = array<i32>} : memref<32x512xi32, #tpu.memory_space<vmem>>, vector<1x16xi32>,
      %parallel_loop3A_252 = vector.shape_cast %parallel_loop3A_251 : vector<1x16xi32> to vector<16xi32>
      %parallel_loop3A_253 = arith.sitofp %parallel_loop3A_252 : vector<16xi32> to vector<16xf32>
      %parallel_loop3A_254 = arith.addf %parallel_loop3A_243, %parallel_loop3A_248 : vector<16xf32>
      %parallel_loop3A_255 = arith.addf %parallel_loop3A_244, %parallel_loop3A_253 : vector<16xf32>
      %parallel_loop3A_256 = arith.index_cast %parallel_loop3A_174 : i32 to index
      %parallel_loop3A_257 = arith.constant 112 : index
      %parallel_loop3A_258 = tpu.vector_load %arg5[%parallel_loop3A_256, %parallel_loop3A_257] {strides = array<i32>} : memref<32x512xf32, #tpu.memory_space<vmem>>, vector<1x16xf32>,
      %parallel_loop3A_259 = vector.shape_cast %parallel_loop3A_258 : vector<1x16xf32> to vector<16xf32>
      %parallel_loop3A_260 = arith.index_cast %parallel_loop3A_174 : i32 to index
      %parallel_loop3A_261 = arith.constant 112 : index
      %parallel_loop3A_262 = tpu.vector_load %arg7[%parallel_loop3A_260, %parallel_loop3A_261] {strides = array<i32>} : memref<32x512xi32, #tpu.memory_space<vmem>>, vector<1x16xi32>,
      %parallel_loop3A_263 = vector.shape_cast %parallel_loop3A_262 : vector<1x16xi32> to vector<16xi32>
      %parallel_loop3A_264 = arith.sitofp %parallel_loop3A_263 : vector<16xi32> to vector<16xf32>
      %parallel_loop3A_265 = arith.addf %parallel_loop3A_254, %parallel_loop3A_259 : vector<16xf32>
      %parallel_loop3A_266 = arith.addf %parallel_loop3A_255, %parallel_loop3A_264 : vector<16xf32>
      %parallel_loop3A_267 = arith.index_cast %parallel_loop3A_174 : i32 to index
      %parallel_loop3A_268 = arith.constant 128 : index
      %parallel_loop3A_269 = tpu.vector_load %arg5[%parallel_loop3A_267, %parallel_loop3A_268] {strides = array<i32>} : memref<32x512xf32, #tpu.memory_space<vmem>>, vector<1x16xf32>,
      %parallel_loop3A_270 = vector.shape_cast %parallel_loop3A_269 : vector<1x16xf32> to vector<16xf32>
      %parallel_loop3A_271 = arith.index_cast %parallel_loop3A_174 : i32 to index
      %parallel_loop3A_272 = arith.constant 128 : index
      %parallel_loop3A_273 = tpu.vector_load %arg7[%parallel_loop3A_271, %parallel_loop3A_272] {strides = array<i32>} : memref<32x512xi32, #tpu.memory_space<vmem>>, vector<1x16xi32>,
      %parallel_loop3A_274 = vector.shape_cast %parallel_loop3A_273 : vector<1x16xi32> to vector<16xi32>
      %parallel_loop3A_275 = arith.sitofp %parallel_loop3A_274 : vector<16xi32> to vector<16xf32>
      %parallel_loop3A_276 = arith.addf %parallel_loop3A_265, %parallel_loop3A_270 : vector<16xf32>
      %parallel_loop3A_277 = arith.addf %parallel_loop3A_266, %parallel_loop3A_275 : vector<16xf32>
      %parallel_loop3A_278 = arith.index_cast %parallel_loop3A_174 : i32 to index
      %parallel_loop3A_279 = arith.constant 144 : index
      %parallel_loop3A_280 = tpu.vector_load %arg5[%parallel_loop3A_278, %parallel_loop3A_279] {strides = array<i32>} : memref<32x512xf32, #tpu.memory_space<vmem>>, vector<1x16xf32>,
      %parallel_loop3A_281 = vector.shape_cast %parallel_loop3A_280 : vector<1x16xf32> to vector<16xf32>
      %parallel_loop3A_282 = arith.index_cast %parallel_loop3A_174 : i32 to index
      %parallel_loop3A_283 = arith.constant 144 : index
      %parallel_loop3A_284 = tpu.vector_load %arg7[%parallel_loop3A_282, %parallel_loop3A_283] {strides = array<i32>} : memref<32x512xi32, #tpu.memory_space<vmem>>, vector<1x16xi32>,
      %parallel_loop3A_285 = vector.shape_cast %parallel_loop3A_284 : vector<1x16xi32> to vector<16xi32>
      %parallel_loop3A_286 = arith.sitofp %parallel_loop3A_285 : vector<16xi32> to vector<16xf32>
      %parallel_loop3A_287 = arith.addf %parallel_loop3A_276, %parallel_loop3A_281 : vector<16xf32>
      %parallel_loop3A_288 = arith.addf %parallel_loop3A_277, %parallel_loop3A_286 : vector<16xf32>
      %parallel_loop3A_289 = arith.index_cast %parallel_loop3A_174 : i32 to index
      %parallel_loop3A_290 = arith.constant 160 : index
      %parallel_loop3A_291 = tpu.vector_load %arg5[%parallel_loop3A_289, %parallel_loop3A_290] {strides = array<i32>} : memref<32x512xf32, #tpu.memory_space<vmem>>, vector<1x16xf32>,
      %parallel_loop3A_292 = vector.shape_cast %parallel_loop3A_291 : vector<1x16xf32> to vector<16xf32>
      %parallel_loop3A_293 = arith.index_cast %parallel_loop3A_174 : i32 to index
      %parallel_loop3A_294 = arith.constant 160 : index
      %parallel_loop3A_295 = tpu.vector_load %arg7[%parallel_loop3A_293, %parallel_loop3A_294] {strides = array<i32>} : memref<32x512xi32, #tpu.memory_space<vmem>>, vector<1x16xi32>,
      %parallel_loop3A_296 = vector.shape_cast %parallel_loop3A_295 : vector<1x16xi32> to vector<16xi32>
      %parallel_loop3A_297 = arith.sitofp %parallel_loop3A_296 : vector<16xi32> to vector<16xf32>
      %parallel_loop3A_298 = arith.addf %parallel_loop3A_287, %parallel_loop3A_292 : vector<16xf32>
      %parallel_loop3A_299 = arith.addf %parallel_loop3A_288, %parallel_loop3A_297 : vector<16xf32>
      %parallel_loop3A_300 = arith.index_cast %parallel_loop3A_174 : i32 to index
      %parallel_loop3A_301 = arith.constant 176 : index
      %parallel_loop3A_302 = tpu.vector_load %arg5[%parallel_loop3A_300, %parallel_loop3A_301] {strides = array<i32>} : memref<32x512xf32, #tpu.memory_space<vmem>>, vector<1x16xf32>,
      %parallel_loop3A_303 = vector.shape_cast %parallel_loop3A_302 : vector<1x16xf32> to vector<16xf32>
      %parallel_loop3A_304 = arith.index_cast %parallel_loop3A_174 : i32 to index
      %parallel_loop3A_305 = arith.constant 176 : index
      %parallel_loop3A_306 = tpu.vector_load %arg7[%parallel_loop3A_304, %parallel_loop3A_305] {strides = array<i32>} : memref<32x512xi32, #tpu.memory_space<vmem>>, vector<1x16xi32>,
      %parallel_loop3A_307 = vector.shape_cast %parallel_loop3A_306 : vector<1x16xi32> to vector<16xi32>
      %parallel_loop3A_308 = arith.sitofp %parallel_loop3A_307 : vector<16xi32> to vector<16xf32>
      %parallel_loop3A_309 = arith.addf %parallel_loop3A_298, %parallel_loop3A_303 : vector<16xf32>
      %parallel_loop3A_310 = arith.addf %parallel_loop3A_299, %parallel_loop3A_308 : vector<16xf32>
      %parallel_loop3A_311 = arith.index_cast %parallel_loop3A_174 : i32 to index
      %parallel_loop3A_312 = arith.constant 192 : index
      %parallel_loop3A_313 = tpu.vector_load %arg5[%parallel_loop3A_311, %parallel_loop3A_312] {strides = array<i32>} : memref<32x512xf32, #tpu.memory_space<vmem>>, vector<1x16xf32>,
      %parallel_loop3A_314 = vector.shape_cast %parallel_loop3A_313 : vector<1x16xf32> to vector<16xf32>
      %parallel_loop3A_315 = arith.index_cast %parallel_loop3A_174 : i32 to index
      %parallel_loop3A_316 = arith.constant 192 : index
      %parallel_loop3A_317 = tpu.vector_load %arg7[%parallel_loop3A_315, %parallel_loop3A_316] {strides = array<i32>} : memref<32x512xi32, #tpu.memory_space<vmem>>, vector<1x16xi32>,
      %parallel_loop3A_318 = vector.shape_cast %parallel_loop3A_317 : vector<1x16xi32> to vector<16xi32>
      %parallel_loop3A_319 = arith.sitofp %parallel_loop3A_318 : vector<16xi32> to vector<16xf32>
      %parallel_loop3A_320 = arith.addf %parallel_loop3A_309, %parallel_loop3A_314 : vector<16xf32>
      %parallel_loop3A_321 = arith.addf %parallel_loop3A_310, %parallel_loop3A_319 : vector<16xf32>
      %parallel_loop3A_322 = arith.index_cast %parallel_loop3A_174 : i32 to index
      %parallel_loop3A_323 = arith.constant 208 : index
      %parallel_loop3A_324 = tpu.vector_load %arg5[%parallel_loop3A_322, %parallel_loop3A_323] {strides = array<i32>} : memref<32x512xf32, #tpu.memory_space<vmem>>, vector<1x16xf32>,
      %parallel_loop3A_325 = vector.shape_cast %parallel_loop3A_324 : vector<1x16xf32> to vector<16xf32>
      %parallel_loop3A_326 = arith.index_cast %parallel_loop3A_174 : i32 to index
      %parallel_loop3A_327 = arith.constant 208 : index
      %parallel_loop3A_328 = tpu.vector_load %arg7[%parallel_loop3A_326, %parallel_loop3A_327] {strides = array<i32>} : memref<32x512xi32, #tpu.memory_space<vmem>>, vector<1x16xi32>,
      %parallel_loop3A_329 = vector.shape_cast %parallel_loop3A_328 : vector<1x16xi32> to vector<16xi32>
      %parallel_loop3A_330 = arith.sitofp %parallel_loop3A_329 : vector<16xi32> to vector<16xf32>
      %parallel_loop3A_331 = arith.addf %parallel_loop3A_320, %parallel_loop3A_325 : vector<16xf32>
      %parallel_loop3A_332 = arith.addf %parallel_loop3A_321, %parallel_loop3A_330 : vector<16xf32>
      %parallel_loop3A_333 = arith.index_cast %parallel_loop3A_174 : i32 to index
      %parallel_loop3A_334 = arith.constant 224 : index
      %parallel_loop3A_335 = tpu.vector_load %arg5[%parallel_loop3A_333, %parallel_loop3A_334] {strides = array<i32>} : memref<32x512xf32, #tpu.memory_space<vmem>>, vector<1x16xf32>,
      %parallel_loop3A_336 = vector.shape_cast %parallel_loop3A_335 : vector<1x16xf32> to vector<16xf32>
      %parallel_loop3A_337 = arith.index_cast %parallel_loop3A_174 : i32 to index
      %parallel_loop3A_338 = arith.constant 224 : index
      %parallel_loop3A_339 = tpu.vector_load %arg7[%parallel_loop3A_337, %parallel_loop3A_338] {strides = array<i32>} : memref<32x512xi32, #tpu.memory_space<vmem>>, vector<1x16xi32>,
      %parallel_loop3A_340 = vector.shape_cast %parallel_loop3A_339 : vector<1x16xi32> to vector<16xi32>
      %parallel_loop3A_341 = arith.sitofp %parallel_loop3A_340 : vector<16xi32> to vector<16xf32>
      %parallel_loop3A_342 = arith.addf %parallel_loop3A_331, %parallel_loop3A_336 : vector<16xf32>
      %parallel_loop3A_343 = arith.addf %parallel_loop3A_332, %parallel_loop3A_341 : vector<16xf32>
      %parallel_loop3A_344 = arith.index_cast %parallel_loop3A_174 : i32 to index
      %parallel_loop3A_345 = arith.constant 240 : index
      %parallel_loop3A_346 = tpu.vector_load %arg5[%parallel_loop3A_344, %parallel_loop3A_345] {strides = array<i32>} : memref<32x512xf32, #tpu.memory_space<vmem>>, vector<1x16xf32>,
      %parallel_loop3A_347 = vector.shape_cast %parallel_loop3A_346 : vector<1x16xf32> to vector<16xf32>
      %parallel_loop3A_348 = arith.index_cast %parallel_loop3A_174 : i32 to index
      %parallel_loop3A_349 = arith.constant 240 : index
      %parallel_loop3A_350 = tpu.vector_load %arg7[%parallel_loop3A_348, %parallel_loop3A_349] {strides = array<i32>} : memref<32x512xi32, #tpu.memory_space<vmem>>, vector<1x16xi32>,
      %parallel_loop3A_351 = vector.shape_cast %parallel_loop3A_350 : vector<1x16xi32> to vector<16xi32>
      %parallel_loop3A_352 = arith.sitofp %parallel_loop3A_351 : vector<16xi32> to vector<16xf32>
      %parallel_loop3A_353 = arith.addf %parallel_loop3A_342, %parallel_loop3A_347 : vector<16xf32>
      %parallel_loop3A_354 = arith.addf %parallel_loop3A_343, %parallel_loop3A_352 : vector<16xf32>
      %parallel_loop3A_355 = arith.index_cast %parallel_loop3A_174 : i32 to index
      %parallel_loop3A_356 = arith.constant 256 : index
      %parallel_loop3A_357 = tpu.vector_load %arg5[%parallel_loop3A_355, %parallel_loop3A_356] {strides = array<i32>} : memref<32x512xf32, #tpu.memory_space<vmem>>, vector<1x16xf32>,
      %parallel_loop3A_358 = vector.shape_cast %parallel_loop3A_357 : vector<1x16xf32> to vector<16xf32>
      %parallel_loop3A_359 = arith.index_cast %parallel_loop3A_174 : i32 to index
      %parallel_loop3A_360 = arith.constant 256 : index
      %parallel_loop3A_361 = tpu.vector_load %arg7[%parallel_loop3A_359, %parallel_loop3A_360] {strides = array<i32>} : memref<32x512xi32, #tpu.memory_space<vmem>>, vector<1x16xi32>,
      %parallel_loop3A_362 = vector.shape_cast %parallel_loop3A_361 : vector<1x16xi32> to vector<16xi32>
      %parallel_loop3A_363 = arith.sitofp %parallel_loop3A_362 : vector<16xi32> to vector<16xf32>
      %parallel_loop3A_364 = arith.addf %parallel_loop3A_353, %parallel_loop3A_358 : vector<16xf32>
      %parallel_loop3A_365 = arith.addf %parallel_loop3A_354, %parallel_loop3A_363 : vector<16xf32>
      %parallel_loop3A_366 = arith.index_cast %parallel_loop3A_174 : i32 to index
      %parallel_loop3A_367 = arith.constant 272 : index
      %parallel_loop3A_368 = tpu.vector_load %arg5[%parallel_loop3A_366, %parallel_loop3A_367] {strides = array<i32>} : memref<32x512xf32, #tpu.memory_space<vmem>>, vector<1x16xf32>,
      %parallel_loop3A_369 = vector.shape_cast %parallel_loop3A_368 : vector<1x16xf32> to vector<16xf32>
      %parallel_loop3A_370 = arith.index_cast %parallel_loop3A_174 : i32 to index
      %parallel_loop3A_371 = arith.constant 272 : index
      %parallel_loop3A_372 = tpu.vector_load %arg7[%parallel_loop3A_370, %parallel_loop3A_371] {strides = array<i32>} : memref<32x512xi32, #tpu.memory_space<vmem>>, vector<1x16xi32>,
      %parallel_loop3A_373 = vector.shape_cast %parallel_loop3A_372 : vector<1x16xi32> to vector<16xi32>
      %parallel_loop3A_374 = arith.sitofp %parallel_loop3A_373 : vector<16xi32> to vector<16xf32>
      %parallel_loop3A_375 = arith.addf %parallel_loop3A_364, %parallel_loop3A_369 : vector<16xf32>
      %parallel_loop3A_376 = arith.addf %parallel_loop3A_365, %parallel_loop3A_374 : vector<16xf32>
      %parallel_loop3A_377 = arith.index_cast %parallel_loop3A_174 : i32 to index
      %parallel_loop3A_378 = arith.constant 288 : index
      %parallel_loop3A_379 = tpu.vector_load %arg5[%parallel_loop3A_377, %parallel_loop3A_378] {strides = array<i32>} : memref<32x512xf32, #tpu.memory_space<vmem>>, vector<1x16xf32>,
      %parallel_loop3A_380 = vector.shape_cast %parallel_loop3A_379 : vector<1x16xf32> to vector<16xf32>
      %parallel_loop3A_381 = arith.index_cast %parallel_loop3A_174 : i32 to index
      %parallel_loop3A_382 = arith.constant 288 : index
      %parallel_loop3A_383 = tpu.vector_load %arg7[%parallel_loop3A_381, %parallel_loop3A_382] {strides = array<i32>} : memref<32x512xi32, #tpu.memory_space<vmem>>, vector<1x16xi32>,
      %parallel_loop3A_384 = vector.shape_cast %parallel_loop3A_383 : vector<1x16xi32> to vector<16xi32>
      %parallel_loop3A_385 = arith.sitofp %parallel_loop3A_384 : vector<16xi32> to vector<16xf32>
      %parallel_loop3A_386 = arith.addf %parallel_loop3A_375, %parallel_loop3A_380 : vector<16xf32>
      %parallel_loop3A_387 = arith.addf %parallel_loop3A_376, %parallel_loop3A_385 : vector<16xf32>
      %parallel_loop3A_388 = arith.index_cast %parallel_loop3A_174 : i32 to index
      %parallel_loop3A_389 = arith.constant 304 : index
      %parallel_loop3A_390 = tpu.vector_load %arg5[%parallel_loop3A_388, %parallel_loop3A_389] {strides = array<i32>} : memref<32x512xf32, #tpu.memory_space<vmem>>, vector<1x16xf32>,
      %parallel_loop3A_391 = vector.shape_cast %parallel_loop3A_390 : vector<1x16xf32> to vector<16xf32>
      %parallel_loop3A_392 = arith.index_cast %parallel_loop3A_174 : i32 to index
      %parallel_loop3A_393 = arith.constant 304 : index
      %parallel_loop3A_394 = tpu.vector_load %arg7[%parallel_loop3A_392, %parallel_loop3A_393] {strides = array<i32>} : memref<32x512xi32, #tpu.memory_space<vmem>>, vector<1x16xi32>,
      %parallel_loop3A_395 = vector.shape_cast %parallel_loop3A_394 : vector<1x16xi32> to vector<16xi32>
      %parallel_loop3A_396 = arith.sitofp %parallel_loop3A_395 : vector<16xi32> to vector<16xf32>
      %parallel_loop3A_397 = arith.addf %parallel_loop3A_386, %parallel_loop3A_391 : vector<16xf32>
      %parallel_loop3A_398 = arith.addf %parallel_loop3A_387, %parallel_loop3A_396 : vector<16xf32>
      %parallel_loop3A_399 = arith.index_cast %parallel_loop3A_174 : i32 to index
      %parallel_loop3A_400 = arith.constant 320 : index
      %parallel_loop3A_401 = tpu.vector_load %arg5[%parallel_loop3A_399, %parallel_loop3A_400] {strides = array<i32>} : memref<32x512xf32, #tpu.memory_space<vmem>>, vector<1x16xf32>,
      %parallel_loop3A_402 = vector.shape_cast %parallel_loop3A_401 : vector<1x16xf32> to vector<16xf32>
      %parallel_loop3A_403 = arith.index_cast %parallel_loop3A_174 : i32 to index
      %parallel_loop3A_404 = arith.constant 320 : index
      %parallel_loop3A_405 = tpu.vector_load %arg7[%parallel_loop3A_403, %parallel_loop3A_404] {strides = array<i32>} : memref<32x512xi32, #tpu.memory_space<vmem>>, vector<1x16xi32>,
      %parallel_loop3A_406 = vector.shape_cast %parallel_loop3A_405 : vector<1x16xi32> to vector<16xi32>
      %parallel_loop3A_407 = arith.sitofp %parallel_loop3A_406 : vector<16xi32> to vector<16xf32>
      %parallel_loop3A_408 = arith.addf %parallel_loop3A_397, %parallel_loop3A_402 : vector<16xf32>
      %parallel_loop3A_409 = arith.addf %parallel_loop3A_398, %parallel_loop3A_407 : vector<16xf32>
      %parallel_loop3A_410 = arith.index_cast %parallel_loop3A_174 : i32 to index
      %parallel_loop3A_411 = arith.constant 336 : index
      %parallel_loop3A_412 = tpu.vector_load %arg5[%parallel_loop3A_410, %parallel_loop3A_411] {strides = array<i32>} : memref<32x512xf32, #tpu.memory_space<vmem>>, vector<1x16xf32>,
      %parallel_loop3A_413 = vector.shape_cast %parallel_loop3A_412 : vector<1x16xf32> to vector<16xf32>
      %parallel_loop3A_414 = arith.index_cast %parallel_loop3A_174 : i32 to index
      %parallel_loop3A_415 = arith.constant 336 : index
      %parallel_loop3A_416 = tpu.vector_load %arg7[%parallel_loop3A_414, %parallel_loop3A_415] {strides = array<i32>} : memref<32x512xi32, #tpu.memory_space<vmem>>, vector<1x16xi32>,
      %parallel_loop3A_417 = vector.shape_cast %parallel_loop3A_416 : vector<1x16xi32> to vector<16xi32>
      %parallel_loop3A_418 = arith.sitofp %parallel_loop3A_417 : vector<16xi32> to vector<16xf32>
      %parallel_loop3A_419 = arith.addf %parallel_loop3A_408, %parallel_loop3A_413 : vector<16xf32>
      %parallel_loop3A_420 = arith.addf %parallel_loop3A_409, %parallel_loop3A_418 : vector<16xf32>
      %parallel_loop3A_421 = arith.index_cast %parallel_loop3A_174 : i32 to index
      %parallel_loop3A_422 = arith.constant 352 : index
      %parallel_loop3A_423 = tpu.vector_load %arg5[%parallel_loop3A_421, %parallel_loop3A_422] {strides = array<i32>} : memref<32x512xf32, #tpu.memory_space<vmem>>, vector<1x16xf32>,
      %parallel_loop3A_424 = vector.shape_cast %parallel_loop3A_423 : vector<1x16xf32> to vector<16xf32>
      %parallel_loop3A_425 = arith.index_cast %parallel_loop3A_174 : i32 to index
      %parallel_loop3A_426 = arith.constant 352 : index
      %parallel_loop3A_427 = tpu.vector_load %arg7[%parallel_loop3A_425, %parallel_loop3A_426] {strides = array<i32>} : memref<32x512xi32, #tpu.memory_space<vmem>>, vector<1x16xi32>,
      %parallel_loop3A_428 = vector.shape_cast %parallel_loop3A_427 : vector<1x16xi32> to vector<16xi32>
      %parallel_loop3A_429 = arith.sitofp %parallel_loop3A_428 : vector<16xi32> to vector<16xf32>
      %parallel_loop3A_430 = arith.addf %parallel_loop3A_419, %parallel_loop3A_424 : vector<16xf32>
      %parallel_loop3A_431 = arith.addf %parallel_loop3A_420, %parallel_loop3A_429 : vector<16xf32>
      %parallel_loop3A_432 = arith.index_cast %parallel_loop3A_174 : i32 to index
      %parallel_loop3A_433 = arith.constant 368 : index
      %parallel_loop3A_434 = tpu.vector_load %arg5[%parallel_loop3A_432, %parallel_loop3A_433] {strides = array<i32>} : memref<32x512xf32, #tpu.memory_space<vmem>>, vector<1x16xf32>,
      %parallel_loop3A_435 = vector.shape_cast %parallel_loop3A_434 : vector<1x16xf32> to vector<16xf32>
      %parallel_loop3A_436 = arith.index_cast %parallel_loop3A_174 : i32 to index
      %parallel_loop3A_437 = arith.constant 368 : index
      %parallel_loop3A_438 = tpu.vector_load %arg7[%parallel_loop3A_436, %parallel_loop3A_437] {strides = array<i32>} : memref<32x512xi32, #tpu.memory_space<vmem>>, vector<1x16xi32>,
      %parallel_loop3A_439 = vector.shape_cast %parallel_loop3A_438 : vector<1x16xi32> to vector<16xi32>
      %parallel_loop3A_440 = arith.sitofp %parallel_loop3A_439 : vector<16xi32> to vector<16xf32>
      %parallel_loop3A_441 = arith.addf %parallel_loop3A_430, %parallel_loop3A_435 : vector<16xf32>
      %parallel_loop3A_442 = arith.addf %parallel_loop3A_431, %parallel_loop3A_440 : vector<16xf32>
      %parallel_loop3A_443 = arith.index_cast %parallel_loop3A_174 : i32 to index
      %parallel_loop3A_444 = arith.constant 384 : index
      %parallel_loop3A_445 = tpu.vector_load %arg5[%parallel_loop3A_443, %parallel_loop3A_444] {strides = array<i32>} : memref<32x512xf32, #tpu.memory_space<vmem>>, vector<1x16xf32>,
      %parallel_loop3A_446 = vector.shape_cast %parallel_loop3A_445 : vector<1x16xf32> to vector<16xf32>
      %parallel_loop3A_447 = arith.index_cast %parallel_loop3A_174 : i32 to index
      %parallel_loop3A_448 = arith.constant 384 : index
      %parallel_loop3A_449 = tpu.vector_load %arg7[%parallel_loop3A_447, %parallel_loop3A_448] {strides = array<i32>} : memref<32x512xi32, #tpu.memory_space<vmem>>, vector<1x16xi32>,
      %parallel_loop3A_450 = vector.shape_cast %parallel_loop3A_449 : vector<1x16xi32> to vector<16xi32>
      %parallel_loop3A_451 = arith.sitofp %parallel_loop3A_450 : vector<16xi32> to vector<16xf32>
      %parallel_loop3A_452 = arith.addf %parallel_loop3A_441, %parallel_loop3A_446 : vector<16xf32>
      %parallel_loop3A_453 = arith.addf %parallel_loop3A_442, %parallel_loop3A_451 : vector<16xf32>
      %parallel_loop3A_454 = arith.index_cast %parallel_loop3A_174 : i32 to index
      %parallel_loop3A_455 = arith.constant 400 : index
      %parallel_loop3A_456 = tpu.vector_load %arg5[%parallel_loop3A_454, %parallel_loop3A_455] {strides = array<i32>} : memref<32x512xf32, #tpu.memory_space<vmem>>, vector<1x16xf32>,
      %parallel_loop3A_457 = vector.shape_cast %parallel_loop3A_456 : vector<1x16xf32> to vector<16xf32>
      %parallel_loop3A_458 = arith.index_cast %parallel_loop3A_174 : i32 to index
      %parallel_loop3A_459 = arith.constant 400 : index
      %parallel_loop3A_460 = tpu.vector_load %arg7[%parallel_loop3A_458, %parallel_loop3A_459] {strides = array<i32>} : memref<32x512xi32, #tpu.memory_space<vmem>>, vector<1x16xi32>,
      %parallel_loop3A_461 = vector.shape_cast %parallel_loop3A_460 : vector<1x16xi32> to vector<16xi32>
      %parallel_loop3A_462 = arith.sitofp %parallel_loop3A_461 : vector<16xi32> to vector<16xf32>
      %parallel_loop3A_463 = arith.addf %parallel_loop3A_452, %parallel_loop3A_457 : vector<16xf32>
      %parallel_loop3A_464 = arith.addf %parallel_loop3A_453, %parallel_loop3A_462 : vector<16xf32>
      %parallel_loop3A_465 = arith.index_cast %parallel_loop3A_174 : i32 to index
      %parallel_loop3A_466 = arith.constant 416 : index
      %parallel_loop3A_467 = tpu.vector_load %arg5[%parallel_loop3A_465, %parallel_loop3A_466] {strides = array<i32>} : memref<32x512xf32, #tpu.memory_space<vmem>>, vector<1x16xf32>,
      %parallel_loop3A_468 = vector.shape_cast %parallel_loop3A_467 : vector<1x16xf32> to vector<16xf32>
      %parallel_loop3A_469 = arith.index_cast %parallel_loop3A_174 : i32 to index
      %parallel_loop3A_470 = arith.constant 416 : index
      %parallel_loop3A_471 = tpu.vector_load %arg7[%parallel_loop3A_469, %parallel_loop3A_470] {strides = array<i32>} : memref<32x512xi32, #tpu.memory_space<vmem>>, vector<1x16xi32>,
      %parallel_loop3A_472 = vector.shape_cast %parallel_loop3A_471 : vector<1x16xi32> to vector<16xi32>
      %parallel_loop3A_473 = arith.sitofp %parallel_loop3A_472 : vector<16xi32> to vector<16xf32>
      %parallel_loop3A_474 = arith.addf %parallel_loop3A_463, %parallel_loop3A_468 : vector<16xf32>
      %parallel_loop3A_475 = arith.addf %parallel_loop3A_464, %parallel_loop3A_473 : vector<16xf32>
      %parallel_loop3A_476 = arith.index_cast %parallel_loop3A_174 : i32 to index
      %parallel_loop3A_477 = arith.constant 432 : index
      %parallel_loop3A_478 = tpu.vector_load %arg5[%parallel_loop3A_476, %parallel_loop3A_477] {strides = array<i32>} : memref<32x512xf32, #tpu.memory_space<vmem>>, vector<1x16xf32>,
      %parallel_loop3A_479 = vector.shape_cast %parallel_loop3A_478 : vector<1x16xf32> to vector<16xf32>
      %parallel_loop3A_480 = arith.index_cast %parallel_loop3A_174 : i32 to index
      %parallel_loop3A_481 = arith.constant 432 : index
      %parallel_loop3A_482 = tpu.vector_load %arg7[%parallel_loop3A_480, %parallel_loop3A_481] {strides = array<i32>} : memref<32x512xi32, #tpu.memory_space<vmem>>, vector<1x16xi32>,
      %parallel_loop3A_483 = vector.shape_cast %parallel_loop3A_482 : vector<1x16xi32> to vector<16xi32>
      %parallel_loop3A_484 = arith.sitofp %parallel_loop3A_483 : vector<16xi32> to vector<16xf32>
      %parallel_loop3A_485 = arith.addf %parallel_loop3A_474, %parallel_loop3A_479 : vector<16xf32>
      %parallel_loop3A_486 = arith.addf %parallel_loop3A_475, %parallel_loop3A_484 : vector<16xf32>
      %parallel_loop3A_487 = arith.index_cast %parallel_loop3A_174 : i32 to index
      %parallel_loop3A_488 = arith.constant 448 : index
      %parallel_loop3A_489 = tpu.vector_load %arg5[%parallel_loop3A_487, %parallel_loop3A_488] {strides = array<i32>} : memref<32x512xf32, #tpu.memory_space<vmem>>, vector<1x16xf32>,
      %parallel_loop3A_490 = vector.shape_cast %parallel_loop3A_489 : vector<1x16xf32> to vector<16xf32>
      %parallel_loop3A_491 = arith.index_cast %parallel_loop3A_174 : i32 to index
      %parallel_loop3A_492 = arith.constant 448 : index
      %parallel_loop3A_493 = tpu.vector_load %arg7[%parallel_loop3A_491, %parallel_loop3A_492] {strides = array<i32>} : memref<32x512xi32, #tpu.memory_space<vmem>>, vector<1x16xi32>,
      %parallel_loop3A_494 = vector.shape_cast %parallel_loop3A_493 : vector<1x16xi32> to vector<16xi32>
      %parallel_loop3A_495 = arith.sitofp %parallel_loop3A_494 : vector<16xi32> to vector<16xf32>
      %parallel_loop3A_496 = arith.addf %parallel_loop3A_485, %parallel_loop3A_490 : vector<16xf32>
      %parallel_loop3A_497 = arith.addf %parallel_loop3A_486, %parallel_loop3A_495 : vector<16xf32>
      %parallel_loop3A_498 = arith.index_cast %parallel_loop3A_174 : i32 to index
      %parallel_loop3A_499 = arith.constant 464 : index
      %parallel_loop3A_500 = tpu.vector_load %arg5[%parallel_loop3A_498, %parallel_loop3A_499] {strides = array<i32>} : memref<32x512xf32, #tpu.memory_space<vmem>>, vector<1x16xf32>,
      %parallel_loop3A_501 = vector.shape_cast %parallel_loop3A_500 : vector<1x16xf32> to vector<16xf32>
      %parallel_loop3A_502 = arith.index_cast %parallel_loop3A_174 : i32 to index
      %parallel_loop3A_503 = arith.constant 464 : index
      %parallel_loop3A_504 = tpu.vector_load %arg7[%parallel_loop3A_502, %parallel_loop3A_503] {strides = array<i32>} : memref<32x512xi32, #tpu.memory_space<vmem>>, vector<1x16xi32>,
      %parallel_loop3A_505 = vector.shape_cast %parallel_loop3A_504 : vector<1x16xi32> to vector<16xi32>
      %parallel_loop3A_506 = arith.sitofp %parallel_loop3A_505 : vector<16xi32> to vector<16xf32>
      %parallel_loop3A_507 = arith.addf %parallel_loop3A_496, %parallel_loop3A_501 : vector<16xf32>
      %parallel_loop3A_508 = arith.addf %parallel_loop3A_497, %parallel_loop3A_506 : vector<16xf32>
      %parallel_loop3A_509 = arith.index_cast %parallel_loop3A_174 : i32 to index
      %parallel_loop3A_510 = arith.constant 480 : index
      %parallel_loop3A_511 = tpu.vector_load %arg5[%parallel_loop3A_509, %parallel_loop3A_510] {strides = array<i32>} : memref<32x512xf32, #tpu.memory_space<vmem>>, vector<1x16xf32>,
      %parallel_loop3A_512 = vector.shape_cast %parallel_loop3A_511 : vector<1x16xf32> to vector<16xf32>
      %parallel_loop3A_513 = arith.index_cast %parallel_loop3A_174 : i32 to index
      %parallel_loop3A_514 = arith.constant 480 : index
      %parallel_loop3A_515 = tpu.vector_load %arg7[%parallel_loop3A_513, %parallel_loop3A_514] {strides = array<i32>} : memref<32x512xi32, #tpu.memory_space<vmem>>, vector<1x16xi32>,
      %parallel_loop3A_516 = vector.shape_cast %parallel_loop3A_515 : vector<1x16xi32> to vector<16xi32>
      %parallel_loop3A_517 = arith.sitofp %parallel_loop3A_516 : vector<16xi32> to vector<16xf32>
      %parallel_loop3A_518 = arith.addf %parallel_loop3A_507, %parallel_loop3A_512 : vector<16xf32>
      %parallel_loop3A_519 = arith.addf %parallel_loop3A_508, %parallel_loop3A_517 : vector<16xf32>
      %parallel_loop3A_520 = arith.index_cast %parallel_loop3A_174 : i32 to index
      %parallel_loop3A_521 = arith.constant 496 : index
      %parallel_loop3A_522 = tpu.vector_load %arg5[%parallel_loop3A_520, %parallel_loop3A_521] {strides = array<i32>} : memref<32x512xf32, #tpu.memory_space<vmem>>, vector<1x16xf32>,
      %parallel_loop3A_523 = vector.shape_cast %parallel_loop3A_522 : vector<1x16xf32> to vector<16xf32>
      %parallel_loop3A_524 = arith.index_cast %parallel_loop3A_174 : i32 to index
      %parallel_loop3A_525 = arith.constant 496 : index
      %parallel_loop3A_526 = tpu.vector_load %arg7[%parallel_loop3A_524, %parallel_loop3A_525] {strides = array<i32>} : memref<32x512xi32, #tpu.memory_space<vmem>>, vector<1x16xi32>,
      %parallel_loop3A_527 = vector.shape_cast %parallel_loop3A_526 : vector<1x16xi32> to vector<16xi32>
      %parallel_loop3A_528 = arith.sitofp %parallel_loop3A_527 : vector<16xi32> to vector<16xf32>
      %parallel_loop3A_529 = arith.addf %parallel_loop3A_518, %parallel_loop3A_523 : vector<16xf32>
      %parallel_loop3A_530 = arith.addf %parallel_loop3A_519, %parallel_loop3A_528 : vector<16xf32>
      scf.yield %parallel_loop3A_529, %parallel_loop3A_176, %parallel_loop3A_530, %parallel_loop3A_178 : vector<16xf32>, vector<16xf32>, vector<16xf32>, vector<16xf32>
    } {sc.loop_unroll_factor = 2 : i64, sc.parallel_access}
    %add3A_79 = arith.constant 64 : i32
    %add3A_80 = arith.addi %mul3A_32, %add3A_79 : i32
    %dma_start3A_81 = arith.constant 0 : i32
    %dma_start3A_82 = tpu.memref_slice %arg2[%select_n3A, %add3A_80, %dma_start3A_81] : memref<32x512x512xf32, #tpu.memory_space<hbm>> -> memref<1x32x512xf32, #tpu.memory_space<hbm>>
    %dma_start3A_83 = tpu.memref_squeeze %dma_start3A_82 : memref<1x32x512xf32, #tpu.memory_space<hbm>> -> memref<32x512xf32, #tpu.memory_space<hbm>>
    %dma_start3A_84 = arith.constant 0 : i32
    %dma_start3A_85 = tpu.memref_slice %arg2[%select_n3A, %add3A_80, %dma_start3A_84] : memref<32x512x512xf32, #tpu.memory_space<hbm>> -> memref<1x32x512xf32, #tpu.memory_space<hbm>>
    %dma_start3A_86 = tpu.memref_squeeze %dma_start3A_85 : memref<1x32x512xf32, #tpu.memory_space<hbm>> -> memref<32x512xf32, #tpu.memory_space<hbm>>
    tpu.enqueue_dma source(%dma_start3A_86 : memref<32x512xf32, #tpu.memory_space<hbm>>) target(%arg5 : memref<32x512xf32, #tpu.memory_space<vmem>>) target_semaphore(%arg10 : memref<!tpu.dma_semaphore, #tpu.memory_space<semaphore_mem>>)
    %add3A_87 = arith.constant 64 : i32
    %add3A_88 = arith.addi %mul3A_32, %add3A_87 : i32
    %dma_start3A_89 = arith.constant 0 : i32
    %dma_start3A_90 = tpu.memref_slice %arg3[%select_n3A, %add3A_88, %dma_start3A_89] : memref<32x512x512xi32, #tpu.memory_space<hbm>> -> memref<1x32x512xi32, #tpu.memory_space<hbm>>
    %dma_start3A_91 = tpu.memref_squeeze %dma_start3A_90 : memref<1x32x512xi32, #tpu.memory_space<hbm>> -> memref<32x512xi32, #tpu.memory_space<hbm>>
    %dma_start3A_92 = arith.constant 0 : i32
    %dma_start3A_93 = tpu.memref_slice %arg3[%select_n3A, %add3A_88, %dma_start3A_92] : memref<32x512x512xi32, #tpu.memory_space<hbm>> -> memref<1x32x512xi32, #tpu.memory_space<hbm>>
    %dma_start3A_94 = tpu.memref_squeeze %dma_start3A_93 : memref<1x32x512xi32, #tpu.memory_space<hbm>> -> memref<32x512xi32, #tpu.memory_space<hbm>>
    tpu.enqueue_dma source(%dma_start3A_94 : memref<32x512xi32, #tpu.memory_space<hbm>>) target(%arg7 : memref<32x512xi32, #tpu.memory_space<vmem>>) target_semaphore(%arg10 : memref<!tpu.dma_semaphore, #tpu.memory_space<semaphore_mem>>)
    %dma_wait3A_95 = arith.constant 0 : i32
    %dma_wait3A_96 = tpu.memref_slice %arg2[%select_n3A, %add3A_50, %dma_wait3A_95] : memref<32x512x512xf32, #tpu.memory_space<hbm>> -> memref<1x32x512xf32, #tpu.memory_space<hbm>>
    %dma_wait3A_97 = tpu.memref_squeeze %dma_wait3A_96 : memref<1x32x512xf32, #tpu.memory_space<hbm>> -> memref<32x512xf32, #tpu.memory_space<hbm>>
    %dma_wait3A_98 = arith.constant 0 : i32
    %dma_wait3A_99 = tpu.memref_slice %arg2[%select_n3A, %add3A_50, %dma_wait3A_98] : memref<32x512x512xf32, #tpu.memory_space<hbm>> -> memref<1x32x512xf32, #tpu.memory_space<hbm>>
    %dma_wait3A_100 = tpu.memref_squeeze %dma_wait3A_99 : memref<1x32x512xf32, #tpu.memory_space<hbm>> -> memref<32x512xf32, #tpu.memory_space<hbm>>
    tpu.wait_dma2 semaphore(%arg11 : memref<!tpu.dma_semaphore, #tpu.memory_space<semaphore_mem>>) src(%dma_wait3A_100 : memref<32x512xf32, #tpu.memory_space<hbm>>) dst(%arg6 : memref<32x512xf32, #tpu.memory_space<vmem>>)
    %dma_wait3A_101 = arith.constant 0 : i32
    %dma_wait3A_102 = tpu.memref_slice %arg3[%select_n3A, %add3A_58, %dma_wait3A_101] : memref<32x512x512xi32, #tpu.memory_space<hbm>> -> memref<1x32x512xi32, #tpu.memory_space<hbm>>
    %dma_wait3A_103 = tpu.memref_squeeze %dma_wait3A_102 : memref<1x32x512xi32, #tpu.memory_space<hbm>> -> memref<32x512xi32, #tpu.memory_space<hbm>>
    %dma_wait3A_104 = arith.constant 0 : i32
    %dma_wait3A_105 = tpu.memref_slice %arg3[%select_n3A, %add3A_58, %dma_wait3A_104] : memref<32x512x512xi32, #tpu.memory_space<hbm>> -> memref<1x32x512xi32, #tpu.memory_space<hbm>>
    %dma_wait3A_106 = tpu.memref_squeeze %dma_wait3A_105 : memref<1x32x512xi32, #tpu.memory_space<hbm>> -> memref<32x512xi32, #tpu.memory_space<hbm>>
    tpu.wait_dma2 semaphore(%arg11 : memref<!tpu.dma_semaphore, #tpu.memory_space<semaphore_mem>>) src(%dma_wait3A_106 : memref<32x512xi32, #tpu.memory_space<hbm>>) dst(%arg8 : memref<32x512xi32, #tpu.memory_space<vmem>>)
    %parallel_loop3A_107 = arith.constant 0 : i32
    %parallel_loop3A_108 = arith.constant 32 : i32
    %parallel_loop3A_109 = arith.constant 1 : i32
    %parallel_loop3A_110:4 = scf.for %parallel_loop3A_174 = %parallel_loop3A_107 to %parallel_loop3A_108 step %parallel_loop3A_109 iter_args(%parallel_loop3A_175 = %parallel_loop3A_78#0, %parallel_loop3A_176 = %parallel_loop3A_78#1, %parallel_loop3A_177 = %parallel_loop3A_78#2, %parallel_loop3A_178 = %parallel_loop3A_78#3) -> (vector<16xf32>, vector<16xf32>, vector<16xf32>, vector<16xf32>)  : i32 {
      %parallel_loop3A_179 = arith.index_cast %parallel_loop3A_174 : i32 to index
      %parallel_loop3A_180 = arith.constant 0 : index
      %parallel_loop3A_181 = tpu.vector_load %arg6[%parallel_loop3A_179, %parallel_loop3A_180] {strides = array<i32>} : memref<32x512xf32, #tpu.memory_space<vmem>>, vector<1x16xf32>,
      %parallel_loop3A_182 = vector.shape_cast %parallel_loop3A_181 : vector<1x16xf32> to vector<16xf32>
      %parallel_loop3A_183 = arith.index_cast %parallel_loop3A_174 : i32 to index
      %parallel_loop3A_184 = arith.constant 0 : index
      %parallel_loop3A_185 = tpu.vector_load %arg8[%parallel_loop3A_183, %parallel_loop3A_184] {strides = array<i32>} : memref<32x512xi32, #tpu.memory_space<vmem>>, vector<1x16xi32>,
      %parallel_loop3A_186 = vector.shape_cast %parallel_loop3A_185 : vector<1x16xi32> to vector<16xi32>
      %parallel_loop3A_187 = arith.sitofp %parallel_loop3A_186 : vector<16xi32> to vector<16xf32>
      %parallel_loop3A_188 = arith.addf %parallel_loop3A_175, %parallel_loop3A_182 : vector<16xf32>
      %parallel_loop3A_189 = arith.addf %parallel_loop3A_177, %parallel_loop3A_187 : vector<16xf32>
      %parallel_loop3A_190 = arith.index_cast %parallel_loop3A_174 : i32 to index
      %parallel_loop3A_191 = arith.constant 16 : index
      %parallel_loop3A_192 = tpu.vector_load %arg6[%parallel_loop3A_190, %parallel_loop3A_191] {strides = array<i32>} : memref<32x512xf32, #tpu.memory_space<vmem>>, vector<1x16xf32>,
      %parallel_loop3A_193 = vector.shape_cast %parallel_loop3A_192 : vector<1x16xf32> to vector<16xf32>
      %parallel_loop3A_194 = arith.index_cast %parallel_loop3A_174 : i32 to index
      %parallel_loop3A_195 = arith.constant 16 : index
      %parallel_loop3A_196 = tpu.vector_load %arg8[%parallel_loop3A_194, %parallel_loop3A_195] {strides = array<i32>} : memref<32x512xi32, #tpu.memory_space<vmem>>, vector<1x16xi32>,
      %parallel_loop3A_197 = vector.shape_cast %parallel_loop3A_196 : vector<1x16xi32> to vector<16xi32>
      %parallel_loop3A_198 = arith.sitofp %parallel_loop3A_197 : vector<16xi32> to vector<16xf32>
      %parallel_loop3A_199 = arith.addf %parallel_loop3A_188, %parallel_loop3A_193 : vector<16xf32>
      %parallel_loop3A_200 = arith.addf %parallel_loop3A_189, %parallel_loop3A_198 : vector<16xf32>
      %parallel_loop3A_201 = arith.index_cast %parallel_loop3A_174 : i32 to index
      %parallel_loop3A_202 = arith.constant 32 : index
      %parallel_loop3A_203 = tpu.vector_load %arg6[%parallel_loop3A_201, %parallel_loop3A_202] {strides = array<i32>} : memref<32x512xf32, #tpu.memory_space<vmem>>, vector<1x16xf32>,
      %parallel_loop3A_204 = vector.shape_cast %parallel_loop3A_203 : vector<1x16xf32> to vector<16xf32>
      %parallel_loop3A_205 = arith.index_cast %parallel_loop3A_174 : i32 to index
      %parallel_loop3A_206 = arith.constant 32 : index
      %parallel_loop3A_207 = tpu.vector_load %arg8[%parallel_loop3A_205, %parallel_loop3A_206] {strides = array<i32>} : memref<32x512xi32, #tpu.memory_space<vmem>>, vector<1x16xi32>,
      %parallel_loop3A_208 = vector.shape_cast %parallel_loop3A_207 : vector<1x16xi32> to vector<16xi32>
      %parallel_loop3A_209 = arith.sitofp %parallel_loop3A_208 : vector<16xi32> to vector<16xf32>
      %parallel_loop3A_210 = arith.addf %parallel_loop3A_199, %parallel_loop3A_204 : vector<16xf32>
      %parallel_loop3A_211 = arith.addf %parallel_loop3A_200, %parallel_loop3A_209 : vector<16xf32>
      %parallel_loop3A_212 = arith.index_cast %parallel_loop3A_174 : i32 to index
      %parallel_loop3A_213 = arith.constant 48 : index
      %parallel_loop3A_214 = tpu.vector_load %arg6[%parallel_loop3A_212, %parallel_loop3A_213] {strides = array<i32>} : memref<32x512xf32, #tpu.memory_space<vmem>>, vector<1x16xf32>,
      %parallel_loop3A_215 = vector.shape_cast %parallel_loop3A_214 : vector<1x16xf32> to vector<16xf32>
      %parallel_loop3A_216 = arith.index_cast %parallel_loop3A_174 : i32 to index
      %parallel_loop3A_217 = arith.constant 48 : index
      %parallel_loop3A_218 = tpu.vector_load %arg8[%parallel_loop3A_216, %parallel_loop3A_217] {strides = array<i32>} : memref<32x512xi32, #tpu.memory_space<vmem>>, vector<1x16xi32>,
      %parallel_loop3A_219 = vector.shape_cast %parallel_loop3A_218 : vector<1x16xi32> to vector<16xi32>
      %parallel_loop3A_220 = arith.sitofp %parallel_loop3A_219 : vector<16xi32> to vector<16xf32>
      %parallel_loop3A_221 = arith.addf %parallel_loop3A_210, %parallel_loop3A_215 : vector<16xf32>
      %parallel_loop3A_222 = arith.addf %parallel_loop3A_211, %parallel_loop3A_220 : vector<16xf32>
      %parallel_loop3A_223 = arith.index_cast %parallel_loop3A_174 : i32 to index
      %parallel_loop3A_224 = arith.constant 64 : index
      %parallel_loop3A_225 = tpu.vector_load %arg6[%parallel_loop3A_223, %parallel_loop3A_224] {strides = array<i32>} : memref<32x512xf32, #tpu.memory_space<vmem>>, vector<1x16xf32>,
      %parallel_loop3A_226 = vector.shape_cast %parallel_loop3A_225 : vector<1x16xf32> to vector<16xf32>
      %parallel_loop3A_227 = arith.index_cast %parallel_loop3A_174 : i32 to index
      %parallel_loop3A_228 = arith.constant 64 : index
      %parallel_loop3A_229 = tpu.vector_load %arg8[%parallel_loop3A_227, %parallel_loop3A_228] {strides = array<i32>} : memref<32x512xi32, #tpu.memory_space<vmem>>, vector<1x16xi32>,
      %parallel_loop3A_230 = vector.shape_cast %parallel_loop3A_229 : vector<1x16xi32> to vector<16xi32>
      %parallel_loop3A_231 = arith.sitofp %parallel_loop3A_230 : vector<16xi32> to vector<16xf32>
      %parallel_loop3A_232 = arith.addf %parallel_loop3A_221, %parallel_loop3A_226 : vector<16xf32>
      %parallel_loop3A_233 = arith.addf %parallel_loop3A_222, %parallel_loop3A_231 : vector<16xf32>
      %parallel_loop3A_234 = arith.index_cast %parallel_loop3A_174 : i32 to index
      %parallel_loop3A_235 = arith.constant 80 : index
      %parallel_loop3A_236 = tpu.vector_load %arg6[%parallel_loop3A_234, %parallel_loop3A_235] {strides = array<i32>} : memref<32x512xf32, #tpu.memory_space<vmem>>, vector<1x16xf32>,
      %parallel_loop3A_237 = vector.shape_cast %parallel_loop3A_236 : vector<1x16xf32> to vector<16xf32>
      %parallel_loop3A_238 = arith.index_cast %parallel_loop3A_174 : i32 to index
      %parallel_loop3A_239 = arith.constant 80 : index
      %parallel_loop3A_240 = tpu.vector_load %arg8[%parallel_loop3A_238, %parallel_loop3A_239] {strides = array<i32>} : memref<32x512xi32, #tpu.memory_space<vmem>>, vector<1x16xi32>,
      %parallel_loop3A_241 = vector.shape_cast %parallel_loop3A_240 : vector<1x16xi32> to vector<16xi32>
      %parallel_loop3A_242 = arith.sitofp %parallel_loop3A_241 : vector<16xi32> to vector<16xf32>
      %parallel_loop3A_243 = arith.addf %parallel_loop3A_232, %parallel_loop3A_237 : vector<16xf32>
      %parallel_loop3A_244 = arith.addf %parallel_loop3A_233, %parallel_loop3A_242 : vector<16xf32>
      %parallel_loop3A_245 = arith.index_cast %parallel_loop3A_174 : i32 to index
      %parallel_loop3A_246 = arith.constant 96 : index
      %parallel_loop3A_247 = tpu.vector_load %arg6[%parallel_loop3A_245, %parallel_loop3A_246] {strides = array<i32>} : memref<32x512xf32, #tpu.memory_space<vmem>>, vector<1x16xf32>,
      %parallel_loop3A_248 = vector.shape_cast %parallel_loop3A_247 : vector<1x16xf32> to vector<16xf32>
      %parallel_loop3A_249 = arith.index_cast %parallel_loop3A_174 : i32 to index
      %parallel_loop3A_250 = arith.constant 96 : index
      %parallel_loop3A_251 = tpu.vector_load %arg8[%parallel_loop3A_249, %parallel_loop3A_250] {strides = array<i32>} : memref<32x512xi32, #tpu.memory_space<vmem>>, vector<1x16xi32>,
      %parallel_loop3A_252 = vector.shape_cast %parallel_loop3A_251 : vector<1x16xi32> to vector<16xi32>
      %parallel_loop3A_253 = arith.sitofp %parallel_loop3A_252 : vector<16xi32> to vector<16xf32>
      %parallel_loop3A_254 = arith.addf %parallel_loop3A_243, %parallel_loop3A_248 : vector<16xf32>
      %parallel_loop3A_255 = arith.addf %parallel_loop3A_244, %parallel_loop3A_253 : vector<16xf32>
      %parallel_loop3A_256 = arith.index_cast %parallel_loop3A_174 : i32 to index
      %parallel_loop3A_257 = arith.constant 112 : index
      %parallel_loop3A_258 = tpu.vector_load %arg6[%parallel_loop3A_256, %parallel_loop3A_257] {strides = array<i32>} : memref<32x512xf32, #tpu.memory_space<vmem>>, vector<1x16xf32>,
      %parallel_loop3A_259 = vector.shape_cast %parallel_loop3A_258 : vector<1x16xf32> to vector<16xf32>
      %parallel_loop3A_260 = arith.index_cast %parallel_loop3A_174 : i32 to index
      %parallel_loop3A_261 = arith.constant 112 : index
      %parallel_loop3A_262 = tpu.vector_load %arg8[%parallel_loop3A_260, %parallel_loop3A_261] {strides = array<i32>} : memref<32x512xi32, #tpu.memory_space<vmem>>, vector<1x16xi32>,
      %parallel_loop3A_263 = vector.shape_cast %parallel_loop3A_262 : vector<1x16xi32> to vector<16xi32>
      %parallel_loop3A_264 = arith.sitofp %parallel_loop3A_263 : vector<16xi32> to vector<16xf32>
      %parallel_loop3A_265 = arith.addf %parallel_loop3A_254, %parallel_loop3A_259 : vector<16xf32>
      %parallel_loop3A_266 = arith.addf %parallel_loop3A_255, %parallel_loop3A_264 : vector<16xf32>
      %parallel_loop3A_267 = arith.index_cast %parallel_loop3A_174 : i32 to index
      %parallel_loop3A_268 = arith.constant 128 : index
      %parallel_loop3A_269 = tpu.vector_load %arg6[%parallel_loop3A_267, %parallel_loop3A_268] {strides = array<i32>} : memref<32x512xf32, #tpu.memory_space<vmem>>, vector<1x16xf32>,
      %parallel_loop3A_270 = vector.shape_cast %parallel_loop3A_269 : vector<1x16xf32> to vector<16xf32>
      %parallel_loop3A_271 = arith.index_cast %parallel_loop3A_174 : i32 to index
      %parallel_loop3A_272 = arith.constant 128 : index
      %parallel_loop3A_273 = tpu.vector_load %arg8[%parallel_loop3A_271, %parallel_loop3A_272] {strides = array<i32>} : memref<32x512xi32, #tpu.memory_space<vmem>>, vector<1x16xi32>,
      %parallel_loop3A_274 = vector.shape_cast %parallel_loop3A_273 : vector<1x16xi32> to vector<16xi32>
      %parallel_loop3A_275 = arith.sitofp %parallel_loop3A_274 : vector<16xi32> to vector<16xf32>
      %parallel_loop3A_276 = arith.addf %parallel_loop3A_265, %parallel_loop3A_270 : vector<16xf32>
      %parallel_loop3A_277 = arith.addf %parallel_loop3A_266, %parallel_loop3A_275 : vector<16xf32>
      %parallel_loop3A_278 = arith.index_cast %parallel_loop3A_174 : i32 to index
      %parallel_loop3A_279 = arith.constant 144 : index
      %parallel_loop3A_280 = tpu.vector_load %arg6[%parallel_loop3A_278, %parallel_loop3A_279] {strides = array<i32>} : memref<32x512xf32, #tpu.memory_space<vmem>>, vector<1x16xf32>,
      %parallel_loop3A_281 = vector.shape_cast %parallel_loop3A_280 : vector<1x16xf32> to vector<16xf32>
      %parallel_loop3A_282 = arith.index_cast %parallel_loop3A_174 : i32 to index
      %parallel_loop3A_283 = arith.constant 144 : index
      %parallel_loop3A_284 = tpu.vector_load %arg8[%parallel_loop3A_282, %parallel_loop3A_283] {strides = array<i32>} : memref<32x512xi32, #tpu.memory_space<vmem>>, vector<1x16xi32>,
      %parallel_loop3A_285 = vector.shape_cast %parallel_loop3A_284 : vector<1x16xi32> to vector<16xi32>
      %parallel_loop3A_286 = arith.sitofp %parallel_loop3A_285 : vector<16xi32> to vector<16xf32>
      %parallel_loop3A_287 = arith.addf %parallel_loop3A_276, %parallel_loop3A_281 : vector<16xf32>
      %parallel_loop3A_288 = arith.addf %parallel_loop3A_277, %parallel_loop3A_286 : vector<16xf32>
      %parallel_loop3A_289 = arith.index_cast %parallel_loop3A_174 : i32 to index
      %parallel_loop3A_290 = arith.constant 160 : index
      %parallel_loop3A_291 = tpu.vector_load %arg6[%parallel_loop3A_289, %parallel_loop3A_290] {strides = array<i32>} : memref<32x512xf32, #tpu.memory_space<vmem>>, vector<1x16xf32>,
      %parallel_loop3A_292 = vector.shape_cast %parallel_loop3A_291 : vector<1x16xf32> to vector<16xf32>
      %parallel_loop3A_293 = arith.index_cast %parallel_loop3A_174 : i32 to index
      %parallel_loop3A_294 = arith.constant 160 : index
      %parallel_loop3A_295 = tpu.vector_load %arg8[%parallel_loop3A_293, %parallel_loop3A_294] {strides = array<i32>} : memref<32x512xi32, #tpu.memory_space<vmem>>, vector<1x16xi32>,
      %parallel_loop3A_296 = vector.shape_cast %parallel_loop3A_295 : vector<1x16xi32> to vector<16xi32>
      %parallel_loop3A_297 = arith.sitofp %parallel_loop3A_296 : vector<16xi32> to vector<16xf32>
      %parallel_loop3A_298 = arith.addf %parallel_loop3A_287, %parallel_loop3A_292 : vector<16xf32>
      %parallel_loop3A_299 = arith.addf %parallel_loop3A_288, %parallel_loop3A_297 : vector<16xf32>
      %parallel_loop3A_300 = arith.index_cast %parallel_loop3A_174 : i32 to index
      %parallel_loop3A_301 = arith.constant 176 : index
      %parallel_loop3A_302 = tpu.vector_load %arg6[%parallel_loop3A_300, %parallel_loop3A_301] {strides = array<i32>} : memref<32x512xf32, #tpu.memory_space<vmem>>, vector<1x16xf32>,
      %parallel_loop3A_303 = vector.shape_cast %parallel_loop3A_302 : vector<1x16xf32> to vector<16xf32>
      %parallel_loop3A_304 = arith.index_cast %parallel_loop3A_174 : i32 to index
      %parallel_loop3A_305 = arith.constant 176 : index
      %parallel_loop3A_306 = tpu.vector_load %arg8[%parallel_loop3A_304, %parallel_loop3A_305] {strides = array<i32>} : memref<32x512xi32, #tpu.memory_space<vmem>>, vector<1x16xi32>,
      %parallel_loop3A_307 = vector.shape_cast %parallel_loop3A_306 : vector<1x16xi32> to vector<16xi32>
      %parallel_loop3A_308 = arith.sitofp %parallel_loop3A_307 : vector<16xi32> to vector<16xf32>
      %parallel_loop3A_309 = arith.addf %parallel_loop3A_298, %parallel_loop3A_303 : vector<16xf32>
      %parallel_loop3A_310 = arith.addf %parallel_loop3A_299, %parallel_loop3A_308 : vector<16xf32>
      %parallel_loop3A_311 = arith.index_cast %parallel_loop3A_174 : i32 to index
      %parallel_loop3A_312 = arith.constant 192 : index
      %parallel_loop3A_313 = tpu.vector_load %arg6[%parallel_loop3A_311, %parallel_loop3A_312] {strides = array<i32>} : memref<32x512xf32, #tpu.memory_space<vmem>>, vector<1x16xf32>,
      %parallel_loop3A_314 = vector.shape_cast %parallel_loop3A_313 : vector<1x16xf32> to vector<16xf32>
      %parallel_loop3A_315 = arith.index_cast %parallel_loop3A_174 : i32 to index
      %parallel_loop3A_316 = arith.constant 192 : index
      %parallel_loop3A_317 = tpu.vector_load %arg8[%parallel_loop3A_315, %parallel_loop3A_316] {strides = array<i32>} : memref<32x512xi32, #tpu.memory_space<vmem>>, vector<1x16xi32>,
      %parallel_loop3A_318 = vector.shape_cast %parallel_loop3A_317 : vector<1x16xi32> to vector<16xi32>
      %parallel_loop3A_319 = arith.sitofp %parallel_loop3A_318 : vector<16xi32> to vector<16xf32>
      %parallel_loop3A_320 = arith.addf %parallel_loop3A_309, %parallel_loop3A_314 : vector<16xf32>
      %parallel_loop3A_321 = arith.addf %parallel_loop3A_310, %parallel_loop3A_319 : vector<16xf32>
      %parallel_loop3A_322 = arith.index_cast %parallel_loop3A_174 : i32 to index
      %parallel_loop3A_323 = arith.constant 208 : index
      %parallel_loop3A_324 = tpu.vector_load %arg6[%parallel_loop3A_322, %parallel_loop3A_323] {strides = array<i32>} : memref<32x512xf32, #tpu.memory_space<vmem>>, vector<1x16xf32>,
      %parallel_loop3A_325 = vector.shape_cast %parallel_loop3A_324 : vector<1x16xf32> to vector<16xf32>
      %parallel_loop3A_326 = arith.index_cast %parallel_loop3A_174 : i32 to index
      %parallel_loop3A_327 = arith.constant 208 : index
      %parallel_loop3A_328 = tpu.vector_load %arg8[%parallel_loop3A_326, %parallel_loop3A_327] {strides = array<i32>} : memref<32x512xi32, #tpu.memory_space<vmem>>, vector<1x16xi32>,
      %parallel_loop3A_329 = vector.shape_cast %parallel_loop3A_328 : vector<1x16xi32> to vector<16xi32>
      %parallel_loop3A_330 = arith.sitofp %parallel_loop3A_329 : vector<16xi32> to vector<16xf32>
      %parallel_loop3A_331 = arith.addf %parallel_loop3A_320, %parallel_loop3A_325 : vector<16xf32>
      %parallel_loop3A_332 = arith.addf %parallel_loop3A_321, %parallel_loop3A_330 : vector<16xf32>
      %parallel_loop3A_333 = arith.index_cast %parallel_loop3A_174 : i32 to index
      %parallel_loop3A_334 = arith.constant 224 : index
      %parallel_loop3A_335 = tpu.vector_load %arg6[%parallel_loop3A_333, %parallel_loop3A_334] {strides = array<i32>} : memref<32x512xf32, #tpu.memory_space<vmem>>, vector<1x16xf32>,
      %parallel_loop3A_336 = vector.shape_cast %parallel_loop3A_335 : vector<1x16xf32> to vector<16xf32>
      %parallel_loop3A_337 = arith.index_cast %parallel_loop3A_174 : i32 to index
      %parallel_loop3A_338 = arith.constant 224 : index
      %parallel_loop3A_339 = tpu.vector_load %arg8[%parallel_loop3A_337, %parallel_loop3A_338] {strides = array<i32>} : memref<32x512xi32, #tpu.memory_space<vmem>>, vector<1x16xi32>,
      %parallel_loop3A_340 = vector.shape_cast %parallel_loop3A_339 : vector<1x16xi32> to vector<16xi32>
      %parallel_loop3A_341 = arith.sitofp %parallel_loop3A_340 : vector<16xi32> to vector<16xf32>
      %parallel_loop3A_342 = arith.addf %parallel_loop3A_331, %parallel_loop3A_336 : vector<16xf32>
      %parallel_loop3A_343 = arith.addf %parallel_loop3A_332, %parallel_loop3A_341 : vector<16xf32>
      %parallel_loop3A_344 = arith.index_cast %parallel_loop3A_174 : i32 to index
      %parallel_loop3A_345 = arith.constant 240 : index
      %parallel_loop3A_346 = tpu.vector_load %arg6[%parallel_loop3A_344, %parallel_loop3A_345] {strides = array<i32>} : memref<32x512xf32, #tpu.memory_space<vmem>>, vector<1x16xf32>,
      %parallel_loop3A_347 = vector.shape_cast %parallel_loop3A_346 : vector<1x16xf32> to vector<16xf32>
      %parallel_loop3A_348 = arith.index_cast %parallel_loop3A_174 : i32 to index
      %parallel_loop3A_349 = arith.constant 240 : index
      %parallel_loop3A_350 = tpu.vector_load %arg8[%parallel_loop3A_348, %parallel_loop3A_349] {strides = array<i32>} : memref<32x512xi32, #tpu.memory_space<vmem>>, vector<1x16xi32>,
      %parallel_loop3A_351 = vector.shape_cast %parallel_loop3A_350 : vector<1x16xi32> to vector<16xi32>
      %parallel_loop3A_352 = arith.sitofp %parallel_loop3A_351 : vector<16xi32> to vector<16xf32>
      %parallel_loop3A_353 = arith.addf %parallel_loop3A_342, %parallel_loop3A_347 : vector<16xf32>
      %parallel_loop3A_354 = arith.addf %parallel_loop3A_343, %parallel_loop3A_352 : vector<16xf32>
      %parallel_loop3A_355 = arith.index_cast %parallel_loop3A_174 : i32 to index
      %parallel_loop3A_356 = arith.constant 256 : index
      %parallel_loop3A_357 = tpu.vector_load %arg6[%parallel_loop3A_355, %parallel_loop3A_356] {strides = array<i32>} : memref<32x512xf32, #tpu.memory_space<vmem>>, vector<1x16xf32>,
      %parallel_loop3A_358 = vector.shape_cast %parallel_loop3A_357 : vector<1x16xf32> to vector<16xf32>
      %parallel_loop3A_359 = arith.index_cast %parallel_loop3A_174 : i32 to index
      %parallel_loop3A_360 = arith.constant 256 : index
      %parallel_loop3A_361 = tpu.vector_load %arg8[%parallel_loop3A_359, %parallel_loop3A_360] {strides = array<i32>} : memref<32x512xi32, #tpu.memory_space<vmem>>, vector<1x16xi32>,
      %parallel_loop3A_362 = vector.shape_cast %parallel_loop3A_361 : vector<1x16xi32> to vector<16xi32>
      %parallel_loop3A_363 = arith.sitofp %parallel_loop3A_362 : vector<16xi32> to vector<16xf32>
      %parallel_loop3A_364 = arith.addf %parallel_loop3A_353, %parallel_loop3A_358 : vector<16xf32>
      %parallel_loop3A_365 = arith.addf %parallel_loop3A_354, %parallel_loop3A_363 : vector<16xf32>
      %parallel_loop3A_366 = arith.index_cast %parallel_loop3A_174 : i32 to index
      %parallel_loop3A_367 = arith.constant 272 : index
      %parallel_loop3A_368 = tpu.vector_load %arg6[%parallel_loop3A_366, %parallel_loop3A_367] {strides = array<i32>} : memref<32x512xf32, #tpu.memory_space<vmem>>, vector<1x16xf32>,
      %parallel_loop3A_369 = vector.shape_cast %parallel_loop3A_368 : vector<1x16xf32> to vector<16xf32>
      %parallel_loop3A_370 = arith.index_cast %parallel_loop3A_174 : i32 to index
      %parallel_loop3A_371 = arith.constant 272 : index
      %parallel_loop3A_372 = tpu.vector_load %arg8[%parallel_loop3A_370, %parallel_loop3A_371] {strides = array<i32>} : memref<32x512xi32, #tpu.memory_space<vmem>>, vector<1x16xi32>,
      %parallel_loop3A_373 = vector.shape_cast %parallel_loop3A_372 : vector<1x16xi32> to vector<16xi32>
      %parallel_loop3A_374 = arith.sitofp %parallel_loop3A_373 : vector<16xi32> to vector<16xf32>
      %parallel_loop3A_375 = arith.addf %parallel_loop3A_364, %parallel_loop3A_369 : vector<16xf32>
      %parallel_loop3A_376 = arith.addf %parallel_loop3A_365, %parallel_loop3A_374 : vector<16xf32>
      %parallel_loop3A_377 = arith.index_cast %parallel_loop3A_174 : i32 to index
      %parallel_loop3A_378 = arith.constant 288 : index
      %parallel_loop3A_379 = tpu.vector_load %arg6[%parallel_loop3A_377, %parallel_loop3A_378] {strides = array<i32>} : memref<32x512xf32, #tpu.memory_space<vmem>>, vector<1x16xf32>,
      %parallel_loop3A_380 = vector.shape_cast %parallel_loop3A_379 : vector<1x16xf32> to vector<16xf32>
      %parallel_loop3A_381 = arith.index_cast %parallel_loop3A_174 : i32 to index
      %parallel_loop3A_382 = arith.constant 288 : index
      %parallel_loop3A_383 = tpu.vector_load %arg8[%parallel_loop3A_381, %parallel_loop3A_382] {strides = array<i32>} : memref<32x512xi32, #tpu.memory_space<vmem>>, vector<1x16xi32>,
      %parallel_loop3A_384 = vector.shape_cast %parallel_loop3A_383 : vector<1x16xi32> to vector<16xi32>
      %parallel_loop3A_385 = arith.sitofp %parallel_loop3A_384 : vector<16xi32> to vector<16xf32>
      %parallel_loop3A_386 = arith.addf %parallel_loop3A_375, %parallel_loop3A_380 : vector<16xf32>
      %parallel_loop3A_387 = arith.addf %parallel_loop3A_376, %parallel_loop3A_385 : vector<16xf32>
      %parallel_loop3A_388 = arith.index_cast %parallel_loop3A_174 : i32 to index
      %parallel_loop3A_389 = arith.constant 304 : index
      %parallel_loop3A_390 = tpu.vector_load %arg6[%parallel_loop3A_388, %parallel_loop3A_389] {strides = array<i32>} : memref<32x512xf32, #tpu.memory_space<vmem>>, vector<1x16xf32>,
      %parallel_loop3A_391 = vector.shape_cast %parallel_loop3A_390 : vector<1x16xf32> to vector<16xf32>
      %parallel_loop3A_392 = arith.index_cast %parallel_loop3A_174 : i32 to index
      %parallel_loop3A_393 = arith.constant 304 : index
      %parallel_loop3A_394 = tpu.vector_load %arg8[%parallel_loop3A_392, %parallel_loop3A_393] {strides = array<i32>} : memref<32x512xi32, #tpu.memory_space<vmem>>, vector<1x16xi32>,
      %parallel_loop3A_395 = vector.shape_cast %parallel_loop3A_394 : vector<1x16xi32> to vector<16xi32>
      %parallel_loop3A_396 = arith.sitofp %parallel_loop3A_395 : vector<16xi32> to vector<16xf32>
      %parallel_loop3A_397 = arith.addf %parallel_loop3A_386, %parallel_loop3A_391 : vector<16xf32>
      %parallel_loop3A_398 = arith.addf %parallel_loop3A_387, %parallel_loop3A_396 : vector<16xf32>
      %parallel_loop3A_399 = arith.index_cast %parallel_loop3A_174 : i32 to index
      %parallel_loop3A_400 = arith.constant 320 : index
      %parallel_loop3A_401 = tpu.vector_load %arg6[%parallel_loop3A_399, %parallel_loop3A_400] {strides = array<i32>} : memref<32x512xf32, #tpu.memory_space<vmem>>, vector<1x16xf32>,
      %parallel_loop3A_402 = vector.shape_cast %parallel_loop3A_401 : vector<1x16xf32> to vector<16xf32>
      %parallel_loop3A_403 = arith.index_cast %parallel_loop3A_174 : i32 to index
      %parallel_loop3A_404 = arith.constant 320 : index
      %parallel_loop3A_405 = tpu.vector_load %arg8[%parallel_loop3A_403, %parallel_loop3A_404] {strides = array<i32>} : memref<32x512xi32, #tpu.memory_space<vmem>>, vector<1x16xi32>,
      %parallel_loop3A_406 = vector.shape_cast %parallel_loop3A_405 : vector<1x16xi32> to vector<16xi32>
      %parallel_loop3A_407 = arith.sitofp %parallel_loop3A_406 : vector<16xi32> to vector<16xf32>
      %parallel_loop3A_408 = arith.addf %parallel_loop3A_397, %parallel_loop3A_402 : vector<16xf32>
      %parallel_loop3A_409 = arith.addf %parallel_loop3A_398, %parallel_loop3A_407 : vector<16xf32>
      %parallel_loop3A_410 = arith.index_cast %parallel_loop3A_174 : i32 to index
      %parallel_loop3A_411 = arith.constant 336 : index
      %parallel_loop3A_412 = tpu.vector_load %arg6[%parallel_loop3A_410, %parallel_loop3A_411] {strides = array<i32>} : memref<32x512xf32, #tpu.memory_space<vmem>>, vector<1x16xf32>,
      %parallel_loop3A_413 = vector.shape_cast %parallel_loop3A_412 : vector<1x16xf32> to vector<16xf32>
      %parallel_loop3A_414 = arith.index_cast %parallel_loop3A_174 : i32 to index
      %parallel_loop3A_415 = arith.constant 336 : index
      %parallel_loop3A_416 = tpu.vector_load %arg8[%parallel_loop3A_414, %parallel_loop3A_415] {strides = array<i32>} : memref<32x512xi32, #tpu.memory_space<vmem>>, vector<1x16xi32>,
      %parallel_loop3A_417 = vector.shape_cast %parallel_loop3A_416 : vector<1x16xi32> to vector<16xi32>
      %parallel_loop3A_418 = arith.sitofp %parallel_loop3A_417 : vector<16xi32> to vector<16xf32>
      %parallel_loop3A_419 = arith.addf %parallel_loop3A_408, %parallel_loop3A_413 : vector<16xf32>
      %parallel_loop3A_420 = arith.addf %parallel_loop3A_409, %parallel_loop3A_418 : vector<16xf32>
      %parallel_loop3A_421 = arith.index_cast %parallel_loop3A_174 : i32 to index
      %parallel_loop3A_422 = arith.constant 352 : index
      %parallel_loop3A_423 = tpu.vector_load %arg6[%parallel_loop3A_421, %parallel_loop3A_422] {strides = array<i32>} : memref<32x512xf32, #tpu.memory_space<vmem>>, vector<1x16xf32>,
      %parallel_loop3A_424 = vector.shape_cast %parallel_loop3A_423 : vector<1x16xf32> to vector<16xf32>
      %parallel_loop3A_425 = arith.index_cast %parallel_loop3A_174 : i32 to index
      %parallel_loop3A_426 = arith.constant 352 : index
      %parallel_loop3A_427 = tpu.vector_load %arg8[%parallel_loop3A_425, %parallel_loop3A_426] {strides = array<i32>} : memref<32x512xi32, #tpu.memory_space<vmem>>, vector<1x16xi32>,
      %parallel_loop3A_428 = vector.shape_cast %parallel_loop3A_427 : vector<1x16xi32> to vector<16xi32>
      %parallel_loop3A_429 = arith.sitofp %parallel_loop3A_428 : vector<16xi32> to vector<16xf32>
      %parallel_loop3A_430 = arith.addf %parallel_loop3A_419, %parallel_loop3A_424 : vector<16xf32>
      %parallel_loop3A_431 = arith.addf %parallel_loop3A_420, %parallel_loop3A_429 : vector<16xf32>
      %parallel_loop3A_432 = arith.index_cast %parallel_loop3A_174 : i32 to index
      %parallel_loop3A_433 = arith.constant 368 : index
      %parallel_loop3A_434 = tpu.vector_load %arg6[%parallel_loop3A_432, %parallel_loop3A_433] {strides = array<i32>} : memref<32x512xf32, #tpu.memory_space<vmem>>, vector<1x16xf32>,
      %parallel_loop3A_435 = vector.shape_cast %parallel_loop3A_434 : vector<1x16xf32> to vector<16xf32>
      %parallel_loop3A_436 = arith.index_cast %parallel_loop3A_174 : i32 to index
      %parallel_loop3A_437 = arith.constant 368 : index
      %parallel_loop3A_438 = tpu.vector_load %arg8[%parallel_loop3A_436, %parallel_loop3A_437] {strides = array<i32>} : memref<32x512xi32, #tpu.memory_space<vmem>>, vector<1x16xi32>,
      %parallel_loop3A_439 = vector.shape_cast %parallel_loop3A_438 : vector<1x16xi32> to vector<16xi32>
      %parallel_loop3A_440 = arith.sitofp %parallel_loop3A_439 : vector<16xi32> to vector<16xf32>
      %parallel_loop3A_441 = arith.addf %parallel_loop3A_430, %parallel_loop3A_435 : vector<16xf32>
      %parallel_loop3A_442 = arith.addf %parallel_loop3A_431, %parallel_loop3A_440 : vector<16xf32>
      %parallel_loop3A_443 = arith.index_cast %parallel_loop3A_174 : i32 to index
      %parallel_loop3A_444 = arith.constant 384 : index
      %parallel_loop3A_445 = tpu.vector_load %arg6[%parallel_loop3A_443, %parallel_loop3A_444] {strides = array<i32>} : memref<32x512xf32, #tpu.memory_space<vmem>>, vector<1x16xf32>,
      %parallel_loop3A_446 = vector.shape_cast %parallel_loop3A_445 : vector<1x16xf32> to vector<16xf32>
      %parallel_loop3A_447 = arith.index_cast %parallel_loop3A_174 : i32 to index
      %parallel_loop3A_448 = arith.constant 384 : index
      %parallel_loop3A_449 = tpu.vector_load %arg8[%parallel_loop3A_447, %parallel_loop3A_448] {strides = array<i32>} : memref<32x512xi32, #tpu.memory_space<vmem>>, vector<1x16xi32>,
      %parallel_loop3A_450 = vector.shape_cast %parallel_loop3A_449 : vector<1x16xi32> to vector<16xi32>
      %parallel_loop3A_451 = arith.sitofp %parallel_loop3A_450 : vector<16xi32> to vector<16xf32>
      %parallel_loop3A_452 = arith.addf %parallel_loop3A_441, %parallel_loop3A_446 : vector<16xf32>
      %parallel_loop3A_453 = arith.addf %parallel_loop3A_442, %parallel_loop3A_451 : vector<16xf32>
      %parallel_loop3A_454 = arith.index_cast %parallel_loop3A_174 : i32 to index
      %parallel_loop3A_455 = arith.constant 400 : index
      %parallel_loop3A_456 = tpu.vector_load %arg6[%parallel_loop3A_454, %parallel_loop3A_455] {strides = array<i32>} : memref<32x512xf32, #tpu.memory_space<vmem>>, vector<1x16xf32>,
      %parallel_loop3A_457 = vector.shape_cast %parallel_loop3A_456 : vector<1x16xf32> to vector<16xf32>
      %parallel_loop3A_458 = arith.index_cast %parallel_loop3A_174 : i32 to index
      %parallel_loop3A_459 = arith.constant 400 : index
      %parallel_loop3A_460 = tpu.vector_load %arg8[%parallel_loop3A_458, %parallel_loop3A_459] {strides = array<i32>} : memref<32x512xi32, #tpu.memory_space<vmem>>, vector<1x16xi32>,
      %parallel_loop3A_461 = vector.shape_cast %parallel_loop3A_460 : vector<1x16xi32> to vector<16xi32>
      %parallel_loop3A_462 = arith.sitofp %parallel_loop3A_461 : vector<16xi32> to vector<16xf32>
      %parallel_loop3A_463 = arith.addf %parallel_loop3A_452, %parallel_loop3A_457 : vector<16xf32>
      %parallel_loop3A_464 = arith.addf %parallel_loop3A_453, %parallel_loop3A_462 : vector<16xf32>
      %parallel_loop3A_465 = arith.index_cast %parallel_loop3A_174 : i32 to index
      %parallel_loop3A_466 = arith.constant 416 : index
      %parallel_loop3A_467 = tpu.vector_load %arg6[%parallel_loop3A_465, %parallel_loop3A_466] {strides = array<i32>} : memref<32x512xf32, #tpu.memory_space<vmem>>, vector<1x16xf32>,
      %parallel_loop3A_468 = vector.shape_cast %parallel_loop3A_467 : vector<1x16xf32> to vector<16xf32>
      %parallel_loop3A_469 = arith.index_cast %parallel_loop3A_174 : i32 to index
      %parallel_loop3A_470 = arith.constant 416 : index
      %parallel_loop3A_471 = tpu.vector_load %arg8[%parallel_loop3A_469, %parallel_loop3A_470] {strides = array<i32>} : memref<32x512xi32, #tpu.memory_space<vmem>>, vector<1x16xi32>,
      %parallel_loop3A_472 = vector.shape_cast %parallel_loop3A_471 : vector<1x16xi32> to vector<16xi32>
      %parallel_loop3A_473 = arith.sitofp %parallel_loop3A_472 : vector<16xi32> to vector<16xf32>
      %parallel_loop3A_474 = arith.addf %parallel_loop3A_463, %parallel_loop3A_468 : vector<16xf32>
      %parallel_loop3A_475 = arith.addf %parallel_loop3A_464, %parallel_loop3A_473 : vector<16xf32>
      %parallel_loop3A_476 = arith.index_cast %parallel_loop3A_174 : i32 to index
      %parallel_loop3A_477 = arith.constant 432 : index
      %parallel_loop3A_478 = tpu.vector_load %arg6[%parallel_loop3A_476, %parallel_loop3A_477] {strides = array<i32>} : memref<32x512xf32, #tpu.memory_space<vmem>>, vector<1x16xf32>,
      %parallel_loop3A_479 = vector.shape_cast %parallel_loop3A_478 : vector<1x16xf32> to vector<16xf32>
      %parallel_loop3A_480 = arith.index_cast %parallel_loop3A_174 : i32 to index
      %parallel_loop3A_481 = arith.constant 432 : index
      %parallel_loop3A_482 = tpu.vector_load %arg8[%parallel_loop3A_480, %parallel_loop3A_481] {strides = array<i32>} : memref<32x512xi32, #tpu.memory_space<vmem>>, vector<1x16xi32>,
      %parallel_loop3A_483 = vector.shape_cast %parallel_loop3A_482 : vector<1x16xi32> to vector<16xi32>
      %parallel_loop3A_484 = arith.sitofp %parallel_loop3A_483 : vector<16xi32> to vector<16xf32>
      %parallel_loop3A_485 = arith.addf %parallel_loop3A_474, %parallel_loop3A_479 : vector<16xf32>
      %parallel_loop3A_486 = arith.addf %parallel_loop3A_475, %parallel_loop3A_484 : vector<16xf32>
      %parallel_loop3A_487 = arith.index_cast %parallel_loop3A_174 : i32 to index
      %parallel_loop3A_488 = arith.constant 448 : index
      %parallel_loop3A_489 = tpu.vector_load %arg6[%parallel_loop3A_487, %parallel_loop3A_488] {strides = array<i32>} : memref<32x512xf32, #tpu.memory_space<vmem>>, vector<1x16xf32>,
      %parallel_loop3A_490 = vector.shape_cast %parallel_loop3A_489 : vector<1x16xf32> to vector<16xf32>
      %parallel_loop3A_491 = arith.index_cast %parallel_loop3A_174 : i32 to index
      %parallel_loop3A_492 = arith.constant 448 : index
      %parallel_loop3A_493 = tpu.vector_load %arg8[%parallel_loop3A_491, %parallel_loop3A_492] {strides = array<i32>} : memref<32x512xi32, #tpu.memory_space<vmem>>, vector<1x16xi32>,
      %parallel_loop3A_494 = vector.shape_cast %parallel_loop3A_493 : vector<1x16xi32> to vector<16xi32>
      %parallel_loop3A_495 = arith.sitofp %parallel_loop3A_494 : vector<16xi32> to vector<16xf32>
      %parallel_loop3A_496 = arith.addf %parallel_loop3A_485, %parallel_loop3A_490 : vector<16xf32>
      %parallel_loop3A_497 = arith.addf %parallel_loop3A_486, %parallel_loop3A_495 : vector<16xf32>
      %parallel_loop3A_498 = arith.index_cast %parallel_loop3A_174 : i32 to index
      %parallel_loop3A_499 = arith.constant 464 : index
      %parallel_loop3A_500 = tpu.vector_load %arg6[%parallel_loop3A_498, %parallel_loop3A_499] {strides = array<i32>} : memref<32x512xf32, #tpu.memory_space<vmem>>, vector<1x16xf32>,
      %parallel_loop3A_501 = vector.shape_cast %parallel_loop3A_500 : vector<1x16xf32> to vector<16xf32>
      %parallel_loop3A_502 = arith.index_cast %parallel_loop3A_174 : i32 to index
      %parallel_loop3A_503 = arith.constant 464 : index
      %parallel_loop3A_504 = tpu.vector_load %arg8[%parallel_loop3A_502, %parallel_loop3A_503] {strides = array<i32>} : memref<32x512xi32, #tpu.memory_space<vmem>>, vector<1x16xi32>,
      %parallel_loop3A_505 = vector.shape_cast %parallel_loop3A_504 : vector<1x16xi32> to vector<16xi32>
      %parallel_loop3A_506 = arith.sitofp %parallel_loop3A_505 : vector<16xi32> to vector<16xf32>
      %parallel_loop3A_507 = arith.addf %parallel_loop3A_496, %parallel_loop3A_501 : vector<16xf32>
      %parallel_loop3A_508 = arith.addf %parallel_loop3A_497, %parallel_loop3A_506 : vector<16xf32>
      %parallel_loop3A_509 = arith.index_cast %parallel_loop3A_174 : i32 to index
      %parallel_loop3A_510 = arith.constant 480 : index
      %parallel_loop3A_511 = tpu.vector_load %arg6[%parallel_loop3A_509, %parallel_loop3A_510] {strides = array<i32>} : memref<32x512xf32, #tpu.memory_space<vmem>>, vector<1x16xf32>,
      %parallel_loop3A_512 = vector.shape_cast %parallel_loop3A_511 : vector<1x16xf32> to vector<16xf32>
      %parallel_loop3A_513 = arith.index_cast %parallel_loop3A_174 : i32 to index
      %parallel_loop3A_514 = arith.constant 480 : index
      %parallel_loop3A_515 = tpu.vector_load %arg8[%parallel_loop3A_513, %parallel_loop3A_514] {strides = array<i32>} : memref<32x512xi32, #tpu.memory_space<vmem>>, vector<1x16xi32>,
      %parallel_loop3A_516 = vector.shape_cast %parallel_loop3A_515 : vector<1x16xi32> to vector<16xi32>
      %parallel_loop3A_517 = arith.sitofp %parallel_loop3A_516 : vector<16xi32> to vector<16xf32>
      %parallel_loop3A_518 = arith.addf %parallel_loop3A_507, %parallel_loop3A_512 : vector<16xf32>
      %parallel_loop3A_519 = arith.addf %parallel_loop3A_508, %parallel_loop3A_517 : vector<16xf32>
      %parallel_loop3A_520 = arith.index_cast %parallel_loop3A_174 : i32 to index
      %parallel_loop3A_521 = arith.constant 496 : index
      %parallel_loop3A_522 = tpu.vector_load %arg6[%parallel_loop3A_520, %parallel_loop3A_521] {strides = array<i32>} : memref<32x512xf32, #tpu.memory_space<vmem>>, vector<1x16xf32>,
      %parallel_loop3A_523 = vector.shape_cast %parallel_loop3A_522 : vector<1x16xf32> to vector<16xf32>
      %parallel_loop3A_524 = arith.index_cast %parallel_loop3A_174 : i32 to index
      %parallel_loop3A_525 = arith.constant 496 : index
      %parallel_loop3A_526 = tpu.vector_load %arg8[%parallel_loop3A_524, %parallel_loop3A_525] {strides = array<i32>} : memref<32x512xi32, #tpu.memory_space<vmem>>, vector<1x16xi32>,
      %parallel_loop3A_527 = vector.shape_cast %parallel_loop3A_526 : vector<1x16xi32> to vector<16xi32>
      %parallel_loop3A_528 = arith.sitofp %parallel_loop3A_527 : vector<16xi32> to vector<16xf32>
      %parallel_loop3A_529 = arith.addf %parallel_loop3A_518, %parallel_loop3A_523 : vector<16xf32>
      %parallel_loop3A_530 = arith.addf %parallel_loop3A_519, %parallel_loop3A_528 : vector<16xf32>
      scf.yield %parallel_loop3A_529, %parallel_loop3A_176, %parallel_loop3A_530, %parallel_loop3A_178 : vector<16xf32>, vector<16xf32>, vector<16xf32>, vector<16xf32>
    } {sc.loop_unroll_factor = 2 : i64, sc.parallel_access}
    %add3A_111 = arith.constant 96 : i32
    %add3A_112 = arith.addi %mul3A_32, %add3A_111 : i32
    %dma_start3A_113 = arith.constant 0 : i32
    %dma_start3A_114 = tpu.memref_slice %arg2[%select_n3A, %add3A_112, %dma_start3A_113] : memref<32x512x512xf32, #tpu.memory_space<hbm>> -> memref<1x32x512xf32, #tpu.memory_space<hbm>>
    %dma_start3A_115 = tpu.memref_squeeze %dma_start3A_114 : memref<1x32x512xf32, #tpu.memory_space<hbm>> -> memref<32x512xf32, #tpu.memory_space<hbm>>
    %dma_start3A_116 = arith.constant 0 : i32
    %dma_start3A_117 = tpu.memref_slice %arg2[%select_n3A, %add3A_112, %dma_start3A_116] : memref<32x512x512xf32, #tpu.memory_space<hbm>> -> memref<1x32x512xf32, #tpu.memory_space<hbm>>
    %dma_start3A_118 = tpu.memref_squeeze %dma_start3A_117 : memref<1x32x512xf32, #tpu.memory_space<hbm>> -> memref<32x512xf32, #tpu.memory_space<hbm>>
    tpu.enqueue_dma source(%dma_start3A_118 : memref<32x512xf32, #tpu.memory_space<hbm>>) target(%arg6 : memref<32x512xf32, #tpu.memory_space<vmem>>) target_semaphore(%arg11 : memref<!tpu.dma_semaphore, #tpu.memory_space<semaphore_mem>>)
    %add3A_119 = arith.constant 96 : i32
    %add3A_120 = arith.addi %mul3A_32, %add3A_119 : i32
    %dma_start3A_121 = arith.constant 0 : i32
    %dma_start3A_122 = tpu.memref_slice %arg3[%select_n3A, %add3A_120, %dma_start3A_121] : memref<32x512x512xi32, #tpu.memory_space<hbm>> -> memref<1x32x512xi32, #tpu.memory_space<hbm>>
    %dma_start3A_123 = tpu.memref_squeeze %dma_start3A_122 : memref<1x32x512xi32, #tpu.memory_space<hbm>> -> memref<32x512xi32, #tpu.memory_space<hbm>>
    %dma_start3A_124 = arith.constant 0 : i32
    %dma_start3A_125 = tpu.memref_slice %arg3[%select_n3A, %add3A_120, %dma_start3A_124] : memref<32x512x512xi32, #tpu.memory_space<hbm>> -> memref<1x32x512xi32, #tpu.memory_space<hbm>>
    %dma_start3A_126 = tpu.memref_squeeze %dma_start3A_125 : memref<1x32x512xi32, #tpu.memory_space<hbm>> -> memref<32x512xi32, #tpu.memory_space<hbm>>
    tpu.enqueue_dma source(%dma_start3A_126 : memref<32x512xi32, #tpu.memory_space<hbm>>) target(%arg8 : memref<32x512xi32, #tpu.memory_space<vmem>>) target_semaphore(%arg11 : memref<!tpu.dma_semaphore, #tpu.memory_space<semaphore_mem>>)
    %dma_wait3A_127 = arith.constant 0 : i32
    %dma_wait3A_128 = tpu.memref_slice %arg2[%select_n3A, %add3A_80, %dma_wait3A_127] : memref<32x512x512xf32, #tpu.memory_space<hbm>> -> memref<1x32x512xf32, #tpu.memory_space<hbm>>
    %dma_wait3A_129 = tpu.memref_squeeze %dma_wait3A_128 : memref<1x32x512xf32, #tpu.memory_space<hbm>> -> memref<32x512xf32, #tpu.memory_space<hbm>>
    %dma_wait3A_130 = arith.constant 0 : i32
    %dma_wait3A_131 = tpu.memref_slice %arg2[%select_n3A, %add3A_80, %dma_wait3A_130] : memref<32x512x512xf32, #tpu.memory_space<hbm>> -> memref<1x32x512xf32, #tpu.memory_space<hbm>>
    %dma_wait3A_132 = tpu.memref_squeeze %dma_wait3A_131 : memref<1x32x512xf32, #tpu.memory_space<hbm>> -> memref<32x512xf32, #tpu.memory_space<hbm>>
    tpu.wait_dma2 semaphore(%arg10 : memref<!tpu.dma_semaphore, #tpu.memory_space<semaphore_mem>>) src(%dma_wait3A_132 : memref<32x512xf32, #tpu.memory_space<hbm>>) dst(%arg5 : memref<32x512xf32, #tpu.memory_space<vmem>>)
    %dma_wait3A_133 = arith.constant 0 : i32
    %dma_wait3A_134 = tpu.memref_slice %arg3[%select_n3A, %add3A_88, %dma_wait3A_133] : memref<32x512x512xi32, #tpu.memory_space<hbm>> -> memref<1x32x512xi32, #tpu.memory_space<hbm>>
    %dma_wait3A_135 = tpu.memref_squeeze %dma_wait3A_134 : memref<1x32x512xi32, #tpu.memory_space<hbm>> -> memref<32x512xi32, #tpu.memory_space<hbm>>
    %dma_wait3A_136 = arith.constant 0 : i32
    %dma_wait3A_137 = tpu.memref_slice %arg3[%select_n3A, %add3A_88, %dma_wait3A_136] : memref<32x512x512xi32, #tpu.memory_space<hbm>> -> memref<1x32x512xi32, #tpu.memory_space<hbm>>
    %dma_wait3A_138 = tpu.memref_squeeze %dma_wait3A_137 : memref<1x32x512xi32, #tpu.memory_space<hbm>> -> memref<32x512xi32, #tpu.memory_space<hbm>>
    tpu.wait_dma2 semaphore(%arg10 : memref<!tpu.dma_semaphore, #tpu.memory_space<semaphore_mem>>) src(%dma_wait3A_138 : memref<32x512xi32, #tpu.memory_space<hbm>>) dst(%arg7 : memref<32x512xi32, #tpu.memory_space<vmem>>)
    %parallel_loop3A_139 = arith.constant 0 : i32
    %parallel_loop3A_140 = arith.constant 32 : i32
    %parallel_loop3A_141 = arith.constant 1 : i32
    %parallel_loop3A_142:4 = scf.for %parallel_loop3A_174 = %parallel_loop3A_139 to %parallel_loop3A_140 step %parallel_loop3A_141 iter_args(%parallel_loop3A_175 = %parallel_loop3A_110#0, %parallel_loop3A_176 = %parallel_loop3A_110#1, %parallel_loop3A_177 = %parallel_loop3A_110#2, %parallel_loop3A_178 = %parallel_loop3A_110#3) -> (vector<16xf32>, vector<16xf32>, vector<16xf32>, vector<16xf32>)  : i32 {
      %parallel_loop3A_179 = arith.index_cast %parallel_loop3A_174 : i32 to index
      %parallel_loop3A_180 = arith.constant 0 : index
      %parallel_loop3A_181 = tpu.vector_load %arg5[%parallel_loop3A_179, %parallel_loop3A_180] {strides = array<i32>} : memref<32x512xf32, #tpu.memory_space<vmem>>, vector<1x16xf32>,
      %parallel_loop3A_182 = vector.shape_cast %parallel_loop3A_181 : vector<1x16xf32> to vector<16xf32>
      %parallel_loop3A_183 = arith.index_cast %parallel_loop3A_174 : i32 to index
      %parallel_loop3A_184 = arith.constant 0 : index
      %parallel_loop3A_185 = tpu.vector_load %arg7[%parallel_loop3A_183, %parallel_loop3A_184] {strides = array<i32>} : memref<32x512xi32, #tpu.memory_space<vmem>>, vector<1x16xi32>,
      %parallel_loop3A_186 = vector.shape_cast %parallel_loop3A_185 : vector<1x16xi32> to vector<16xi32>
      %parallel_loop3A_187 = arith.sitofp %parallel_loop3A_186 : vector<16xi32> to vector<16xf32>
      %parallel_loop3A_188 = arith.addf %parallel_loop3A_175, %parallel_loop3A_182 : vector<16xf32>
      %parallel_loop3A_189 = arith.addf %parallel_loop3A_177, %parallel_loop3A_187 : vector<16xf32>
      %parallel_loop3A_190 = arith.index_cast %parallel_loop3A_174 : i32 to index
      %parallel_loop3A_191 = arith.constant 16 : index
      %parallel_loop3A_192 = tpu.vector_load %arg5[%parallel_loop3A_190, %parallel_loop3A_191] {strides = array<i32>} : memref<32x512xf32, #tpu.memory_space<vmem>>, vector<1x16xf32>,
      %parallel_loop3A_193 = vector.shape_cast %parallel_loop3A_192 : vector<1x16xf32> to vector<16xf32>
      %parallel_loop3A_194 = arith.index_cast %parallel_loop3A_174 : i32 to index
      %parallel_loop3A_195 = arith.constant 16 : index
      %parallel_loop3A_196 = tpu.vector_load %arg7[%parallel_loop3A_194, %parallel_loop3A_195] {strides = array<i32>} : memref<32x512xi32, #tpu.memory_space<vmem>>, vector<1x16xi32>,
      %parallel_loop3A_197 = vector.shape_cast %parallel_loop3A_196 : vector<1x16xi32> to vector<16xi32>
      %parallel_loop3A_198 = arith.sitofp %parallel_loop3A_197 : vector<16xi32> to vector<16xf32>
      %parallel_loop3A_199 = arith.addf %parallel_loop3A_188, %parallel_loop3A_193 : vector<16xf32>
      %parallel_loop3A_200 = arith.addf %parallel_loop3A_189, %parallel_loop3A_198 : vector<16xf32>
      %parallel_loop3A_201 = arith.index_cast %parallel_loop3A_174 : i32 to index
      %parallel_loop3A_202 = arith.constant 32 : index
      %parallel_loop3A_203 = tpu.vector_load %arg5[%parallel_loop3A_201, %parallel_loop3A_202] {strides = array<i32>} : memref<32x512xf32, #tpu.memory_space<vmem>>, vector<1x16xf32>,
      %parallel_loop3A_204 = vector.shape_cast %parallel_loop3A_203 : vector<1x16xf32> to vector<16xf32>
      %parallel_loop3A_205 = arith.index_cast %parallel_loop3A_174 : i32 to index
      %parallel_loop3A_206 = arith.constant 32 : index
      %parallel_loop3A_207 = tpu.vector_load %arg7[%parallel_loop3A_205, %parallel_loop3A_206] {strides = array<i32>} : memref<32x512xi32, #tpu.memory_space<vmem>>, vector<1x16xi32>,
      %parallel_loop3A_208 = vector.shape_cast %parallel_loop3A_207 : vector<1x16xi32> to vector<16xi32>
      %parallel_loop3A_209 = arith.sitofp %parallel_loop3A_208 : vector<16xi32> to vector<16xf32>
      %parallel_loop3A_210 = arith.addf %parallel_loop3A_199, %parallel_loop3A_204 : vector<16xf32>
      %parallel_loop3A_211 = arith.addf %parallel_loop3A_200, %parallel_loop3A_209 : vector<16xf32>
      %parallel_loop3A_212 = arith.index_cast %parallel_loop3A_174 : i32 to index
      %parallel_loop3A_213 = arith.constant 48 : index
      %parallel_loop3A_214 = tpu.vector_load %arg5[%parallel_loop3A_212, %parallel_loop3A_213] {strides = array<i32>} : memref<32x512xf32, #tpu.memory_space<vmem>>, vector<1x16xf32>,
      %parallel_loop3A_215 = vector.shape_cast %parallel_loop3A_214 : vector<1x16xf32> to vector<16xf32>
      %parallel_loop3A_216 = arith.index_cast %parallel_loop3A_174 : i32 to index
      %parallel_loop3A_217 = arith.constant 48 : index
      %parallel_loop3A_218 = tpu.vector_load %arg7[%parallel_loop3A_216, %parallel_loop3A_217] {strides = array<i32>} : memref<32x512xi32, #tpu.memory_space<vmem>>, vector<1x16xi32>,
      %parallel_loop3A_219 = vector.shape_cast %parallel_loop3A_218 : vector<1x16xi32> to vector<16xi32>
      %parallel_loop3A_220 = arith.sitofp %parallel_loop3A_219 : vector<16xi32> to vector<16xf32>
      %parallel_loop3A_221 = arith.addf %parallel_loop3A_210, %parallel_loop3A_215 : vector<16xf32>
      %parallel_loop3A_222 = arith.addf %parallel_loop3A_211, %parallel_loop3A_220 : vector<16xf32>
      %parallel_loop3A_223 = arith.index_cast %parallel_loop3A_174 : i32 to index
      %parallel_loop3A_224 = arith.constant 64 : index
      %parallel_loop3A_225 = tpu.vector_load %arg5[%parallel_loop3A_223, %parallel_loop3A_224] {strides = array<i32>} : memref<32x512xf32, #tpu.memory_space<vmem>>, vector<1x16xf32>,
      %parallel_loop3A_226 = vector.shape_cast %parallel_loop3A_225 : vector<1x16xf32> to vector<16xf32>
      %parallel_loop3A_227 = arith.index_cast %parallel_loop3A_174 : i32 to index
      %parallel_loop3A_228 = arith.constant 64 : index
      %parallel_loop3A_229 = tpu.vector_load %arg7[%parallel_loop3A_227, %parallel_loop3A_228] {strides = array<i32>} : memref<32x512xi32, #tpu.memory_space<vmem>>, vector<1x16xi32>,
      %parallel_loop3A_230 = vector.shape_cast %parallel_loop3A_229 : vector<1x16xi32> to vector<16xi32>
      %parallel_loop3A_231 = arith.sitofp %parallel_loop3A_230 : vector<16xi32> to vector<16xf32>
      %parallel_loop3A_232 = arith.addf %parallel_loop3A_221, %parallel_loop3A_226 : vector<16xf32>
      %parallel_loop3A_233 = arith.addf %parallel_loop3A_222, %parallel_loop3A_231 : vector<16xf32>
      %parallel_loop3A_234 = arith.index_cast %parallel_loop3A_174 : i32 to index
      %parallel_loop3A_235 = arith.constant 80 : index
      %parallel_loop3A_236 = tpu.vector_load %arg5[%parallel_loop3A_234, %parallel_loop3A_235] {strides = array<i32>} : memref<32x512xf32, #tpu.memory_space<vmem>>, vector<1x16xf32>,
      %parallel_loop3A_237 = vector.shape_cast %parallel_loop3A_236 : vector<1x16xf32> to vector<16xf32>
      %parallel_loop3A_238 = arith.index_cast %parallel_loop3A_174 : i32 to index
      %parallel_loop3A_239 = arith.constant 80 : index
      %parallel_loop3A_240 = tpu.vector_load %arg7[%parallel_loop3A_238, %parallel_loop3A_239] {strides = array<i32>} : memref<32x512xi32, #tpu.memory_space<vmem>>, vector<1x16xi32>,
      %parallel_loop3A_241 = vector.shape_cast %parallel_loop3A_240 : vector<1x16xi32> to vector<16xi32>
      %parallel_loop3A_242 = arith.sitofp %parallel_loop3A_241 : vector<16xi32> to vector<16xf32>
      %parallel_loop3A_243 = arith.addf %parallel_loop3A_232, %parallel_loop3A_237 : vector<16xf32>
      %parallel_loop3A_244 = arith.addf %parallel_loop3A_233, %parallel_loop3A_242 : vector<16xf32>
      %parallel_loop3A_245 = arith.index_cast %parallel_loop3A_174 : i32 to index
      %parallel_loop3A_246 = arith.constant 96 : index
      %parallel_loop3A_247 = tpu.vector_load %arg5[%parallel_loop3A_245, %parallel_loop3A_246] {strides = array<i32>} : memref<32x512xf32, #tpu.memory_space<vmem>>, vector<1x16xf32>,
      %parallel_loop3A_248 = vector.shape_cast %parallel_loop3A_247 : vector<1x16xf32> to vector<16xf32>
      %parallel_loop3A_249 = arith.index_cast %parallel_loop3A_174 : i32 to index
      %parallel_loop3A_250 = arith.constant 96 : index
      %parallel_loop3A_251 = tpu.vector_load %arg7[%parallel_loop3A_249, %parallel_loop3A_250] {strides = array<i32>} : memref<32x512xi32, #tpu.memory_space<vmem>>, vector<1x16xi32>,
      %parallel_loop3A_252 = vector.shape_cast %parallel_loop3A_251 : vector<1x16xi32> to vector<16xi32>
      %parallel_loop3A_253 = arith.sitofp %parallel_loop3A_252 : vector<16xi32> to vector<16xf32>
      %parallel_loop3A_254 = arith.addf %parallel_loop3A_243, %parallel_loop3A_248 : vector<16xf32>
      %parallel_loop3A_255 = arith.addf %parallel_loop3A_244, %parallel_loop3A_253 : vector<16xf32>
      %parallel_loop3A_256 = arith.index_cast %parallel_loop3A_174 : i32 to index
      %parallel_loop3A_257 = arith.constant 112 : index
      %parallel_loop3A_258 = tpu.vector_load %arg5[%parallel_loop3A_256, %parallel_loop3A_257] {strides = array<i32>} : memref<32x512xf32, #tpu.memory_space<vmem>>, vector<1x16xf32>,
      %parallel_loop3A_259 = vector.shape_cast %parallel_loop3A_258 : vector<1x16xf32> to vector<16xf32>
      %parallel_loop3A_260 = arith.index_cast %parallel_loop3A_174 : i32 to index
      %parallel_loop3A_261 = arith.constant 112 : index
      %parallel_loop3A_262 = tpu.vector_load %arg7[%parallel_loop3A_260, %parallel_loop3A_261] {strides = array<i32>} : memref<32x512xi32, #tpu.memory_space<vmem>>, vector<1x16xi32>,
      %parallel_loop3A_263 = vector.shape_cast %parallel_loop3A_262 : vector<1x16xi32> to vector<16xi32>
      %parallel_loop3A_264 = arith.sitofp %parallel_loop3A_263 : vector<16xi32> to vector<16xf32>
      %parallel_loop3A_265 = arith.addf %parallel_loop3A_254, %parallel_loop3A_259 : vector<16xf32>
      %parallel_loop3A_266 = arith.addf %parallel_loop3A_255, %parallel_loop3A_264 : vector<16xf32>
      %parallel_loop3A_267 = arith.index_cast %parallel_loop3A_174 : i32 to index
      %parallel_loop3A_268 = arith.constant 128 : index
      %parallel_loop3A_269 = tpu.vector_load %arg5[%parallel_loop3A_267, %parallel_loop3A_268] {strides = array<i32>} : memref<32x512xf32, #tpu.memory_space<vmem>>, vector<1x16xf32>,
      %parallel_loop3A_270 = vector.shape_cast %parallel_loop3A_269 : vector<1x16xf32> to vector<16xf32>
      %parallel_loop3A_271 = arith.index_cast %parallel_loop3A_174 : i32 to index
      %parallel_loop3A_272 = arith.constant 128 : index
      %parallel_loop3A_273 = tpu.vector_load %arg7[%parallel_loop3A_271, %parallel_loop3A_272] {strides = array<i32>} : memref<32x512xi32, #tpu.memory_space<vmem>>, vector<1x16xi32>,
      %parallel_loop3A_274 = vector.shape_cast %parallel_loop3A_273 : vector<1x16xi32> to vector<16xi32>
      %parallel_loop3A_275 = arith.sitofp %parallel_loop3A_274 : vector<16xi32> to vector<16xf32>
      %parallel_loop3A_276 = arith.addf %parallel_loop3A_265, %parallel_loop3A_270 : vector<16xf32>
      %parallel_loop3A_277 = arith.addf %parallel_loop3A_266, %parallel_loop3A_275 : vector<16xf32>
      %parallel_loop3A_278 = arith.index_cast %parallel_loop3A_174 : i32 to index
      %parallel_loop3A_279 = arith.constant 144 : index
      %parallel_loop3A_280 = tpu.vector_load %arg5[%parallel_loop3A_278, %parallel_loop3A_279] {strides = array<i32>} : memref<32x512xf32, #tpu.memory_space<vmem>>, vector<1x16xf32>,
      %parallel_loop3A_281 = vector.shape_cast %parallel_loop3A_280 : vector<1x16xf32> to vector<16xf32>
      %parallel_loop3A_282 = arith.index_cast %parallel_loop3A_174 : i32 to index
      %parallel_loop3A_283 = arith.constant 144 : index
      %parallel_loop3A_284 = tpu.vector_load %arg7[%parallel_loop3A_282, %parallel_loop3A_283] {strides = array<i32>} : memref<32x512xi32, #tpu.memory_space<vmem>>, vector<1x16xi32>,
      %parallel_loop3A_285 = vector.shape_cast %parallel_loop3A_284 : vector<1x16xi32> to vector<16xi32>
      %parallel_loop3A_286 = arith.sitofp %parallel_loop3A_285 : vector<16xi32> to vector<16xf32>
      %parallel_loop3A_287 = arith.addf %parallel_loop3A_276, %parallel_loop3A_281 : vector<16xf32>
      %parallel_loop3A_288 = arith.addf %parallel_loop3A_277, %parallel_loop3A_286 : vector<16xf32>
      %parallel_loop3A_289 = arith.index_cast %parallel_loop3A_174 : i32 to index
      %parallel_loop3A_290 = arith.constant 160 : index
      %parallel_loop3A_291 = tpu.vector_load %arg5[%parallel_loop3A_289, %parallel_loop3A_290] {strides = array<i32>} : memref<32x512xf32, #tpu.memory_space<vmem>>, vector<1x16xf32>,
      %parallel_loop3A_292 = vector.shape_cast %parallel_loop3A_291 : vector<1x16xf32> to vector<16xf32>
      %parallel_loop3A_293 = arith.index_cast %parallel_loop3A_174 : i32 to index
      %parallel_loop3A_294 = arith.constant 160 : index
      %parallel_loop3A_295 = tpu.vector_load %arg7[%parallel_loop3A_293, %parallel_loop3A_294] {strides = array<i32>} : memref<32x512xi32, #tpu.memory_space<vmem>>, vector<1x16xi32>,
      %parallel_loop3A_296 = vector.shape_cast %parallel_loop3A_295 : vector<1x16xi32> to vector<16xi32>
      %parallel_loop3A_297 = arith.sitofp %parallel_loop3A_296 : vector<16xi32> to vector<16xf32>
      %parallel_loop3A_298 = arith.addf %parallel_loop3A_287, %parallel_loop3A_292 : vector<16xf32>
      %parallel_loop3A_299 = arith.addf %parallel_loop3A_288, %parallel_loop3A_297 : vector<16xf32>
      %parallel_loop3A_300 = arith.index_cast %parallel_loop3A_174 : i32 to index
      %parallel_loop3A_301 = arith.constant 176 : index
      %parallel_loop3A_302 = tpu.vector_load %arg5[%parallel_loop3A_300, %parallel_loop3A_301] {strides = array<i32>} : memref<32x512xf32, #tpu.memory_space<vmem>>, vector<1x16xf32>,
      %parallel_loop3A_303 = vector.shape_cast %parallel_loop3A_302 : vector<1x16xf32> to vector<16xf32>
      %parallel_loop3A_304 = arith.index_cast %parallel_loop3A_174 : i32 to index
      %parallel_loop3A_305 = arith.constant 176 : index
      %parallel_loop3A_306 = tpu.vector_load %arg7[%parallel_loop3A_304, %parallel_loop3A_305] {strides = array<i32>} : memref<32x512xi32, #tpu.memory_space<vmem>>, vector<1x16xi32>,
      %parallel_loop3A_307 = vector.shape_cast %parallel_loop3A_306 : vector<1x16xi32> to vector<16xi32>
      %parallel_loop3A_308 = arith.sitofp %parallel_loop3A_307 : vector<16xi32> to vector<16xf32>
      %parallel_loop3A_309 = arith.addf %parallel_loop3A_298, %parallel_loop3A_303 : vector<16xf32>
      %parallel_loop3A_310 = arith.addf %parallel_loop3A_299, %parallel_loop3A_308 : vector<16xf32>
      %parallel_loop3A_311 = arith.index_cast %parallel_loop3A_174 : i32 to index
      %parallel_loop3A_312 = arith.constant 192 : index
      %parallel_loop3A_313 = tpu.vector_load %arg5[%parallel_loop3A_311, %parallel_loop3A_312] {strides = array<i32>} : memref<32x512xf32, #tpu.memory_space<vmem>>, vector<1x16xf32>,
      %parallel_loop3A_314 = vector.shape_cast %parallel_loop3A_313 : vector<1x16xf32> to vector<16xf32>
      %parallel_loop3A_315 = arith.index_cast %parallel_loop3A_174 : i32 to index
      %parallel_loop3A_316 = arith.constant 192 : index
      %parallel_loop3A_317 = tpu.vector_load %arg7[%parallel_loop3A_315, %parallel_loop3A_316] {strides = array<i32>} : memref<32x512xi32, #tpu.memory_space<vmem>>, vector<1x16xi32>,
      %parallel_loop3A_318 = vector.shape_cast %parallel_loop3A_317 : vector<1x16xi32> to vector<16xi32>
      %parallel_loop3A_319 = arith.sitofp %parallel_loop3A_318 : vector<16xi32> to vector<16xf32>
      %parallel_loop3A_320 = arith.addf %parallel_loop3A_309, %parallel_loop3A_314 : vector<16xf32>
      %parallel_loop3A_321 = arith.addf %parallel_loop3A_310, %parallel_loop3A_319 : vector<16xf32>
      %parallel_loop3A_322 = arith.index_cast %parallel_loop3A_174 : i32 to index
      %parallel_loop3A_323 = arith.constant 208 : index
      %parallel_loop3A_324 = tpu.vector_load %arg5[%parallel_loop3A_322, %parallel_loop3A_323] {strides = array<i32>} : memref<32x512xf32, #tpu.memory_space<vmem>>, vector<1x16xf32>,
      %parallel_loop3A_325 = vector.shape_cast %parallel_loop3A_324 : vector<1x16xf32> to vector<16xf32>
      %parallel_loop3A_326 = arith.index_cast %parallel_loop3A_174 : i32 to index
      %parallel_loop3A_327 = arith.constant 208 : index
      %parallel_loop3A_328 = tpu.vector_load %arg7[%parallel_loop3A_326, %parallel_loop3A_327] {strides = array<i32>} : memref<32x512xi32, #tpu.memory_space<vmem>>, vector<1x16xi32>,
      %parallel_loop3A_329 = vector.shape_cast %parallel_loop3A_328 : vector<1x16xi32> to vector<16xi32>
      %parallel_loop3A_330 = arith.sitofp %parallel_loop3A_329 : vector<16xi32> to vector<16xf32>
      %parallel_loop3A_331 = arith.addf %parallel_loop3A_320, %parallel_loop3A_325 : vector<16xf32>
      %parallel_loop3A_332 = arith.addf %parallel_loop3A_321, %parallel_loop3A_330 : vector<16xf32>
      %parallel_loop3A_333 = arith.index_cast %parallel_loop3A_174 : i32 to index
      %parallel_loop3A_334 = arith.constant 224 : index
      %parallel_loop3A_335 = tpu.vector_load %arg5[%parallel_loop3A_333, %parallel_loop3A_334] {strides = array<i32>} : memref<32x512xf32, #tpu.memory_space<vmem>>, vector<1x16xf32>,
      %parallel_loop3A_336 = vector.shape_cast %parallel_loop3A_335 : vector<1x16xf32> to vector<16xf32>
      %parallel_loop3A_337 = arith.index_cast %parallel_loop3A_174 : i32 to index
      %parallel_loop3A_338 = arith.constant 224 : index
      %parallel_loop3A_339 = tpu.vector_load %arg7[%parallel_loop3A_337, %parallel_loop3A_338] {strides = array<i32>} : memref<32x512xi32, #tpu.memory_space<vmem>>, vector<1x16xi32>,
      %parallel_loop3A_340 = vector.shape_cast %parallel_loop3A_339 : vector<1x16xi32> to vector<16xi32>
      %parallel_loop3A_341 = arith.sitofp %parallel_loop3A_340 : vector<16xi32> to vector<16xf32>
      %parallel_loop3A_342 = arith.addf %parallel_loop3A_331, %parallel_loop3A_336 : vector<16xf32>
      %parallel_loop3A_343 = arith.addf %parallel_loop3A_332, %parallel_loop3A_341 : vector<16xf32>
      %parallel_loop3A_344 = arith.index_cast %parallel_loop3A_174 : i32 to index
      %parallel_loop3A_345 = arith.constant 240 : index
      %parallel_loop3A_346 = tpu.vector_load %arg5[%parallel_loop3A_344, %parallel_loop3A_345] {strides = array<i32>} : memref<32x512xf32, #tpu.memory_space<vmem>>, vector<1x16xf32>,
      %parallel_loop3A_347 = vector.shape_cast %parallel_loop3A_346 : vector<1x16xf32> to vector<16xf32>
      %parallel_loop3A_348 = arith.index_cast %parallel_loop3A_174 : i32 to index
      %parallel_loop3A_349 = arith.constant 240 : index
      %parallel_loop3A_350 = tpu.vector_load %arg7[%parallel_loop3A_348, %parallel_loop3A_349] {strides = array<i32>} : memref<32x512xi32, #tpu.memory_space<vmem>>, vector<1x16xi32>,
      %parallel_loop3A_351 = vector.shape_cast %parallel_loop3A_350 : vector<1x16xi32> to vector<16xi32>
      %parallel_loop3A_352 = arith.sitofp %parallel_loop3A_351 : vector<16xi32> to vector<16xf32>
      %parallel_loop3A_353 = arith.addf %parallel_loop3A_342, %parallel_loop3A_347 : vector<16xf32>
      %parallel_loop3A_354 = arith.addf %parallel_loop3A_343, %parallel_loop3A_352 : vector<16xf32>
      %parallel_loop3A_355 = arith.index_cast %parallel_loop3A_174 : i32 to index
      %parallel_loop3A_356 = arith.constant 256 : index
      %parallel_loop3A_357 = tpu.vector_load %arg5[%parallel_loop3A_355, %parallel_loop3A_356] {strides = array<i32>} : memref<32x512xf32, #tpu.memory_space<vmem>>, vector<1x16xf32>,
      %parallel_loop3A_358 = vector.shape_cast %parallel_loop3A_357 : vector<1x16xf32> to vector<16xf32>
      %parallel_loop3A_359 = arith.index_cast %parallel_loop3A_174 : i32 to index
      %parallel_loop3A_360 = arith.constant 256 : index
      %parallel_loop3A_361 = tpu.vector_load %arg7[%parallel_loop3A_359, %parallel_loop3A_360] {strides = array<i32>} : memref<32x512xi32, #tpu.memory_space<vmem>>, vector<1x16xi32>,
      %parallel_loop3A_362 = vector.shape_cast %parallel_loop3A_361 : vector<1x16xi32> to vector<16xi32>
      %parallel_loop3A_363 = arith.sitofp %parallel_loop3A_362 : vector<16xi32> to vector<16xf32>
      %parallel_loop3A_364 = arith.addf %parallel_loop3A_353, %parallel_loop3A_358 : vector<16xf32>
      %parallel_loop3A_365 = arith.addf %parallel_loop3A_354, %parallel_loop3A_363 : vector<16xf32>
      %parallel_loop3A_366 = arith.index_cast %parallel_loop3A_174 : i32 to index
      %parallel_loop3A_367 = arith.constant 272 : index
      %parallel_loop3A_368 = tpu.vector_load %arg5[%parallel_loop3A_366, %parallel_loop3A_367] {strides = array<i32>} : memref<32x512xf32, #tpu.memory_space<vmem>>, vector<1x16xf32>,
      %parallel_loop3A_369 = vector.shape_cast %parallel_loop3A_368 : vector<1x16xf32> to vector<16xf32>
      %parallel_loop3A_370 = arith.index_cast %parallel_loop3A_174 : i32 to index
      %parallel_loop3A_371 = arith.constant 272 : index
      %parallel_loop3A_372 = tpu.vector_load %arg7[%parallel_loop3A_370, %parallel_loop3A_371] {strides = array<i32>} : memref<32x512xi32, #tpu.memory_space<vmem>>, vector<1x16xi32>,
      %parallel_loop3A_373 = vector.shape_cast %parallel_loop3A_372 : vector<1x16xi32> to vector<16xi32>
      %parallel_loop3A_374 = arith.sitofp %parallel_loop3A_373 : vector<16xi32> to vector<16xf32>
      %parallel_loop3A_375 = arith.addf %parallel_loop3A_364, %parallel_loop3A_369 : vector<16xf32>
      %parallel_loop3A_376 = arith.addf %parallel_loop3A_365, %parallel_loop3A_374 : vector<16xf32>
      %parallel_loop3A_377 = arith.index_cast %parallel_loop3A_174 : i32 to index
      %parallel_loop3A_378 = arith.constant 288 : index
      %parallel_loop3A_379 = tpu.vector_load %arg5[%parallel_loop3A_377, %parallel_loop3A_378] {strides = array<i32>} : memref<32x512xf32, #tpu.memory_space<vmem>>, vector<1x16xf32>,
      %parallel_loop3A_380 = vector.shape_cast %parallel_loop3A_379 : vector<1x16xf32> to vector<16xf32>
      %parallel_loop3A_381 = arith.index_cast %parallel_loop3A_174 : i32 to index
      %parallel_loop3A_382 = arith.constant 288 : index
      %parallel_loop3A_383 = tpu.vector_load %arg7[%parallel_loop3A_381, %parallel_loop3A_382] {strides = array<i32>} : memref<32x512xi32, #tpu.memory_space<vmem>>, vector<1x16xi32>,
      %parallel_loop3A_384 = vector.shape_cast %parallel_loop3A_383 : vector<1x16xi32> to vector<16xi32>
      %parallel_loop3A_385 = arith.sitofp %parallel_loop3A_384 : vector<16xi32> to vector<16xf32>
      %parallel_loop3A_386 = arith.addf %parallel_loop3A_375, %parallel_loop3A_380 : vector<16xf32>
      %parallel_loop3A_387 = arith.addf %parallel_loop3A_376, %parallel_loop3A_385 : vector<16xf32>
      %parallel_loop3A_388 = arith.index_cast %parallel_loop3A_174 : i32 to index
      %parallel_loop3A_389 = arith.constant 304 : index
      %parallel_loop3A_390 = tpu.vector_load %arg5[%parallel_loop3A_388, %parallel_loop3A_389] {strides = array<i32>} : memref<32x512xf32, #tpu.memory_space<vmem>>, vector<1x16xf32>,
      %parallel_loop3A_391 = vector.shape_cast %parallel_loop3A_390 : vector<1x16xf32> to vector<16xf32>
      %parallel_loop3A_392 = arith.index_cast %parallel_loop3A_174 : i32 to index
      %parallel_loop3A_393 = arith.constant 304 : index
      %parallel_loop3A_394 = tpu.vector_load %arg7[%parallel_loop3A_392, %parallel_loop3A_393] {strides = array<i32>} : memref<32x512xi32, #tpu.memory_space<vmem>>, vector<1x16xi32>,
      %parallel_loop3A_395 = vector.shape_cast %parallel_loop3A_394 : vector<1x16xi32> to vector<16xi32>
      %parallel_loop3A_396 = arith.sitofp %parallel_loop3A_395 : vector<16xi32> to vector<16xf32>
      %parallel_loop3A_397 = arith.addf %parallel_loop3A_386, %parallel_loop3A_391 : vector<16xf32>
      %parallel_loop3A_398 = arith.addf %parallel_loop3A_387, %parallel_loop3A_396 : vector<16xf32>
      %parallel_loop3A_399 = arith.index_cast %parallel_loop3A_174 : i32 to index
      %parallel_loop3A_400 = arith.constant 320 : index
      %parallel_loop3A_401 = tpu.vector_load %arg5[%parallel_loop3A_399, %parallel_loop3A_400] {strides = array<i32>} : memref<32x512xf32, #tpu.memory_space<vmem>>, vector<1x16xf32>,
      %parallel_loop3A_402 = vector.shape_cast %parallel_loop3A_401 : vector<1x16xf32> to vector<16xf32>
      %parallel_loop3A_403 = arith.index_cast %parallel_loop3A_174 : i32 to index
      %parallel_loop3A_404 = arith.constant 320 : index
      %parallel_loop3A_405 = tpu.vector_load %arg7[%parallel_loop3A_403, %parallel_loop3A_404] {strides = array<i32>} : memref<32x512xi32, #tpu.memory_space<vmem>>, vector<1x16xi32>,
      %parallel_loop3A_406 = vector.shape_cast %parallel_loop3A_405 : vector<1x16xi32> to vector<16xi32>
      %parallel_loop3A_407 = arith.sitofp %parallel_loop3A_406 : vector<16xi32> to vector<16xf32>
      %parallel_loop3A_408 = arith.addf %parallel_loop3A_397, %parallel_loop3A_402 : vector<16xf32>
      %parallel_loop3A_409 = arith.addf %parallel_loop3A_398, %parallel_loop3A_407 : vector<16xf32>
      %parallel_loop3A_410 = arith.index_cast %parallel_loop3A_174 : i32 to index
      %parallel_loop3A_411 = arith.constant 336 : index
      %parallel_loop3A_412 = tpu.vector_load %arg5[%parallel_loop3A_410, %parallel_loop3A_411] {strides = array<i32>} : memref<32x512xf32, #tpu.memory_space<vmem>>, vector<1x16xf32>,
      %parallel_loop3A_413 = vector.shape_cast %parallel_loop3A_412 : vector<1x16xf32> to vector<16xf32>
      %parallel_loop3A_414 = arith.index_cast %parallel_loop3A_174 : i32 to index
      %parallel_loop3A_415 = arith.constant 336 : index
      %parallel_loop3A_416 = tpu.vector_load %arg7[%parallel_loop3A_414, %parallel_loop3A_415] {strides = array<i32>} : memref<32x512xi32, #tpu.memory_space<vmem>>, vector<1x16xi32>,
      %parallel_loop3A_417 = vector.shape_cast %parallel_loop3A_416 : vector<1x16xi32> to vector<16xi32>
      %parallel_loop3A_418 = arith.sitofp %parallel_loop3A_417 : vector<16xi32> to vector<16xf32>
      %parallel_loop3A_419 = arith.addf %parallel_loop3A_408, %parallel_loop3A_413 : vector<16xf32>
      %parallel_loop3A_420 = arith.addf %parallel_loop3A_409, %parallel_loop3A_418 : vector<16xf32>
      %parallel_loop3A_421 = arith.index_cast %parallel_loop3A_174 : i32 to index
      %parallel_loop3A_422 = arith.constant 352 : index
      %parallel_loop3A_423 = tpu.vector_load %arg5[%parallel_loop3A_421, %parallel_loop3A_422] {strides = array<i32>} : memref<32x512xf32, #tpu.memory_space<vmem>>, vector<1x16xf32>,
      %parallel_loop3A_424 = vector.shape_cast %parallel_loop3A_423 : vector<1x16xf32> to vector<16xf32>
      %parallel_loop3A_425 = arith.index_cast %parallel_loop3A_174 : i32 to index
      %parallel_loop3A_426 = arith.constant 352 : index
      %parallel_loop3A_427 = tpu.vector_load %arg7[%parallel_loop3A_425, %parallel_loop3A_426] {strides = array<i32>} : memref<32x512xi32, #tpu.memory_space<vmem>>, vector<1x16xi32>,
      %parallel_loop3A_428 = vector.shape_cast %parallel_loop3A_427 : vector<1x16xi32> to vector<16xi32>
      %parallel_loop3A_429 = arith.sitofp %parallel_loop3A_428 : vector<16xi32> to vector<16xf32>
      %parallel_loop3A_430 = arith.addf %parallel_loop3A_419, %parallel_loop3A_424 : vector<16xf32>
      %parallel_loop3A_431 = arith.addf %parallel_loop3A_420, %parallel_loop3A_429 : vector<16xf32>
      %parallel_loop3A_432 = arith.index_cast %parallel_loop3A_174 : i32 to index
      %parallel_loop3A_433 = arith.constant 368 : index
      %parallel_loop3A_434 = tpu.vector_load %arg5[%parallel_loop3A_432, %parallel_loop3A_433] {strides = array<i32>} : memref<32x512xf32, #tpu.memory_space<vmem>>, vector<1x16xf32>,
      %parallel_loop3A_435 = vector.shape_cast %parallel_loop3A_434 : vector<1x16xf32> to vector<16xf32>
      %parallel_loop3A_436 = arith.index_cast %parallel_loop3A_174 : i32 to index
      %parallel_loop3A_437 = arith.constant 368 : index
      %parallel_loop3A_438 = tpu.vector_load %arg7[%parallel_loop3A_436, %parallel_loop3A_437] {strides = array<i32>} : memref<32x512xi32, #tpu.memory_space<vmem>>, vector<1x16xi32>,
      %parallel_loop3A_439 = vector.shape_cast %parallel_loop3A_438 : vector<1x16xi32> to vector<16xi32>
      %parallel_loop3A_440 = arith.sitofp %parallel_loop3A_439 : vector<16xi32> to vector<16xf32>
      %parallel_loop3A_441 = arith.addf %parallel_loop3A_430, %parallel_loop3A_435 : vector<16xf32>
      %parallel_loop3A_442 = arith.addf %parallel_loop3A_431, %parallel_loop3A_440 : vector<16xf32>
      %parallel_loop3A_443 = arith.index_cast %parallel_loop3A_174 : i32 to index
      %parallel_loop3A_444 = arith.constant 384 : index
      %parallel_loop3A_445 = tpu.vector_load %arg5[%parallel_loop3A_443, %parallel_loop3A_444] {strides = array<i32>} : memref<32x512xf32, #tpu.memory_space<vmem>>, vector<1x16xf32>,
      %parallel_loop3A_446 = vector.shape_cast %parallel_loop3A_445 : vector<1x16xf32> to vector<16xf32>
      %parallel_loop3A_447 = arith.index_cast %parallel_loop3A_174 : i32 to index
      %parallel_loop3A_448 = arith.constant 384 : index
      %parallel_loop3A_449 = tpu.vector_load %arg7[%parallel_loop3A_447, %parallel_loop3A_448] {strides = array<i32>} : memref<32x512xi32, #tpu.memory_space<vmem>>, vector<1x16xi32>,
      %parallel_loop3A_450 = vector.shape_cast %parallel_loop3A_449 : vector<1x16xi32> to vector<16xi32>
      %parallel_loop3A_451 = arith.sitofp %parallel_loop3A_450 : vector<16xi32> to vector<16xf32>
      %parallel_loop3A_452 = arith.addf %parallel_loop3A_441, %parallel_loop3A_446 : vector<16xf32>
      %parallel_loop3A_453 = arith.addf %parallel_loop3A_442, %parallel_loop3A_451 : vector<16xf32>
      %parallel_loop3A_454 = arith.index_cast %parallel_loop3A_174 : i32 to index
      %parallel_loop3A_455 = arith.constant 400 : index
      %parallel_loop3A_456 = tpu.vector_load %arg5[%parallel_loop3A_454, %parallel_loop3A_455] {strides = array<i32>} : memref<32x512xf32, #tpu.memory_space<vmem>>, vector<1x16xf32>,
      %parallel_loop3A_457 = vector.shape_cast %parallel_loop3A_456 : vector<1x16xf32> to vector<16xf32>
      %parallel_loop3A_458 = arith.index_cast %parallel_loop3A_174 : i32 to index
      %parallel_loop3A_459 = arith.constant 400 : index
      %parallel_loop3A_460 = tpu.vector_load %arg7[%parallel_loop3A_458, %parallel_loop3A_459] {strides = array<i32>} : memref<32x512xi32, #tpu.memory_space<vmem>>, vector<1x16xi32>,
      %parallel_loop3A_461 = vector.shape_cast %parallel_loop3A_460 : vector<1x16xi32> to vector<16xi32>
      %parallel_loop3A_462 = arith.sitofp %parallel_loop3A_461 : vector<16xi32> to vector<16xf32>
      %parallel_loop3A_463 = arith.addf %parallel_loop3A_452, %parallel_loop3A_457 : vector<16xf32>
      %parallel_loop3A_464 = arith.addf %parallel_loop3A_453, %parallel_loop3A_462 : vector<16xf32>
      %parallel_loop3A_465 = arith.index_cast %parallel_loop3A_174 : i32 to index
      %parallel_loop3A_466 = arith.constant 416 : index
      %parallel_loop3A_467 = tpu.vector_load %arg5[%parallel_loop3A_465, %parallel_loop3A_466] {strides = array<i32>} : memref<32x512xf32, #tpu.memory_space<vmem>>, vector<1x16xf32>,
      %parallel_loop3A_468 = vector.shape_cast %parallel_loop3A_467 : vector<1x16xf32> to vector<16xf32>
      %parallel_loop3A_469 = arith.index_cast %parallel_loop3A_174 : i32 to index
      %parallel_loop3A_470 = arith.constant 416 : index
      %parallel_loop3A_471 = tpu.vector_load %arg7[%parallel_loop3A_469, %parallel_loop3A_470] {strides = array<i32>} : memref<32x512xi32, #tpu.memory_space<vmem>>, vector<1x16xi32>,
      %parallel_loop3A_472 = vector.shape_cast %parallel_loop3A_471 : vector<1x16xi32> to vector<16xi32>
      %parallel_loop3A_473 = arith.sitofp %parallel_loop3A_472 : vector<16xi32> to vector<16xf32>
      %parallel_loop3A_474 = arith.addf %parallel_loop3A_463, %parallel_loop3A_468 : vector<16xf32>
      %parallel_loop3A_475 = arith.addf %parallel_loop3A_464, %parallel_loop3A_473 : vector<16xf32>
      %parallel_loop3A_476 = arith.index_cast %parallel_loop3A_174 : i32 to index
      %parallel_loop3A_477 = arith.constant 432 : index
      %parallel_loop3A_478 = tpu.vector_load %arg5[%parallel_loop3A_476, %parallel_loop3A_477] {strides = array<i32>} : memref<32x512xf32, #tpu.memory_space<vmem>>, vector<1x16xf32>,
      %parallel_loop3A_479 = vector.shape_cast %parallel_loop3A_478 : vector<1x16xf32> to vector<16xf32>
      %parallel_loop3A_480 = arith.index_cast %parallel_loop3A_174 : i32 to index
      %parallel_loop3A_481 = arith.constant 432 : index
      %parallel_loop3A_482 = tpu.vector_load %arg7[%parallel_loop3A_480, %parallel_loop3A_481] {strides = array<i32>} : memref<32x512xi32, #tpu.memory_space<vmem>>, vector<1x16xi32>,
      %parallel_loop3A_483 = vector.shape_cast %parallel_loop3A_482 : vector<1x16xi32> to vector<16xi32>
      %parallel_loop3A_484 = arith.sitofp %parallel_loop3A_483 : vector<16xi32> to vector<16xf32>
      %parallel_loop3A_485 = arith.addf %parallel_loop3A_474, %parallel_loop3A_479 : vector<16xf32>
      %parallel_loop3A_486 = arith.addf %parallel_loop3A_475, %parallel_loop3A_484 : vector<16xf32>
      %parallel_loop3A_487 = arith.index_cast %parallel_loop3A_174 : i32 to index
      %parallel_loop3A_488 = arith.constant 448 : index
      %parallel_loop3A_489 = tpu.vector_load %arg5[%parallel_loop3A_487, %parallel_loop3A_488] {strides = array<i32>} : memref<32x512xf32, #tpu.memory_space<vmem>>, vector<1x16xf32>,
      %parallel_loop3A_490 = vector.shape_cast %parallel_loop3A_489 : vector<1x16xf32> to vector<16xf32>
      %parallel_loop3A_491 = arith.index_cast %parallel_loop3A_174 : i32 to index
      %parallel_loop3A_492 = arith.constant 448 : index
      %parallel_loop3A_493 = tpu.vector_load %arg7[%parallel_loop3A_491, %parallel_loop3A_492] {strides = array<i32>} : memref<32x512xi32, #tpu.memory_space<vmem>>, vector<1x16xi32>,
      %parallel_loop3A_494 = vector.shape_cast %parallel_loop3A_493 : vector<1x16xi32> to vector<16xi32>
      %parallel_loop3A_495 = arith.sitofp %parallel_loop3A_494 : vector<16xi32> to vector<16xf32>
      %parallel_loop3A_496 = arith.addf %parallel_loop3A_485, %parallel_loop3A_490 : vector<16xf32>
      %parallel_loop3A_497 = arith.addf %parallel_loop3A_486, %parallel_loop3A_495 : vector<16xf32>
      %parallel_loop3A_498 = arith.index_cast %parallel_loop3A_174 : i32 to index
      %parallel_loop3A_499 = arith.constant 464 : index
      %parallel_loop3A_500 = tpu.vector_load %arg5[%parallel_loop3A_498, %parallel_loop3A_499] {strides = array<i32>} : memref<32x512xf32, #tpu.memory_space<vmem>>, vector<1x16xf32>,
      %parallel_loop3A_501 = vector.shape_cast %parallel_loop3A_500 : vector<1x16xf32> to vector<16xf32>
      %parallel_loop3A_502 = arith.index_cast %parallel_loop3A_174 : i32 to index
      %parallel_loop3A_503 = arith.constant 464 : index
      %parallel_loop3A_504 = tpu.vector_load %arg7[%parallel_loop3A_502, %parallel_loop3A_503] {strides = array<i32>} : memref<32x512xi32, #tpu.memory_space<vmem>>, vector<1x16xi32>,
      %parallel_loop3A_505 = vector.shape_cast %parallel_loop3A_504 : vector<1x16xi32> to vector<16xi32>
      %parallel_loop3A_506 = arith.sitofp %parallel_loop3A_505 : vector<16xi32> to vector<16xf32>
      %parallel_loop3A_507 = arith.addf %parallel_loop3A_496, %parallel_loop3A_501 : vector<16xf32>
      %parallel_loop3A_508 = arith.addf %parallel_loop3A_497, %parallel_loop3A_506 : vector<16xf32>
      %parallel_loop3A_509 = arith.index_cast %parallel_loop3A_174 : i32 to index
      %parallel_loop3A_510 = arith.constant 480 : index
      %parallel_loop3A_511 = tpu.vector_load %arg5[%parallel_loop3A_509, %parallel_loop3A_510] {strides = array<i32>} : memref<32x512xf32, #tpu.memory_space<vmem>>, vector<1x16xf32>,
      %parallel_loop3A_512 = vector.shape_cast %parallel_loop3A_511 : vector<1x16xf32> to vector<16xf32>
      %parallel_loop3A_513 = arith.index_cast %parallel_loop3A_174 : i32 to index
      %parallel_loop3A_514 = arith.constant 480 : index
      %parallel_loop3A_515 = tpu.vector_load %arg7[%parallel_loop3A_513, %parallel_loop3A_514] {strides = array<i32>} : memref<32x512xi32, #tpu.memory_space<vmem>>, vector<1x16xi32>,
      %parallel_loop3A_516 = vector.shape_cast %parallel_loop3A_515 : vector<1x16xi32> to vector<16xi32>
      %parallel_loop3A_517 = arith.sitofp %parallel_loop3A_516 : vector<16xi32> to vector<16xf32>
      %parallel_loop3A_518 = arith.addf %parallel_loop3A_507, %parallel_loop3A_512 : vector<16xf32>
      %parallel_loop3A_519 = arith.addf %parallel_loop3A_508, %parallel_loop3A_517 : vector<16xf32>
      %parallel_loop3A_520 = arith.index_cast %parallel_loop3A_174 : i32 to index
      %parallel_loop3A_521 = arith.constant 496 : index
      %parallel_loop3A_522 = tpu.vector_load %arg5[%parallel_loop3A_520, %parallel_loop3A_521] {strides = array<i32>} : memref<32x512xf32, #tpu.memory_space<vmem>>, vector<1x16xf32>,
      %parallel_loop3A_523 = vector.shape_cast %parallel_loop3A_522 : vector<1x16xf32> to vector<16xf32>
      %parallel_loop3A_524 = arith.index_cast %parallel_loop3A_174 : i32 to index
      %parallel_loop3A_525 = arith.constant 496 : index
      %parallel_loop3A_526 = tpu.vector_load %arg7[%parallel_loop3A_524, %parallel_loop3A_525] {strides = array<i32>} : memref<32x512xi32, #tpu.memory_space<vmem>>, vector<1x16xi32>,
      %parallel_loop3A_527 = vector.shape_cast %parallel_loop3A_526 : vector<1x16xi32> to vector<16xi32>
      %parallel_loop3A_528 = arith.sitofp %parallel_loop3A_527 : vector<16xi32> to vector<16xf32>
      %parallel_loop3A_529 = arith.addf %parallel_loop3A_518, %parallel_loop3A_523 : vector<16xf32>
      %parallel_loop3A_530 = arith.addf %parallel_loop3A_519, %parallel_loop3A_528 : vector<16xf32>
      scf.yield %parallel_loop3A_529, %parallel_loop3A_176, %parallel_loop3A_530, %parallel_loop3A_178 : vector<16xf32>, vector<16xf32>, vector<16xf32>, vector<16xf32>
    } {sc.loop_unroll_factor = 2 : i64, sc.parallel_access}
    %dma_wait3A_143 = arith.constant 0 : i32
    %dma_wait3A_144 = tpu.memref_slice %arg2[%select_n3A, %add3A_112, %dma_wait3A_143] : memref<32x512x512xf32, #tpu.memory_space<hbm>> -> memref<1x32x512xf32, #tpu.memory_space<hbm>>
    %dma_wait3A_145 = tpu.memref_squeeze %dma_wait3A_144 : memref<1x32x512xf32, #tpu.memory_space<hbm>> -> memref<32x512xf32, #tpu.memory_space<hbm>>
    %dma_wait3A_146 = arith.constant 0 : i32
    %dma_wait3A_147 = tpu.memref_slice %arg2[%select_n3A, %add3A_112, %dma_wait3A_146] : memref<32x512x512xf32, #tpu.memory_space<hbm>> -> memref<1x32x512xf32, #tpu.memory_space<hbm>>
    %dma_wait3A_148 = tpu.memref_squeeze %dma_wait3A_147 : memref<1x32x512xf32, #tpu.memory_space<hbm>> -> memref<32x512xf32, #tpu.memory_space<hbm>>
    tpu.wait_dma2 semaphore(%arg11 : memref<!tpu.dma_semaphore, #tpu.memory_space<semaphore_mem>>) src(%dma_wait3A_148 : memref<32x512xf32, #tpu.memory_space<hbm>>) dst(%arg6 : memref<32x512xf32, #tpu.memory_space<vmem>>)
    %dma_wait3A_149 = arith.constant 0 : i32
    %dma_wait3A_150 = tpu.memref_slice %arg3[%select_n3A, %add3A_120, %dma_wait3A_149] : memref<32x512x512xi32, #tpu.memory_space<hbm>> -> memref<1x32x512xi32, #tpu.memory_space<hbm>>
    %dma_wait3A_151 = tpu.memref_squeeze %dma_wait3A_150 : memref<1x32x512xi32, #tpu.memory_space<hbm>> -> memref<32x512xi32, #tpu.memory_space<hbm>>
    %dma_wait3A_152 = arith.constant 0 : i32
    %dma_wait3A_153 = tpu.memref_slice %arg3[%select_n3A, %add3A_120, %dma_wait3A_152] : memref<32x512x512xi32, #tpu.memory_space<hbm>> -> memref<1x32x512xi32, #tpu.memory_space<hbm>>
    %dma_wait3A_154 = tpu.memref_squeeze %dma_wait3A_153 : memref<1x32x512xi32, #tpu.memory_space<hbm>> -> memref<32x512xi32, #tpu.memory_space<hbm>>
    tpu.wait_dma2 semaphore(%arg11 : memref<!tpu.dma_semaphore, #tpu.memory_space<semaphore_mem>>) src(%dma_wait3A_154 : memref<32x512xi32, #tpu.memory_space<hbm>>) dst(%arg8 : memref<32x512xi32, #tpu.memory_space<vmem>>)
    %parallel_loop3A_155 = arith.constant 0 : i32
    %parallel_loop3A_156 = arith.constant 32 : i32
    %parallel_loop3A_157 = arith.constant 1 : i32
    %parallel_loop3A_158:4 = scf.for %parallel_loop3A_174 = %parallel_loop3A_155 to %parallel_loop3A_156 step %parallel_loop3A_157 iter_args(%parallel_loop3A_175 = %parallel_loop3A_142#0, %parallel_loop3A_176 = %parallel_loop3A_142#1, %parallel_loop3A_177 = %parallel_loop3A_142#2, %parallel_loop3A_178 = %parallel_loop3A_142#3) -> (vector<16xf32>, vector<16xf32>, vector<16xf32>, vector<16xf32>)  : i32 {
      %parallel_loop3A_179 = arith.index_cast %parallel_loop3A_174 : i32 to index
      %parallel_loop3A_180 = arith.constant 0 : index
      %parallel_loop3A_181 = tpu.vector_load %arg6[%parallel_loop3A_179, %parallel_loop3A_180] {strides = array<i32>} : memref<32x512xf32, #tpu.memory_space<vmem>>, vector<1x16xf32>,
      %parallel_loop3A_182 = vector.shape_cast %parallel_loop3A_181 : vector<1x16xf32> to vector<16xf32>
      %parallel_loop3A_183 = arith.index_cast %parallel_loop3A_174 : i32 to index
      %parallel_loop3A_184 = arith.constant 0 : index
      %parallel_loop3A_185 = tpu.vector_load %arg8[%parallel_loop3A_183, %parallel_loop3A_184] {strides = array<i32>} : memref<32x512xi32, #tpu.memory_space<vmem>>, vector<1x16xi32>,
      %parallel_loop3A_186 = vector.shape_cast %parallel_loop3A_185 : vector<1x16xi32> to vector<16xi32>
      %parallel_loop3A_187 = arith.sitofp %parallel_loop3A_186 : vector<16xi32> to vector<16xf32>
      %parallel_loop3A_188 = arith.addf %parallel_loop3A_175, %parallel_loop3A_182 : vector<16xf32>
      %parallel_loop3A_189 = arith.addf %parallel_loop3A_177, %parallel_loop3A_187 : vector<16xf32>
      %parallel_loop3A_190 = arith.index_cast %parallel_loop3A_174 : i32 to index
      %parallel_loop3A_191 = arith.constant 16 : index
      %parallel_loop3A_192 = tpu.vector_load %arg6[%parallel_loop3A_190, %parallel_loop3A_191] {strides = array<i32>} : memref<32x512xf32, #tpu.memory_space<vmem>>, vector<1x16xf32>,
      %parallel_loop3A_193 = vector.shape_cast %parallel_loop3A_192 : vector<1x16xf32> to vector<16xf32>
      %parallel_loop3A_194 = arith.index_cast %parallel_loop3A_174 : i32 to index
      %parallel_loop3A_195 = arith.constant 16 : index
      %parallel_loop3A_196 = tpu.vector_load %arg8[%parallel_loop3A_194, %parallel_loop3A_195] {strides = array<i32>} : memref<32x512xi32, #tpu.memory_space<vmem>>, vector<1x16xi32>,
      %parallel_loop3A_197 = vector.shape_cast %parallel_loop3A_196 : vector<1x16xi32> to vector<16xi32>
      %parallel_loop3A_198 = arith.sitofp %parallel_loop3A_197 : vector<16xi32> to vector<16xf32>
      %parallel_loop3A_199 = arith.addf %parallel_loop3A_188, %parallel_loop3A_193 : vector<16xf32>
      %parallel_loop3A_200 = arith.addf %parallel_loop3A_189, %parallel_loop3A_198 : vector<16xf32>
      %parallel_loop3A_201 = arith.index_cast %parallel_loop3A_174 : i32 to index
      %parallel_loop3A_202 = arith.constant 32 : index
      %parallel_loop3A_203 = tpu.vector_load %arg6[%parallel_loop3A_201, %parallel_loop3A_202] {strides = array<i32>} : memref<32x512xf32, #tpu.memory_space<vmem>>, vector<1x16xf32>,
      %parallel_loop3A_204 = vector.shape_cast %parallel_loop3A_203 : vector<1x16xf32> to vector<16xf32>
      %parallel_loop3A_205 = arith.index_cast %parallel_loop3A_174 : i32 to index
      %parallel_loop3A_206 = arith.constant 32 : index
      %parallel_loop3A_207 = tpu.vector_load %arg8[%parallel_loop3A_205, %parallel_loop3A_206] {strides = array<i32>} : memref<32x512xi32, #tpu.memory_space<vmem>>, vector<1x16xi32>,
      %parallel_loop3A_208 = vector.shape_cast %parallel_loop3A_207 : vector<1x16xi32> to vector<16xi32>
      %parallel_loop3A_209 = arith.sitofp %parallel_loop3A_208 : vector<16xi32> to vector<16xf32>
      %parallel_loop3A_210 = arith.addf %parallel_loop3A_199, %parallel_loop3A_204 : vector<16xf32>
      %parallel_loop3A_211 = arith.addf %parallel_loop3A_200, %parallel_loop3A_209 : vector<16xf32>
      %parallel_loop3A_212 = arith.index_cast %parallel_loop3A_174 : i32 to index
      %parallel_loop3A_213 = arith.constant 48 : index
      %parallel_loop3A_214 = tpu.vector_load %arg6[%parallel_loop3A_212, %parallel_loop3A_213] {strides = array<i32>} : memref<32x512xf32, #tpu.memory_space<vmem>>, vector<1x16xf32>,
      %parallel_loop3A_215 = vector.shape_cast %parallel_loop3A_214 : vector<1x16xf32> to vector<16xf32>
      %parallel_loop3A_216 = arith.index_cast %parallel_loop3A_174 : i32 to index
      %parallel_loop3A_217 = arith.constant 48 : index
      %parallel_loop3A_218 = tpu.vector_load %arg8[%parallel_loop3A_216, %parallel_loop3A_217] {strides = array<i32>} : memref<32x512xi32, #tpu.memory_space<vmem>>, vector<1x16xi32>,
      %parallel_loop3A_219 = vector.shape_cast %parallel_loop3A_218 : vector<1x16xi32> to vector<16xi32>
      %parallel_loop3A_220 = arith.sitofp %parallel_loop3A_219 : vector<16xi32> to vector<16xf32>
      %parallel_loop3A_221 = arith.addf %parallel_loop3A_210, %parallel_loop3A_215 : vector<16xf32>
      %parallel_loop3A_222 = arith.addf %parallel_loop3A_211, %parallel_loop3A_220 : vector<16xf32>
      %parallel_loop3A_223 = arith.index_cast %parallel_loop3A_174 : i32 to index
      %parallel_loop3A_224 = arith.constant 64 : index
      %parallel_loop3A_225 = tpu.vector_load %arg6[%parallel_loop3A_223, %parallel_loop3A_224] {strides = array<i32>} : memref<32x512xf32, #tpu.memory_space<vmem>>, vector<1x16xf32>,
      %parallel_loop3A_226 = vector.shape_cast %parallel_loop3A_225 : vector<1x16xf32> to vector<16xf32>
      %parallel_loop3A_227 = arith.index_cast %parallel_loop3A_174 : i32 to index
      %parallel_loop3A_228 = arith.constant 64 : index
      %parallel_loop3A_229 = tpu.vector_load %arg8[%parallel_loop3A_227, %parallel_loop3A_228] {strides = array<i32>} : memref<32x512xi32, #tpu.memory_space<vmem>>, vector<1x16xi32>,
      %parallel_loop3A_230 = vector.shape_cast %parallel_loop3A_229 : vector<1x16xi32> to vector<16xi32>
      %parallel_loop3A_231 = arith.sitofp %parallel_loop3A_230 : vector<16xi32> to vector<16xf32>
      %parallel_loop3A_232 = arith.addf %parallel_loop3A_221, %parallel_loop3A_226 : vector<16xf32>
      %parallel_loop3A_233 = arith.addf %parallel_loop3A_222, %parallel_loop3A_231 : vector<16xf32>
      %parallel_loop3A_234 = arith.index_cast %parallel_loop3A_174 : i32 to index
      %parallel_loop3A_235 = arith.constant 80 : index
      %parallel_loop3A_236 = tpu.vector_load %arg6[%parallel_loop3A_234, %parallel_loop3A_235] {strides = array<i32>} : memref<32x512xf32, #tpu.memory_space<vmem>>, vector<1x16xf32>,
      %parallel_loop3A_237 = vector.shape_cast %parallel_loop3A_236 : vector<1x16xf32> to vector<16xf32>
      %parallel_loop3A_238 = arith.index_cast %parallel_loop3A_174 : i32 to index
      %parallel_loop3A_239 = arith.constant 80 : index
      %parallel_loop3A_240 = tpu.vector_load %arg8[%parallel_loop3A_238, %parallel_loop3A_239] {strides = array<i32>} : memref<32x512xi32, #tpu.memory_space<vmem>>, vector<1x16xi32>,
      %parallel_loop3A_241 = vector.shape_cast %parallel_loop3A_240 : vector<1x16xi32> to vector<16xi32>
      %parallel_loop3A_242 = arith.sitofp %parallel_loop3A_241 : vector<16xi32> to vector<16xf32>
      %parallel_loop3A_243 = arith.addf %parallel_loop3A_232, %parallel_loop3A_237 : vector<16xf32>
      %parallel_loop3A_244 = arith.addf %parallel_loop3A_233, %parallel_loop3A_242 : vector<16xf32>
      %parallel_loop3A_245 = arith.index_cast %parallel_loop3A_174 : i32 to index
      %parallel_loop3A_246 = arith.constant 96 : index
      %parallel_loop3A_247 = tpu.vector_load %arg6[%parallel_loop3A_245, %parallel_loop3A_246] {strides = array<i32>} : memref<32x512xf32, #tpu.memory_space<vmem>>, vector<1x16xf32>,
      %parallel_loop3A_248 = vector.shape_cast %parallel_loop3A_247 : vector<1x16xf32> to vector<16xf32>
      %parallel_loop3A_249 = arith.index_cast %parallel_loop3A_174 : i32 to index
      %parallel_loop3A_250 = arith.constant 96 : index
      %parallel_loop3A_251 = tpu.vector_load %arg8[%parallel_loop3A_249, %parallel_loop3A_250] {strides = array<i32>} : memref<32x512xi32, #tpu.memory_space<vmem>>, vector<1x16xi32>,
      %parallel_loop3A_252 = vector.shape_cast %parallel_loop3A_251 : vector<1x16xi32> to vector<16xi32>
      %parallel_loop3A_253 = arith.sitofp %parallel_loop3A_252 : vector<16xi32> to vector<16xf32>
      %parallel_loop3A_254 = arith.addf %parallel_loop3A_243, %parallel_loop3A_248 : vector<16xf32>
      %parallel_loop3A_255 = arith.addf %parallel_loop3A_244, %parallel_loop3A_253 : vector<16xf32>
      %parallel_loop3A_256 = arith.index_cast %parallel_loop3A_174 : i32 to index
      %parallel_loop3A_257 = arith.constant 112 : index
      %parallel_loop3A_258 = tpu.vector_load %arg6[%parallel_loop3A_256, %parallel_loop3A_257] {strides = array<i32>} : memref<32x512xf32, #tpu.memory_space<vmem>>, vector<1x16xf32>,
      %parallel_loop3A_259 = vector.shape_cast %parallel_loop3A_258 : vector<1x16xf32> to vector<16xf32>
      %parallel_loop3A_260 = arith.index_cast %parallel_loop3A_174 : i32 to index
      %parallel_loop3A_261 = arith.constant 112 : index
      %parallel_loop3A_262 = tpu.vector_load %arg8[%parallel_loop3A_260, %parallel_loop3A_261] {strides = array<i32>} : memref<32x512xi32, #tpu.memory_space<vmem>>, vector<1x16xi32>,
      %parallel_loop3A_263 = vector.shape_cast %parallel_loop3A_262 : vector<1x16xi32> to vector<16xi32>
      %parallel_loop3A_264 = arith.sitofp %parallel_loop3A_263 : vector<16xi32> to vector<16xf32>
      %parallel_loop3A_265 = arith.addf %parallel_loop3A_254, %parallel_loop3A_259 : vector<16xf32>
      %parallel_loop3A_266 = arith.addf %parallel_loop3A_255, %parallel_loop3A_264 : vector<16xf32>
      %parallel_loop3A_267 = arith.index_cast %parallel_loop3A_174 : i32 to index
      %parallel_loop3A_268 = arith.constant 128 : index
      %parallel_loop3A_269 = tpu.vector_load %arg6[%parallel_loop3A_267, %parallel_loop3A_268] {strides = array<i32>} : memref<32x512xf32, #tpu.memory_space<vmem>>, vector<1x16xf32>,
      %parallel_loop3A_270 = vector.shape_cast %parallel_loop3A_269 : vector<1x16xf32> to vector<16xf32>
      %parallel_loop3A_271 = arith.index_cast %parallel_loop3A_174 : i32 to index
      %parallel_loop3A_272 = arith.constant 128 : index
      %parallel_loop3A_273 = tpu.vector_load %arg8[%parallel_loop3A_271, %parallel_loop3A_272] {strides = array<i32>} : memref<32x512xi32, #tpu.memory_space<vmem>>, vector<1x16xi32>,
      %parallel_loop3A_274 = vector.shape_cast %parallel_loop3A_273 : vector<1x16xi32> to vector<16xi32>
      %parallel_loop3A_275 = arith.sitofp %parallel_loop3A_274 : vector<16xi32> to vector<16xf32>
      %parallel_loop3A_276 = arith.addf %parallel_loop3A_265, %parallel_loop3A_270 : vector<16xf32>
      %parallel_loop3A_277 = arith.addf %parallel_loop3A_266, %parallel_loop3A_275 : vector<16xf32>
      %parallel_loop3A_278 = arith.index_cast %parallel_loop3A_174 : i32 to index
      %parallel_loop3A_279 = arith.constant 144 : index
      %parallel_loop3A_280 = tpu.vector_load %arg6[%parallel_loop3A_278, %parallel_loop3A_279] {strides = array<i32>} : memref<32x512xf32, #tpu.memory_space<vmem>>, vector<1x16xf32>,
      %parallel_loop3A_281 = vector.shape_cast %parallel_loop3A_280 : vector<1x16xf32> to vector<16xf32>
      %parallel_loop3A_282 = arith.index_cast %parallel_loop3A_174 : i32 to index
      %parallel_loop3A_283 = arith.constant 144 : index
      %parallel_loop3A_284 = tpu.vector_load %arg8[%parallel_loop3A_282, %parallel_loop3A_283] {strides = array<i32>} : memref<32x512xi32, #tpu.memory_space<vmem>>, vector<1x16xi32>,
      %parallel_loop3A_285 = vector.shape_cast %parallel_loop3A_284 : vector<1x16xi32> to vector<16xi32>
      %parallel_loop3A_286 = arith.sitofp %parallel_loop3A_285 : vector<16xi32> to vector<16xf32>
      %parallel_loop3A_287 = arith.addf %parallel_loop3A_276, %parallel_loop3A_281 : vector<16xf32>
      %parallel_loop3A_288 = arith.addf %parallel_loop3A_277, %parallel_loop3A_286 : vector<16xf32>
      %parallel_loop3A_289 = arith.index_cast %parallel_loop3A_174 : i32 to index
      %parallel_loop3A_290 = arith.constant 160 : index
      %parallel_loop3A_291 = tpu.vector_load %arg6[%parallel_loop3A_289, %parallel_loop3A_290] {strides = array<i32>} : memref<32x512xf32, #tpu.memory_space<vmem>>, vector<1x16xf32>,
      %parallel_loop3A_292 = vector.shape_cast %parallel_loop3A_291 : vector<1x16xf32> to vector<16xf32>
      %parallel_loop3A_293 = arith.index_cast %parallel_loop3A_174 : i32 to index
      %parallel_loop3A_294 = arith.constant 160 : index
      %parallel_loop3A_295 = tpu.vector_load %arg8[%parallel_loop3A_293, %parallel_loop3A_294] {strides = array<i32>} : memref<32x512xi32, #tpu.memory_space<vmem>>, vector<1x16xi32>,
      %parallel_loop3A_296 = vector.shape_cast %parallel_loop3A_295 : vector<1x16xi32> to vector<16xi32>
      %parallel_loop3A_297 = arith.sitofp %parallel_loop3A_296 : vector<16xi32> to vector<16xf32>
      %parallel_loop3A_298 = arith.addf %parallel_loop3A_287, %parallel_loop3A_292 : vector<16xf32>
      %parallel_loop3A_299 = arith.addf %parallel_loop3A_288, %parallel_loop3A_297 : vector<16xf32>
      %parallel_loop3A_300 = arith.index_cast %parallel_loop3A_174 : i32 to index
      %parallel_loop3A_301 = arith.constant 176 : index
      %parallel_loop3A_302 = tpu.vector_load %arg6[%parallel_loop3A_300, %parallel_loop3A_301] {strides = array<i32>} : memref<32x512xf32, #tpu.memory_space<vmem>>, vector<1x16xf32>,
      %parallel_loop3A_303 = vector.shape_cast %parallel_loop3A_302 : vector<1x16xf32> to vector<16xf32>
      %parallel_loop3A_304 = arith.index_cast %parallel_loop3A_174 : i32 to index
      %parallel_loop3A_305 = arith.constant 176 : index
      %parallel_loop3A_306 = tpu.vector_load %arg8[%parallel_loop3A_304, %parallel_loop3A_305] {strides = array<i32>} : memref<32x512xi32, #tpu.memory_space<vmem>>, vector<1x16xi32>,
      %parallel_loop3A_307 = vector.shape_cast %parallel_loop3A_306 : vector<1x16xi32> to vector<16xi32>
      %parallel_loop3A_308 = arith.sitofp %parallel_loop3A_307 : vector<16xi32> to vector<16xf32>
      %parallel_loop3A_309 = arith.addf %parallel_loop3A_298, %parallel_loop3A_303 : vector<16xf32>
      %parallel_loop3A_310 = arith.addf %parallel_loop3A_299, %parallel_loop3A_308 : vector<16xf32>
      %parallel_loop3A_311 = arith.index_cast %parallel_loop3A_174 : i32 to index
      %parallel_loop3A_312 = arith.constant 192 : index
      %parallel_loop3A_313 = tpu.vector_load %arg6[%parallel_loop3A_311, %parallel_loop3A_312] {strides = array<i32>} : memref<32x512xf32, #tpu.memory_space<vmem>>, vector<1x16xf32>,
      %parallel_loop3A_314 = vector.shape_cast %parallel_loop3A_313 : vector<1x16xf32> to vector<16xf32>
      %parallel_loop3A_315 = arith.index_cast %parallel_loop3A_174 : i32 to index
      %parallel_loop3A_316 = arith.constant 192 : index
      %parallel_loop3A_317 = tpu.vector_load %arg8[%parallel_loop3A_315, %parallel_loop3A_316] {strides = array<i32>} : memref<32x512xi32, #tpu.memory_space<vmem>>, vector<1x16xi32>,
      %parallel_loop3A_318 = vector.shape_cast %parallel_loop3A_317 : vector<1x16xi32> to vector<16xi32>
      %parallel_loop3A_319 = arith.sitofp %parallel_loop3A_318 : vector<16xi32> to vector<16xf32>
      %parallel_loop3A_320 = arith.addf %parallel_loop3A_309, %parallel_loop3A_314 : vector<16xf32>
      %parallel_loop3A_321 = arith.addf %parallel_loop3A_310, %parallel_loop3A_319 : vector<16xf32>
      %parallel_loop3A_322 = arith.index_cast %parallel_loop3A_174 : i32 to index
      %parallel_loop3A_323 = arith.constant 208 : index
      %parallel_loop3A_324 = tpu.vector_load %arg6[%parallel_loop3A_322, %parallel_loop3A_323] {strides = array<i32>} : memref<32x512xf32, #tpu.memory_space<vmem>>, vector<1x16xf32>,
      %parallel_loop3A_325 = vector.shape_cast %parallel_loop3A_324 : vector<1x16xf32> to vector<16xf32>
      %parallel_loop3A_326 = arith.index_cast %parallel_loop3A_174 : i32 to index
      %parallel_loop3A_327 = arith.constant 208 : index
      %parallel_loop3A_328 = tpu.vector_load %arg8[%parallel_loop3A_326, %parallel_loop3A_327] {strides = array<i32>} : memref<32x512xi32, #tpu.memory_space<vmem>>, vector<1x16xi32>,
      %parallel_loop3A_329 = vector.shape_cast %parallel_loop3A_328 : vector<1x16xi32> to vector<16xi32>
      %parallel_loop3A_330 = arith.sitofp %parallel_loop3A_329 : vector<16xi32> to vector<16xf32>
      %parallel_loop3A_331 = arith.addf %parallel_loop3A_320, %parallel_loop3A_325 : vector<16xf32>
      %parallel_loop3A_332 = arith.addf %parallel_loop3A_321, %parallel_loop3A_330 : vector<16xf32>
      %parallel_loop3A_333 = arith.index_cast %parallel_loop3A_174 : i32 to index
      %parallel_loop3A_334 = arith.constant 224 : index
      %parallel_loop3A_335 = tpu.vector_load %arg6[%parallel_loop3A_333, %parallel_loop3A_334] {strides = array<i32>} : memref<32x512xf32, #tpu.memory_space<vmem>>, vector<1x16xf32>,
      %parallel_loop3A_336 = vector.shape_cast %parallel_loop3A_335 : vector<1x16xf32> to vector<16xf32>
      %parallel_loop3A_337 = arith.index_cast %parallel_loop3A_174 : i32 to index
      %parallel_loop3A_338 = arith.constant 224 : index
      %parallel_loop3A_339 = tpu.vector_load %arg8[%parallel_loop3A_337, %parallel_loop3A_338] {strides = array<i32>} : memref<32x512xi32, #tpu.memory_space<vmem>>, vector<1x16xi32>,
      %parallel_loop3A_340 = vector.shape_cast %parallel_loop3A_339 : vector<1x16xi32> to vector<16xi32>
      %parallel_loop3A_341 = arith.sitofp %parallel_loop3A_340 : vector<16xi32> to vector<16xf32>
      %parallel_loop3A_342 = arith.addf %parallel_loop3A_331, %parallel_loop3A_336 : vector<16xf32>
      %parallel_loop3A_343 = arith.addf %parallel_loop3A_332, %parallel_loop3A_341 : vector<16xf32>
      %parallel_loop3A_344 = arith.index_cast %parallel_loop3A_174 : i32 to index
      %parallel_loop3A_345 = arith.constant 240 : index
      %parallel_loop3A_346 = tpu.vector_load %arg6[%parallel_loop3A_344, %parallel_loop3A_345] {strides = array<i32>} : memref<32x512xf32, #tpu.memory_space<vmem>>, vector<1x16xf32>,
      %parallel_loop3A_347 = vector.shape_cast %parallel_loop3A_346 : vector<1x16xf32> to vector<16xf32>
      %parallel_loop3A_348 = arith.index_cast %parallel_loop3A_174 : i32 to index
      %parallel_loop3A_349 = arith.constant 240 : index
      %parallel_loop3A_350 = tpu.vector_load %arg8[%parallel_loop3A_348, %parallel_loop3A_349] {strides = array<i32>} : memref<32x512xi32, #tpu.memory_space<vmem>>, vector<1x16xi32>,
      %parallel_loop3A_351 = vector.shape_cast %parallel_loop3A_350 : vector<1x16xi32> to vector<16xi32>
      %parallel_loop3A_352 = arith.sitofp %parallel_loop3A_351 : vector<16xi32> to vector<16xf32>
      %parallel_loop3A_353 = arith.addf %parallel_loop3A_342, %parallel_loop3A_347 : vector<16xf32>
      %parallel_loop3A_354 = arith.addf %parallel_loop3A_343, %parallel_loop3A_352 : vector<16xf32>
      %parallel_loop3A_355 = arith.index_cast %parallel_loop3A_174 : i32 to index
      %parallel_loop3A_356 = arith.constant 256 : index
      %parallel_loop3A_357 = tpu.vector_load %arg6[%parallel_loop3A_355, %parallel_loop3A_356] {strides = array<i32>} : memref<32x512xf32, #tpu.memory_space<vmem>>, vector<1x16xf32>,
      %parallel_loop3A_358 = vector.shape_cast %parallel_loop3A_357 : vector<1x16xf32> to vector<16xf32>
      %parallel_loop3A_359 = arith.index_cast %parallel_loop3A_174 : i32 to index
      %parallel_loop3A_360 = arith.constant 256 : index
      %parallel_loop3A_361 = tpu.vector_load %arg8[%parallel_loop3A_359, %parallel_loop3A_360] {strides = array<i32>} : memref<32x512xi32, #tpu.memory_space<vmem>>, vector<1x16xi32>,
      %parallel_loop3A_362 = vector.shape_cast %parallel_loop3A_361 : vector<1x16xi32> to vector<16xi32>
      %parallel_loop3A_363 = arith.sitofp %parallel_loop3A_362 : vector<16xi32> to vector<16xf32>
      %parallel_loop3A_364 = arith.addf %parallel_loop3A_353, %parallel_loop3A_358 : vector<16xf32>
      %parallel_loop3A_365 = arith.addf %parallel_loop3A_354, %parallel_loop3A_363 : vector<16xf32>
      %parallel_loop3A_366 = arith.index_cast %parallel_loop3A_174 : i32 to index
      %parallel_loop3A_367 = arith.constant 272 : index
      %parallel_loop3A_368 = tpu.vector_load %arg6[%parallel_loop3A_366, %parallel_loop3A_367] {strides = array<i32>} : memref<32x512xf32, #tpu.memory_space<vmem>>, vector<1x16xf32>,
      %parallel_loop3A_369 = vector.shape_cast %parallel_loop3A_368 : vector<1x16xf32> to vector<16xf32>
      %parallel_loop3A_370 = arith.index_cast %parallel_loop3A_174 : i32 to index
      %parallel_loop3A_371 = arith.constant 272 : index
      %parallel_loop3A_372 = tpu.vector_load %arg8[%parallel_loop3A_370, %parallel_loop3A_371] {strides = array<i32>} : memref<32x512xi32, #tpu.memory_space<vmem>>, vector<1x16xi32>,
      %parallel_loop3A_373 = vector.shape_cast %parallel_loop3A_372 : vector<1x16xi32> to vector<16xi32>
      %parallel_loop3A_374 = arith.sitofp %parallel_loop3A_373 : vector<16xi32> to vector<16xf32>
      %parallel_loop3A_375 = arith.addf %parallel_loop3A_364, %parallel_loop3A_369 : vector<16xf32>
      %parallel_loop3A_376 = arith.addf %parallel_loop3A_365, %parallel_loop3A_374 : vector<16xf32>
      %parallel_loop3A_377 = arith.index_cast %parallel_loop3A_174 : i32 to index
      %parallel_loop3A_378 = arith.constant 288 : index
      %parallel_loop3A_379 = tpu.vector_load %arg6[%parallel_loop3A_377, %parallel_loop3A_378] {strides = array<i32>} : memref<32x512xf32, #tpu.memory_space<vmem>>, vector<1x16xf32>,
      %parallel_loop3A_380 = vector.shape_cast %parallel_loop3A_379 : vector<1x16xf32> to vector<16xf32>
      %parallel_loop3A_381 = arith.index_cast %parallel_loop3A_174 : i32 to index
      %parallel_loop3A_382 = arith.constant 288 : index
      %parallel_loop3A_383 = tpu.vector_load %arg8[%parallel_loop3A_381, %parallel_loop3A_382] {strides = array<i32>} : memref<32x512xi32, #tpu.memory_space<vmem>>, vector<1x16xi32>,
      %parallel_loop3A_384 = vector.shape_cast %parallel_loop3A_383 : vector<1x16xi32> to vector<16xi32>
      %parallel_loop3A_385 = arith.sitofp %parallel_loop3A_384 : vector<16xi32> to vector<16xf32>
      %parallel_loop3A_386 = arith.addf %parallel_loop3A_375, %parallel_loop3A_380 : vector<16xf32>
      %parallel_loop3A_387 = arith.addf %parallel_loop3A_376, %parallel_loop3A_385 : vector<16xf32>
      %parallel_loop3A_388 = arith.index_cast %parallel_loop3A_174 : i32 to index
      %parallel_loop3A_389 = arith.constant 304 : index
      %parallel_loop3A_390 = tpu.vector_load %arg6[%parallel_loop3A_388, %parallel_loop3A_389] {strides = array<i32>} : memref<32x512xf32, #tpu.memory_space<vmem>>, vector<1x16xf32>,
      %parallel_loop3A_391 = vector.shape_cast %parallel_loop3A_390 : vector<1x16xf32> to vector<16xf32>
      %parallel_loop3A_392 = arith.index_cast %parallel_loop3A_174 : i32 to index
      %parallel_loop3A_393 = arith.constant 304 : index
      %parallel_loop3A_394 = tpu.vector_load %arg8[%parallel_loop3A_392, %parallel_loop3A_393] {strides = array<i32>} : memref<32x512xi32, #tpu.memory_space<vmem>>, vector<1x16xi32>,
      %parallel_loop3A_395 = vector.shape_cast %parallel_loop3A_394 : vector<1x16xi32> to vector<16xi32>
      %parallel_loop3A_396 = arith.sitofp %parallel_loop3A_395 : vector<16xi32> to vector<16xf32>
      %parallel_loop3A_397 = arith.addf %parallel_loop3A_386, %parallel_loop3A_391 : vector<16xf32>
      %parallel_loop3A_398 = arith.addf %parallel_loop3A_387, %parallel_loop3A_396 : vector<16xf32>
      %parallel_loop3A_399 = arith.index_cast %parallel_loop3A_174 : i32 to index
      %parallel_loop3A_400 = arith.constant 320 : index
      %parallel_loop3A_401 = tpu.vector_load %arg6[%parallel_loop3A_399, %parallel_loop3A_400] {strides = array<i32>} : memref<32x512xf32, #tpu.memory_space<vmem>>, vector<1x16xf32>,
      %parallel_loop3A_402 = vector.shape_cast %parallel_loop3A_401 : vector<1x16xf32> to vector<16xf32>
      %parallel_loop3A_403 = arith.index_cast %parallel_loop3A_174 : i32 to index
      %parallel_loop3A_404 = arith.constant 320 : index
      %parallel_loop3A_405 = tpu.vector_load %arg8[%parallel_loop3A_403, %parallel_loop3A_404] {strides = array<i32>} : memref<32x512xi32, #tpu.memory_space<vmem>>, vector<1x16xi32>,
      %parallel_loop3A_406 = vector.shape_cast %parallel_loop3A_405 : vector<1x16xi32> to vector<16xi32>
      %parallel_loop3A_407 = arith.sitofp %parallel_loop3A_406 : vector<16xi32> to vector<16xf32>
      %parallel_loop3A_408 = arith.addf %parallel_loop3A_397, %parallel_loop3A_402 : vector<16xf32>
      %parallel_loop3A_409 = arith.addf %parallel_loop3A_398, %parallel_loop3A_407 : vector<16xf32>
      %parallel_loop3A_410 = arith.index_cast %parallel_loop3A_174 : i32 to index
      %parallel_loop3A_411 = arith.constant 336 : index
      %parallel_loop3A_412 = tpu.vector_load %arg6[%parallel_loop3A_410, %parallel_loop3A_411] {strides = array<i32>} : memref<32x512xf32, #tpu.memory_space<vmem>>, vector<1x16xf32>,
      %parallel_loop3A_413 = vector.shape_cast %parallel_loop3A_412 : vector<1x16xf32> to vector<16xf32>
      %parallel_loop3A_414 = arith.index_cast %parallel_loop3A_174 : i32 to index
      %parallel_loop3A_415 = arith.constant 336 : index
      %parallel_loop3A_416 = tpu.vector_load %arg8[%parallel_loop3A_414, %parallel_loop3A_415] {strides = array<i32>} : memref<32x512xi32, #tpu.memory_space<vmem>>, vector<1x16xi32>,
      %parallel_loop3A_417 = vector.shape_cast %parallel_loop3A_416 : vector<1x16xi32> to vector<16xi32>
      %parallel_loop3A_418 = arith.sitofp %parallel_loop3A_417 : vector<16xi32> to vector<16xf32>
      %parallel_loop3A_419 = arith.addf %parallel_loop3A_408, %parallel_loop3A_413 : vector<16xf32>
      %parallel_loop3A_420 = arith.addf %parallel_loop3A_409, %parallel_loop3A_418 : vector<16xf32>
      %parallel_loop3A_421 = arith.index_cast %parallel_loop3A_174 : i32 to index
      %parallel_loop3A_422 = arith.constant 352 : index
      %parallel_loop3A_423 = tpu.vector_load %arg6[%parallel_loop3A_421, %parallel_loop3A_422] {strides = array<i32>} : memref<32x512xf32, #tpu.memory_space<vmem>>, vector<1x16xf32>,
      %parallel_loop3A_424 = vector.shape_cast %parallel_loop3A_423 : vector<1x16xf32> to vector<16xf32>
      %parallel_loop3A_425 = arith.index_cast %parallel_loop3A_174 : i32 to index
      %parallel_loop3A_426 = arith.constant 352 : index
      %parallel_loop3A_427 = tpu.vector_load %arg8[%parallel_loop3A_425, %parallel_loop3A_426] {strides = array<i32>} : memref<32x512xi32, #tpu.memory_space<vmem>>, vector<1x16xi32>,
      %parallel_loop3A_428 = vector.shape_cast %parallel_loop3A_427 : vector<1x16xi32> to vector<16xi32>
      %parallel_loop3A_429 = arith.sitofp %parallel_loop3A_428 : vector<16xi32> to vector<16xf32>
      %parallel_loop3A_430 = arith.addf %parallel_loop3A_419, %parallel_loop3A_424 : vector<16xf32>
      %parallel_loop3A_431 = arith.addf %parallel_loop3A_420, %parallel_loop3A_429 : vector<16xf32>
      %parallel_loop3A_432 = arith.index_cast %parallel_loop3A_174 : i32 to index
      %parallel_loop3A_433 = arith.constant 368 : index
      %parallel_loop3A_434 = tpu.vector_load %arg6[%parallel_loop3A_432, %parallel_loop3A_433] {strides = array<i32>} : memref<32x512xf32, #tpu.memory_space<vmem>>, vector<1x16xf32>,
      %parallel_loop3A_435 = vector.shape_cast %parallel_loop3A_434 : vector<1x16xf32> to vector<16xf32>
      %parallel_loop3A_436 = arith.index_cast %parallel_loop3A_174 : i32 to index
      %parallel_loop3A_437 = arith.constant 368 : index
      %parallel_loop3A_438 = tpu.vector_load %arg8[%parallel_loop3A_436, %parallel_loop3A_437] {strides = array<i32>} : memref<32x512xi32, #tpu.memory_space<vmem>>, vector<1x16xi32>,
      %parallel_loop3A_439 = vector.shape_cast %parallel_loop3A_438 : vector<1x16xi32> to vector<16xi32>
      %parallel_loop3A_440 = arith.sitofp %parallel_loop3A_439 : vector<16xi32> to vector<16xf32>
      %parallel_loop3A_441 = arith.addf %parallel_loop3A_430, %parallel_loop3A_435 : vector<16xf32>
      %parallel_loop3A_442 = arith.addf %parallel_loop3A_431, %parallel_loop3A_440 : vector<16xf32>
      %parallel_loop3A_443 = arith.index_cast %parallel_loop3A_174 : i32 to index
      %parallel_loop3A_444 = arith.constant 384 : index
      %parallel_loop3A_445 = tpu.vector_load %arg6[%parallel_loop3A_443, %parallel_loop3A_444] {strides = array<i32>} : memref<32x512xf32, #tpu.memory_space<vmem>>, vector<1x16xf32>,
      %parallel_loop3A_446 = vector.shape_cast %parallel_loop3A_445 : vector<1x16xf32> to vector<16xf32>
      %parallel_loop3A_447 = arith.index_cast %parallel_loop3A_174 : i32 to index
      %parallel_loop3A_448 = arith.constant 384 : index
      %parallel_loop3A_449 = tpu.vector_load %arg8[%parallel_loop3A_447, %parallel_loop3A_448] {strides = array<i32>} : memref<32x512xi32, #tpu.memory_space<vmem>>, vector<1x16xi32>,
      %parallel_loop3A_450 = vector.shape_cast %parallel_loop3A_449 : vector<1x16xi32> to vector<16xi32>
      %parallel_loop3A_451 = arith.sitofp %parallel_loop3A_450 : vector<16xi32> to vector<16xf32>
      %parallel_loop3A_452 = arith.addf %parallel_loop3A_441, %parallel_loop3A_446 : vector<16xf32>
      %parallel_loop3A_453 = arith.addf %parallel_loop3A_442, %parallel_loop3A_451 : vector<16xf32>
      %parallel_loop3A_454 = arith.index_cast %parallel_loop3A_174 : i32 to index
      %parallel_loop3A_455 = arith.constant 400 : index
      %parallel_loop3A_456 = tpu.vector_load %arg6[%parallel_loop3A_454, %parallel_loop3A_455] {strides = array<i32>} : memref<32x512xf32, #tpu.memory_space<vmem>>, vector<1x16xf32>,
      %parallel_loop3A_457 = vector.shape_cast %parallel_loop3A_456 : vector<1x16xf32> to vector<16xf32>
      %parallel_loop3A_458 = arith.index_cast %parallel_loop3A_174 : i32 to index
      %parallel_loop3A_459 = arith.constant 400 : index
      %parallel_loop3A_460 = tpu.vector_load %arg8[%parallel_loop3A_458, %parallel_loop3A_459] {strides = array<i32>} : memref<32x512xi32, #tpu.memory_space<vmem>>, vector<1x16xi32>,
      %parallel_loop3A_461 = vector.shape_cast %parallel_loop3A_460 : vector<1x16xi32> to vector<16xi32>
      %parallel_loop3A_462 = arith.sitofp %parallel_loop3A_461 : vector<16xi32> to vector<16xf32>
      %parallel_loop3A_463 = arith.addf %parallel_loop3A_452, %parallel_loop3A_457 : vector<16xf32>
      %parallel_loop3A_464 = arith.addf %parallel_loop3A_453, %parallel_loop3A_462 : vector<16xf32>
      %parallel_loop3A_465 = arith.index_cast %parallel_loop3A_174 : i32 to index
      %parallel_loop3A_466 = arith.constant 416 : index
      %parallel_loop3A_467 = tpu.vector_load %arg6[%parallel_loop3A_465, %parallel_loop3A_466] {strides = array<i32>} : memref<32x512xf32, #tpu.memory_space<vmem>>, vector<1x16xf32>,
      %parallel_loop3A_468 = vector.shape_cast %parallel_loop3A_467 : vector<1x16xf32> to vector<16xf32>
      %parallel_loop3A_469 = arith.index_cast %parallel_loop3A_174 : i32 to index
      %parallel_loop3A_470 = arith.constant 416 : index
      %parallel_loop3A_471 = tpu.vector_load %arg8[%parallel_loop3A_469, %parallel_loop3A_470] {strides = array<i32>} : memref<32x512xi32, #tpu.memory_space<vmem>>, vector<1x16xi32>,
      %parallel_loop3A_472 = vector.shape_cast %parallel_loop3A_471 : vector<1x16xi32> to vector<16xi32>
      %parallel_loop3A_473 = arith.sitofp %parallel_loop3A_472 : vector<16xi32> to vector<16xf32>
      %parallel_loop3A_474 = arith.addf %parallel_loop3A_463, %parallel_loop3A_468 : vector<16xf32>
      %parallel_loop3A_475 = arith.addf %parallel_loop3A_464, %parallel_loop3A_473 : vector<16xf32>
      %parallel_loop3A_476 = arith.index_cast %parallel_loop3A_174 : i32 to index
      %parallel_loop3A_477 = arith.constant 432 : index
      %parallel_loop3A_478 = tpu.vector_load %arg6[%parallel_loop3A_476, %parallel_loop3A_477] {strides = array<i32>} : memref<32x512xf32, #tpu.memory_space<vmem>>, vector<1x16xf32>,
      %parallel_loop3A_479 = vector.shape_cast %parallel_loop3A_478 : vector<1x16xf32> to vector<16xf32>
      %parallel_loop3A_480 = arith.index_cast %parallel_loop3A_174 : i32 to index
      %parallel_loop3A_481 = arith.constant 432 : index
      %parallel_loop3A_482 = tpu.vector_load %arg8[%parallel_loop3A_480, %parallel_loop3A_481] {strides = array<i32>} : memref<32x512xi32, #tpu.memory_space<vmem>>, vector<1x16xi32>,
      %parallel_loop3A_483 = vector.shape_cast %parallel_loop3A_482 : vector<1x16xi32> to vector<16xi32>
      %parallel_loop3A_484 = arith.sitofp %parallel_loop3A_483 : vector<16xi32> to vector<16xf32>
      %parallel_loop3A_485 = arith.addf %parallel_loop3A_474, %parallel_loop3A_479 : vector<16xf32>
      %parallel_loop3A_486 = arith.addf %parallel_loop3A_475, %parallel_loop3A_484 : vector<16xf32>
      %parallel_loop3A_487 = arith.index_cast %parallel_loop3A_174 : i32 to index
      %parallel_loop3A_488 = arith.constant 448 : index
      %parallel_loop3A_489 = tpu.vector_load %arg6[%parallel_loop3A_487, %parallel_loop3A_488] {strides = array<i32>} : memref<32x512xf32, #tpu.memory_space<vmem>>, vector<1x16xf32>,
      %parallel_loop3A_490 = vector.shape_cast %parallel_loop3A_489 : vector<1x16xf32> to vector<16xf32>
      %parallel_loop3A_491 = arith.index_cast %parallel_loop3A_174 : i32 to index
      %parallel_loop3A_492 = arith.constant 448 : index
      %parallel_loop3A_493 = tpu.vector_load %arg8[%parallel_loop3A_491, %parallel_loop3A_492] {strides = array<i32>} : memref<32x512xi32, #tpu.memory_space<vmem>>, vector<1x16xi32>,
      %parallel_loop3A_494 = vector.shape_cast %parallel_loop3A_493 : vector<1x16xi32> to vector<16xi32>
      %parallel_loop3A_495 = arith.sitofp %parallel_loop3A_494 : vector<16xi32> to vector<16xf32>
      %parallel_loop3A_496 = arith.addf %parallel_loop3A_485, %parallel_loop3A_490 : vector<16xf32>
      %parallel_loop3A_497 = arith.addf %parallel_loop3A_486, %parallel_loop3A_495 : vector<16xf32>
      %parallel_loop3A_498 = arith.index_cast %parallel_loop3A_174 : i32 to index
      %parallel_loop3A_499 = arith.constant 464 : index
      %parallel_loop3A_500 = tpu.vector_load %arg6[%parallel_loop3A_498, %parallel_loop3A_499] {strides = array<i32>} : memref<32x512xf32, #tpu.memory_space<vmem>>, vector<1x16xf32>,
      %parallel_loop3A_501 = vector.shape_cast %parallel_loop3A_500 : vector<1x16xf32> to vector<16xf32>
      %parallel_loop3A_502 = arith.index_cast %parallel_loop3A_174 : i32 to index
      %parallel_loop3A_503 = arith.constant 464 : index
      %parallel_loop3A_504 = tpu.vector_load %arg8[%parallel_loop3A_502, %parallel_loop3A_503] {strides = array<i32>} : memref<32x512xi32, #tpu.memory_space<vmem>>, vector<1x16xi32>,
      %parallel_loop3A_505 = vector.shape_cast %parallel_loop3A_504 : vector<1x16xi32> to vector<16xi32>
      %parallel_loop3A_506 = arith.sitofp %parallel_loop3A_505 : vector<16xi32> to vector<16xf32>
      %parallel_loop3A_507 = arith.addf %parallel_loop3A_496, %parallel_loop3A_501 : vector<16xf32>
      %parallel_loop3A_508 = arith.addf %parallel_loop3A_497, %parallel_loop3A_506 : vector<16xf32>
      %parallel_loop3A_509 = arith.index_cast %parallel_loop3A_174 : i32 to index
      %parallel_loop3A_510 = arith.constant 480 : index
      %parallel_loop3A_511 = tpu.vector_load %arg6[%parallel_loop3A_509, %parallel_loop3A_510] {strides = array<i32>} : memref<32x512xf32, #tpu.memory_space<vmem>>, vector<1x16xf32>,
      %parallel_loop3A_512 = vector.shape_cast %parallel_loop3A_511 : vector<1x16xf32> to vector<16xf32>
      %parallel_loop3A_513 = arith.index_cast %parallel_loop3A_174 : i32 to index
      %parallel_loop3A_514 = arith.constant 480 : index
      %parallel_loop3A_515 = tpu.vector_load %arg8[%parallel_loop3A_513, %parallel_loop3A_514] {strides = array<i32>} : memref<32x512xi32, #tpu.memory_space<vmem>>, vector<1x16xi32>,
      %parallel_loop3A_516 = vector.shape_cast %parallel_loop3A_515 : vector<1x16xi32> to vector<16xi32>
      %parallel_loop3A_517 = arith.sitofp %parallel_loop3A_516 : vector<16xi32> to vector<16xf32>
      %parallel_loop3A_518 = arith.addf %parallel_loop3A_507, %parallel_loop3A_512 : vector<16xf32>
      %parallel_loop3A_519 = arith.addf %parallel_loop3A_508, %parallel_loop3A_517 : vector<16xf32>
      %parallel_loop3A_520 = arith.index_cast %parallel_loop3A_174 : i32 to index
      %parallel_loop3A_521 = arith.constant 496 : index
      %parallel_loop3A_522 = tpu.vector_load %arg6[%parallel_loop3A_520, %parallel_loop3A_521] {strides = array<i32>} : memref<32x512xf32, #tpu.memory_space<vmem>>, vector<1x16xf32>,
      %parallel_loop3A_523 = vector.shape_cast %parallel_loop3A_522 : vector<1x16xf32> to vector<16xf32>
      %parallel_loop3A_524 = arith.index_cast %parallel_loop3A_174 : i32 to index
      %parallel_loop3A_525 = arith.constant 496 : index
      %parallel_loop3A_526 = tpu.vector_load %arg8[%parallel_loop3A_524, %parallel_loop3A_525] {strides = array<i32>} : memref<32x512xi32, #tpu.memory_space<vmem>>, vector<1x16xi32>,
      %parallel_loop3A_527 = vector.shape_cast %parallel_loop3A_526 : vector<1x16xi32> to vector<16xi32>
      %parallel_loop3A_528 = arith.sitofp %parallel_loop3A_527 : vector<16xi32> to vector<16xf32>
      %parallel_loop3A_529 = arith.addf %parallel_loop3A_518, %parallel_loop3A_523 : vector<16xf32>
      %parallel_loop3A_530 = arith.addf %parallel_loop3A_519, %parallel_loop3A_528 : vector<16xf32>
      scf.yield %parallel_loop3A_529, %parallel_loop3A_176, %parallel_loop3A_530, %parallel_loop3A_178 : vector<16xf32>, vector<16xf32>, vector<16xf32>, vector<16xf32>
    } {sc.loop_unroll_factor = 2 : i64, sc.parallel_access}
    %swap3A = arith.constant 0 : index
    %swap3A_159 = tpu.vector_load %arg9[%swap3A] {strides = array<i32>} : memref<128xf32, #tpu.memory_space<vmem>>, vector<16xf32>,
    %swap3A_160 = vector.shape_cast %swap3A_159 : vector<16xf32> to vector<16xf32>
    %swap3A_161 = vector.shape_cast %parallel_loop3A_158#0 : vector<16xf32> to vector<16xf32>
    tpu.vector_store %arg9[%swap3A], %swap3A_161 {strides = array<i32>} : memref<128xf32, #tpu.memory_space<vmem>>, vector<16xf32>,
    %swap3A_162 = arith.constant 16 : index
    %swap3A_163 = tpu.vector_load %arg9[%swap3A_162] {strides = array<i32>} : memref<128xf32, #tpu.memory_space<vmem>>, vector<16xf32>,
    %swap3A_164 = vector.shape_cast %swap3A_163 : vector<16xf32> to vector<16xf32>
    %swap3A_165 = vector.shape_cast %parallel_loop3A_158#1 : vector<16xf32> to vector<16xf32>
    tpu.vector_store %arg9[%swap3A_162], %swap3A_165 {strides = array<i32>} : memref<128xf32, #tpu.memory_space<vmem>>, vector<16xf32>,
    %swap3A_166 = arith.constant 32 : index
    %swap3A_167 = tpu.vector_load %arg9[%swap3A_166] {strides = array<i32>} : memref<128xf32, #tpu.memory_space<vmem>>, vector<16xf32>,
    %swap3A_168 = vector.shape_cast %swap3A_167 : vector<16xf32> to vector<16xf32>
    %swap3A_169 = vector.shape_cast %parallel_loop3A_158#2 : vector<16xf32> to vector<16xf32>
    tpu.vector_store %arg9[%swap3A_166], %swap3A_169 {strides = array<i32>} : memref<128xf32, #tpu.memory_space<vmem>>, vector<16xf32>,
    %swap3A_170 = arith.constant 48 : index
    %swap3A_171 = tpu.vector_load %arg9[%swap3A_170] {strides = array<i32>} : memref<128xf32, #tpu.memory_space<vmem>>, vector<16xf32>,
    %swap3A_172 = vector.shape_cast %swap3A_171 : vector<16xf32> to vector<16xf32>
    %swap3A_173 = vector.shape_cast %parallel_loop3A_158#3 : vector<16xf32> to vector<16xf32>
    tpu.vector_store %arg9[%swap3A_170], %swap3A_173 {strides = array<i32>} : memref<128xf32, #tpu.memory_space<vmem>>, vector<16xf32>,
    "tpu.region"() ({
      %run_scoped3A = tpu.sem_alloc : memref<!tpu.dma_semaphore, #tpu.memory_space<semaphore_mem>>
      %dma_start3A_174 = arith.constant 0 : i32
      %dma_start3A_175 = tpu.memref_slice %arg4[%add3A, %dma_start3A_174] : memref<32x128xf32, #tpu.memory_space<hbm>> -> memref<1x128xf32, #tpu.memory_space<hbm>>
      %dma_start3A_176 = tpu.memref_squeeze %dma_start3A_175 : memref<1x128xf32, #tpu.memory_space<hbm>> -> memref<128xf32, #tpu.memory_space<hbm>>
      %dma_start3A_177 = arith.constant 0 : i32
      %dma_start3A_178 = tpu.memref_slice %arg4[%add3A, %dma_start3A_177] : memref<32x128xf32, #tpu.memory_space<hbm>> -> memref<1x128xf32, #tpu.memory_space<hbm>>
      %dma_start3A_179 = tpu.memref_squeeze %dma_start3A_178 : memref<1x128xf32, #tpu.memory_space<hbm>> -> memref<128xf32, #tpu.memory_space<hbm>>
      tpu.enqueue_dma source(%arg9 : memref<128xf32, #tpu.memory_space<vmem>>) target(%dma_start3A_179 : memref<128xf32, #tpu.memory_space<hbm>>) target_semaphore(%run_scoped3A : memref<!tpu.dma_semaphore, #tpu.memory_space<semaphore_mem>>)
      %dma_wait3A_180 = arith.constant 0 : i32
      %dma_wait3A_181 = tpu.memref_slice %arg4[%add3A, %dma_wait3A_180] : memref<32x128xf32, #tpu.memory_space<hbm>> -> memref<1x128xf32, #tpu.memory_space<hbm>>
      %dma_wait3A_182 = tpu.memref_squeeze %dma_wait3A_181 : memref<1x128xf32, #tpu.memory_space<hbm>> -> memref<128xf32, #tpu.memory_space<hbm>>
      %dma_wait3A_183 = arith.constant 0 : i32
      %dma_wait3A_184 = tpu.memref_slice %arg4[%add3A, %dma_wait3A_183] : memref<32x128xf32, #tpu.memory_space<hbm>> -> memref<1x128xf32, #tpu.memory_space<hbm>>
      %dma_wait3A_185 = tpu.memref_squeeze %dma_wait3A_184 : memref<1x128xf32, #tpu.memory_space<hbm>> -> memref<128xf32, #tpu.memory_space<hbm>>
      tpu.wait_dma2 semaphore(%run_scoped3A : memref<!tpu.dma_semaphore, #tpu.memory_space<semaphore_mem>>) src(%arg9 : memref<128xf32, #tpu.memory_space<vmem>>) dst(%dma_wait3A_185 : memref<128xf32, #tpu.memory_space<hbm>>)
      tpu.yield
    }) : () -> ()
    return
  }
}

module attributes {stable_mosaic.version = 14 : i64} {
  func.func @_tc_body(%arg0: i32, %arg1: memref<4x512x512xf32, #tpu.memory_space<vmem>>, %arg2: memref<4x512x512xi32, #tpu.memory_space<vmem>>, %arg3: memref<24x4xf32, #tpu.memory_space<smem>>) attributes {dimension_semantics = [#tpu.dimension_semantics<arbitrary>], iteration_bounds = array<i64: 6>, scalar_prefetch = 0 : i64, scratch_operands = 0 : i64, tpu.core_type = #tpu.core_type<tc>, window_params = [{transform_indices = @transform_0, window_bounds = array<i64: 4, 512, 512>}, {transform_indices = @transform_1, window_bounds = array<i64: 4, 512, 512>}, {transform_indices = @transform_2, window_bounds = array<i64: 24, 4>}]} {
    %get3A = arith.constant 0 : index
    %get3A_0 = arith.constant 0 : index
    %get3A_1 = arith.constant 0 : index
    %get3A_2 = vector.load %arg1[%get3A, %get3A_0, %get3A_1] : memref<4x512x512xf32, #tpu.memory_space<vmem>>, vector<4x512x512xf32>
    %get3A_3 = arith.constant 0 : index
    %get3A_4 = arith.constant 0 : index
    %get3A_5 = arith.constant 0 : index
    %get3A_6 = vector.load %arg2[%get3A_3, %get3A_4, %get3A_5] : memref<4x512x512xi32, #tpu.memory_space<vmem>>, vector<4x512x512xi32>
    %convert_element_type3A = arith.sitofp %get3A_6 : vector<4x512x512xi32> to vector<4x512x512xf32>
    %abs3A = math.absf %get3A_2 : vector<4x512x512xf32>
    %neg3A = arith.constant 0.000000e+00 : f32
    %neg3A_7 = vector.broadcast %neg3A : f32 to vector<4x512x512xf32>
    %neg3A_8 = arith.subf %neg3A_7, %abs3A : vector<4x512x512xf32>
    %exp3A = math.exp %neg3A_8 : vector<4x512x512xf32>
    %add3A = arith.constant 1.000000e+00 : f32
    %add3A_9 = vector.broadcast %add3A : f32 to vector<4x512x512xf32>
    %add3A_10 = arith.addf %add3A_9, %exp3A : vector<4x512x512xf32>
    %div3A = arith.constant 1.000000e+00 : f32
    %div3A_11 = vector.broadcast %div3A : f32 to vector<4x512x512xf32>
    %div3A_12 = arith.divf %div3A_11, %add3A_10 : vector<4x512x512xf32>
    %ge3A = arith.constant 0.000000e+00 : f32
    %ge3A_13 = vector.broadcast %ge3A : f32 to vector<4x512x512xf32>
    %ge3A_14 = arith.cmpf oge, %get3A_2, %ge3A_13 : vector<4x512x512xf32>
    %mul3A = arith.mulf %exp3A, %div3A_12 : vector<4x512x512xf32>
    %select_n3A = arith.select %ge3A_14, %div3A_12, %mul3A : vector<4x512x512xi1>, vector<4x512x512xf32>
    %max3A = arith.constant 0.000000e+00 : f32
    %max3A_15 = vector.broadcast %max3A : f32 to vector<4x512x512xf32>
    %max3A_16 = arith.maximumf %get3A_2, %max3A_15 : vector<4x512x512xf32>
    %mul3A_17 = arith.mulf %get3A_2, %convert_element_type3A : vector<4x512x512xf32>
    %sub3A = arith.subf %max3A_16, %mul3A_17 : vector<4x512x512xf32>
    %log1p3A = math.log1p %exp3A : vector<4x512x512xf32>
    %add3A_18 = arith.addf %sub3A, %log1p3A : vector<4x512x512xf32>
    %slice3A = vector.extract_strided_slice %select_n3A {offsets = [0, 0, 0], sizes = [1, 512, 512], strides = [1, 1, 1]} : vector<4x512x512xf32> to vector<1x512x512xf32>
    %squeeze3A = vector.shape_cast %slice3A : vector<1x512x512xf32> to vector<512x512xf32>
    %reduce_sum3A = vector.shape_cast %squeeze3A : vector<512x512xf32> to vector<1x512x512xf32>
    %reduce_sum3A_19 = arith.constant dense<0.000000e+00> : vector<1xf32>
    %reduce_sum3A_20 = vector.multi_reduction <add>, %reduce_sum3A, %reduce_sum3A_19 [1, 2] : vector<1x512x512xf32> to vector<1xf32>
    %reduce_sum3A_21 = vector.shape_cast %reduce_sum3A_20 : vector<1xf32> to vector<1x1x1xf32>
    %reduce_sum3A_22 = vector.extract %reduce_sum3A_21[0, 0, 0] : f32 from vector<1x1x1xf32>
    %mul3A_23 = arith.constant 4 : i32
    %mul3A_24 = arith.muli %arg0, %mul3A_23 : i32
    %add3A_25 = arith.constant 0 : i32
    %add3A_26 = arith.addi %mul3A_24, %add3A_25 : i32
    %swap3A = arith.index_cast %add3A_26 : i32 to index
    %swap3A_27 = arith.constant 0 : index
    %swap3A_28 = memref.load %arg3[%swap3A, %swap3A_27] : memref<24x4xf32, #tpu.memory_space<smem>>
    memref.store %reduce_sum3A_22, %arg3[%swap3A, %swap3A_27] : memref<24x4xf32, #tpu.memory_space<smem>>
    %slice3A_29 = vector.extract_strided_slice %select_n3A {offsets = [0, 0, 0], sizes = [1, 512, 512], strides = [1, 1, 1]} : vector<4x512x512xf32> to vector<1x512x512xf32>
    %squeeze3A_30 = vector.shape_cast %slice3A_29 : vector<1x512x512xf32> to vector<512x512xf32>
    %slice3A_31 = vector.extract_strided_slice %convert_element_type3A {offsets = [0, 0, 0], sizes = [1, 512, 512], strides = [1, 1, 1]} : vector<4x512x512xf32> to vector<1x512x512xf32>
    %squeeze3A_32 = vector.shape_cast %slice3A_31 : vector<1x512x512xf32> to vector<512x512xf32>
    %mul3A_33 = arith.mulf %squeeze3A_30, %squeeze3A_32 : vector<512x512xf32>
    %reduce_sum3A_34 = vector.shape_cast %mul3A_33 : vector<512x512xf32> to vector<1x512x512xf32>
    %reduce_sum3A_35 = arith.constant dense<0.000000e+00> : vector<1xf32>
    %reduce_sum3A_36 = vector.multi_reduction <add>, %reduce_sum3A_34, %reduce_sum3A_35 [1, 2] : vector<1x512x512xf32> to vector<1xf32>
    %reduce_sum3A_37 = vector.shape_cast %reduce_sum3A_36 : vector<1xf32> to vector<1x1x1xf32>
    %reduce_sum3A_38 = vector.extract %reduce_sum3A_37[0, 0, 0] : f32 from vector<1x1x1xf32>
    %mul3A_39 = arith.constant 4 : i32
    %mul3A_40 = arith.muli %arg0, %mul3A_39 : i32
    %add3A_41 = arith.constant 0 : i32
    %add3A_42 = arith.addi %mul3A_40, %add3A_41 : i32
    %swap3A_43 = arith.index_cast %add3A_42 : i32 to index
    %swap3A_44 = arith.constant 1 : index
    %swap3A_45 = memref.load %arg3[%swap3A_43, %swap3A_44] : memref<24x4xf32, #tpu.memory_space<smem>>
    memref.store %reduce_sum3A_38, %arg3[%swap3A_43, %swap3A_44] : memref<24x4xf32, #tpu.memory_space<smem>>
    %slice3A_46 = vector.extract_strided_slice %convert_element_type3A {offsets = [0, 0, 0], sizes = [1, 512, 512], strides = [1, 1, 1]} : vector<4x512x512xf32> to vector<1x512x512xf32>
    %squeeze3A_47 = vector.shape_cast %slice3A_46 : vector<1x512x512xf32> to vector<512x512xf32>
    %reduce_sum3A_48 = vector.shape_cast %squeeze3A_47 : vector<512x512xf32> to vector<1x512x512xf32>
    %reduce_sum3A_49 = arith.constant dense<0.000000e+00> : vector<1xf32>
    %reduce_sum3A_50 = vector.multi_reduction <add>, %reduce_sum3A_48, %reduce_sum3A_49 [1, 2] : vector<1x512x512xf32> to vector<1xf32>
    %reduce_sum3A_51 = vector.shape_cast %reduce_sum3A_50 : vector<1xf32> to vector<1x1x1xf32>
    %reduce_sum3A_52 = vector.extract %reduce_sum3A_51[0, 0, 0] : f32 from vector<1x1x1xf32>
    %mul3A_53 = arith.constant 4 : i32
    %mul3A_54 = arith.muli %arg0, %mul3A_53 : i32
    %add3A_55 = arith.constant 0 : i32
    %add3A_56 = arith.addi %mul3A_54, %add3A_55 : i32
    %swap3A_57 = arith.index_cast %add3A_56 : i32 to index
    %swap3A_58 = arith.constant 2 : index
    %swap3A_59 = memref.load %arg3[%swap3A_57, %swap3A_58] : memref<24x4xf32, #tpu.memory_space<smem>>
    memref.store %reduce_sum3A_52, %arg3[%swap3A_57, %swap3A_58] : memref<24x4xf32, #tpu.memory_space<smem>>
    %slice3A_60 = vector.extract_strided_slice %add3A_18 {offsets = [0, 0, 0], sizes = [1, 512, 512], strides = [1, 1, 1]} : vector<4x512x512xf32> to vector<1x512x512xf32>
    %squeeze3A_61 = vector.shape_cast %slice3A_60 : vector<1x512x512xf32> to vector<512x512xf32>
    %reduce_sum3A_62 = vector.shape_cast %squeeze3A_61 : vector<512x512xf32> to vector<1x512x512xf32>
    %reduce_sum3A_63 = arith.constant dense<0.000000e+00> : vector<1xf32>
    %reduce_sum3A_64 = vector.multi_reduction <add>, %reduce_sum3A_62, %reduce_sum3A_63 [1, 2] : vector<1x512x512xf32> to vector<1xf32>
    %reduce_sum3A_65 = vector.shape_cast %reduce_sum3A_64 : vector<1xf32> to vector<1x1x1xf32>
    %reduce_sum3A_66 = vector.extract %reduce_sum3A_65[0, 0, 0] : f32 from vector<1x1x1xf32>
    %mul3A_67 = arith.constant 4 : i32
    %mul3A_68 = arith.muli %arg0, %mul3A_67 : i32
    %add3A_69 = arith.constant 0 : i32
    %add3A_70 = arith.addi %mul3A_68, %add3A_69 : i32
    %swap3A_71 = arith.index_cast %add3A_70 : i32 to index
    %swap3A_72 = arith.constant 3 : index
    %swap3A_73 = memref.load %arg3[%swap3A_71, %swap3A_72] : memref<24x4xf32, #tpu.memory_space<smem>>
    memref.store %reduce_sum3A_66, %arg3[%swap3A_71, %swap3A_72] : memref<24x4xf32, #tpu.memory_space<smem>>
    %slice3A_74 = vector.extract_strided_slice %select_n3A {offsets = [1, 0, 0], sizes = [1, 512, 512], strides = [1, 1, 1]} : vector<4x512x512xf32> to vector<1x512x512xf32>
    %squeeze3A_75 = vector.shape_cast %slice3A_74 : vector<1x512x512xf32> to vector<512x512xf32>
    %reduce_sum3A_76 = vector.shape_cast %squeeze3A_75 : vector<512x512xf32> to vector<1x512x512xf32>
    %reduce_sum3A_77 = arith.constant dense<0.000000e+00> : vector<1xf32>
    %reduce_sum3A_78 = vector.multi_reduction <add>, %reduce_sum3A_76, %reduce_sum3A_77 [1, 2] : vector<1x512x512xf32> to vector<1xf32>
    %reduce_sum3A_79 = vector.shape_cast %reduce_sum3A_78 : vector<1xf32> to vector<1x1x1xf32>
    %reduce_sum3A_80 = vector.extract %reduce_sum3A_79[0, 0, 0] : f32 from vector<1x1x1xf32>
    %mul3A_81 = arith.constant 4 : i32
    %mul3A_82 = arith.muli %arg0, %mul3A_81 : i32
    %add3A_83 = arith.constant 1 : i32
    %add3A_84 = arith.addi %mul3A_82, %add3A_83 : i32
    %swap3A_85 = arith.index_cast %add3A_84 : i32 to index
    %swap3A_86 = arith.constant 0 : index
    %swap3A_87 = memref.load %arg3[%swap3A_85, %swap3A_86] : memref<24x4xf32, #tpu.memory_space<smem>>
    memref.store %reduce_sum3A_80, %arg3[%swap3A_85, %swap3A_86] : memref<24x4xf32, #tpu.memory_space<smem>>
    %slice3A_88 = vector.extract_strided_slice %select_n3A {offsets = [1, 0, 0], sizes = [1, 512, 512], strides = [1, 1, 1]} : vector<4x512x512xf32> to vector<1x512x512xf32>
    %squeeze3A_89 = vector.shape_cast %slice3A_88 : vector<1x512x512xf32> to vector<512x512xf32>
    %slice3A_90 = vector.extract_strided_slice %convert_element_type3A {offsets = [1, 0, 0], sizes = [1, 512, 512], strides = [1, 1, 1]} : vector<4x512x512xf32> to vector<1x512x512xf32>
    %squeeze3A_91 = vector.shape_cast %slice3A_90 : vector<1x512x512xf32> to vector<512x512xf32>
    %mul3A_92 = arith.mulf %squeeze3A_89, %squeeze3A_91 : vector<512x512xf32>
    %reduce_sum3A_93 = vector.shape_cast %mul3A_92 : vector<512x512xf32> to vector<1x512x512xf32>
    %reduce_sum3A_94 = arith.constant dense<0.000000e+00> : vector<1xf32>
    %reduce_sum3A_95 = vector.multi_reduction <add>, %reduce_sum3A_93, %reduce_sum3A_94 [1, 2] : vector<1x512x512xf32> to vector<1xf32>
    %reduce_sum3A_96 = vector.shape_cast %reduce_sum3A_95 : vector<1xf32> to vector<1x1x1xf32>
    %reduce_sum3A_97 = vector.extract %reduce_sum3A_96[0, 0, 0] : f32 from vector<1x1x1xf32>
    %mul3A_98 = arith.constant 4 : i32
    %mul3A_99 = arith.muli %arg0, %mul3A_98 : i32
    %add3A_100 = arith.constant 1 : i32
    %add3A_101 = arith.addi %mul3A_99, %add3A_100 : i32
    %swap3A_102 = arith.index_cast %add3A_101 : i32 to index
    %swap3A_103 = arith.constant 1 : index
    %swap3A_104 = memref.load %arg3[%swap3A_102, %swap3A_103] : memref<24x4xf32, #tpu.memory_space<smem>>
    memref.store %reduce_sum3A_97, %arg3[%swap3A_102, %swap3A_103] : memref<24x4xf32, #tpu.memory_space<smem>>
    %slice3A_105 = vector.extract_strided_slice %convert_element_type3A {offsets = [1, 0, 0], sizes = [1, 512, 512], strides = [1, 1, 1]} : vector<4x512x512xf32> to vector<1x512x512xf32>
    %squeeze3A_106 = vector.shape_cast %slice3A_105 : vector<1x512x512xf32> to vector<512x512xf32>
    %reduce_sum3A_107 = vector.shape_cast %squeeze3A_106 : vector<512x512xf32> to vector<1x512x512xf32>
    %reduce_sum3A_108 = arith.constant dense<0.000000e+00> : vector<1xf32>
    %reduce_sum3A_109 = vector.multi_reduction <add>, %reduce_sum3A_107, %reduce_sum3A_108 [1, 2] : vector<1x512x512xf32> to vector<1xf32>
    %reduce_sum3A_110 = vector.shape_cast %reduce_sum3A_109 : vector<1xf32> to vector<1x1x1xf32>
    %reduce_sum3A_111 = vector.extract %reduce_sum3A_110[0, 0, 0] : f32 from vector<1x1x1xf32>
    %mul3A_112 = arith.constant 4 : i32
    %mul3A_113 = arith.muli %arg0, %mul3A_112 : i32
    %add3A_114 = arith.constant 1 : i32
    %add3A_115 = arith.addi %mul3A_113, %add3A_114 : i32
    %swap3A_116 = arith.index_cast %add3A_115 : i32 to index
    %swap3A_117 = arith.constant 2 : index
    %swap3A_118 = memref.load %arg3[%swap3A_116, %swap3A_117] : memref<24x4xf32, #tpu.memory_space<smem>>
    memref.store %reduce_sum3A_111, %arg3[%swap3A_116, %swap3A_117] : memref<24x4xf32, #tpu.memory_space<smem>>
    %slice3A_119 = vector.extract_strided_slice %add3A_18 {offsets = [1, 0, 0], sizes = [1, 512, 512], strides = [1, 1, 1]} : vector<4x512x512xf32> to vector<1x512x512xf32>
    %squeeze3A_120 = vector.shape_cast %slice3A_119 : vector<1x512x512xf32> to vector<512x512xf32>
    %reduce_sum3A_121 = vector.shape_cast %squeeze3A_120 : vector<512x512xf32> to vector<1x512x512xf32>
    %reduce_sum3A_122 = arith.constant dense<0.000000e+00> : vector<1xf32>
    %reduce_sum3A_123 = vector.multi_reduction <add>, %reduce_sum3A_121, %reduce_sum3A_122 [1, 2] : vector<1x512x512xf32> to vector<1xf32>
    %reduce_sum3A_124 = vector.shape_cast %reduce_sum3A_123 : vector<1xf32> to vector<1x1x1xf32>
    %reduce_sum3A_125 = vector.extract %reduce_sum3A_124[0, 0, 0] : f32 from vector<1x1x1xf32>
    %mul3A_126 = arith.constant 4 : i32
    %mul3A_127 = arith.muli %arg0, %mul3A_126 : i32
    %add3A_128 = arith.constant 1 : i32
    %add3A_129 = arith.addi %mul3A_127, %add3A_128 : i32
    %swap3A_130 = arith.index_cast %add3A_129 : i32 to index
    %swap3A_131 = arith.constant 3 : index
    %swap3A_132 = memref.load %arg3[%swap3A_130, %swap3A_131] : memref<24x4xf32, #tpu.memory_space<smem>>
    memref.store %reduce_sum3A_125, %arg3[%swap3A_130, %swap3A_131] : memref<24x4xf32, #tpu.memory_space<smem>>
    %slice3A_133 = vector.extract_strided_slice %select_n3A {offsets = [2, 0, 0], sizes = [1, 512, 512], strides = [1, 1, 1]} : vector<4x512x512xf32> to vector<1x512x512xf32>
    %squeeze3A_134 = vector.shape_cast %slice3A_133 : vector<1x512x512xf32> to vector<512x512xf32>
    %reduce_sum3A_135 = vector.shape_cast %squeeze3A_134 : vector<512x512xf32> to vector<1x512x512xf32>
    %reduce_sum3A_136 = arith.constant dense<0.000000e+00> : vector<1xf32>
    %reduce_sum3A_137 = vector.multi_reduction <add>, %reduce_sum3A_135, %reduce_sum3A_136 [1, 2] : vector<1x512x512xf32> to vector<1xf32>
    %reduce_sum3A_138 = vector.shape_cast %reduce_sum3A_137 : vector<1xf32> to vector<1x1x1xf32>
    %reduce_sum3A_139 = vector.extract %reduce_sum3A_138[0, 0, 0] : f32 from vector<1x1x1xf32>
    %mul3A_140 = arith.constant 4 : i32
    %mul3A_141 = arith.muli %arg0, %mul3A_140 : i32
    %add3A_142 = arith.constant 2 : i32
    %add3A_143 = arith.addi %mul3A_141, %add3A_142 : i32
    %swap3A_144 = arith.index_cast %add3A_143 : i32 to index
    %swap3A_145 = arith.constant 0 : index
    %swap3A_146 = memref.load %arg3[%swap3A_144, %swap3A_145] : memref<24x4xf32, #tpu.memory_space<smem>>
    memref.store %reduce_sum3A_139, %arg3[%swap3A_144, %swap3A_145] : memref<24x4xf32, #tpu.memory_space<smem>>
    %slice3A_147 = vector.extract_strided_slice %select_n3A {offsets = [2, 0, 0], sizes = [1, 512, 512], strides = [1, 1, 1]} : vector<4x512x512xf32> to vector<1x512x512xf32>
    %squeeze3A_148 = vector.shape_cast %slice3A_147 : vector<1x512x512xf32> to vector<512x512xf32>
    %slice3A_149 = vector.extract_strided_slice %convert_element_type3A {offsets = [2, 0, 0], sizes = [1, 512, 512], strides = [1, 1, 1]} : vector<4x512x512xf32> to vector<1x512x512xf32>
    %squeeze3A_150 = vector.shape_cast %slice3A_149 : vector<1x512x512xf32> to vector<512x512xf32>
    %mul3A_151 = arith.mulf %squeeze3A_148, %squeeze3A_150 : vector<512x512xf32>
    %reduce_sum3A_152 = vector.shape_cast %mul3A_151 : vector<512x512xf32> to vector<1x512x512xf32>
    %reduce_sum3A_153 = arith.constant dense<0.000000e+00> : vector<1xf32>
    %reduce_sum3A_154 = vector.multi_reduction <add>, %reduce_sum3A_152, %reduce_sum3A_153 [1, 2] : vector<1x512x512xf32> to vector<1xf32>
    %reduce_sum3A_155 = vector.shape_cast %reduce_sum3A_154 : vector<1xf32> to vector<1x1x1xf32>
    %reduce_sum3A_156 = vector.extract %reduce_sum3A_155[0, 0, 0] : f32 from vector<1x1x1xf32>
    %mul3A_157 = arith.constant 4 : i32
    %mul3A_158 = arith.muli %arg0, %mul3A_157 : i32
    %add3A_159 = arith.constant 2 : i32
    %add3A_160 = arith.addi %mul3A_158, %add3A_159 : i32
    %swap3A_161 = arith.index_cast %add3A_160 : i32 to index
    %swap3A_162 = arith.constant 1 : index
    %swap3A_163 = memref.load %arg3[%swap3A_161, %swap3A_162] : memref<24x4xf32, #tpu.memory_space<smem>>
    memref.store %reduce_sum3A_156, %arg3[%swap3A_161, %swap3A_162] : memref<24x4xf32, #tpu.memory_space<smem>>
    %slice3A_164 = vector.extract_strided_slice %convert_element_type3A {offsets = [2, 0, 0], sizes = [1, 512, 512], strides = [1, 1, 1]} : vector<4x512x512xf32> to vector<1x512x512xf32>
    %squeeze3A_165 = vector.shape_cast %slice3A_164 : vector<1x512x512xf32> to vector<512x512xf32>
    %reduce_sum3A_166 = vector.shape_cast %squeeze3A_165 : vector<512x512xf32> to vector<1x512x512xf32>
    %reduce_sum3A_167 = arith.constant dense<0.000000e+00> : vector<1xf32>
    %reduce_sum3A_168 = vector.multi_reduction <add>, %reduce_sum3A_166, %reduce_sum3A_167 [1, 2] : vector<1x512x512xf32> to vector<1xf32>
    %reduce_sum3A_169 = vector.shape_cast %reduce_sum3A_168 : vector<1xf32> to vector<1x1x1xf32>
    %reduce_sum3A_170 = vector.extract %reduce_sum3A_169[0, 0, 0] : f32 from vector<1x1x1xf32>
    %mul3A_171 = arith.constant 4 : i32
    %mul3A_172 = arith.muli %arg0, %mul3A_171 : i32
    %add3A_173 = arith.constant 2 : i32
    %add3A_174 = arith.addi %mul3A_172, %add3A_173 : i32
    %swap3A_175 = arith.index_cast %add3A_174 : i32 to index
    %swap3A_176 = arith.constant 2 : index
    %swap3A_177 = memref.load %arg3[%swap3A_175, %swap3A_176] : memref<24x4xf32, #tpu.memory_space<smem>>
    memref.store %reduce_sum3A_170, %arg3[%swap3A_175, %swap3A_176] : memref<24x4xf32, #tpu.memory_space<smem>>
    %slice3A_178 = vector.extract_strided_slice %add3A_18 {offsets = [2, 0, 0], sizes = [1, 512, 512], strides = [1, 1, 1]} : vector<4x512x512xf32> to vector<1x512x512xf32>
    %squeeze3A_179 = vector.shape_cast %slice3A_178 : vector<1x512x512xf32> to vector<512x512xf32>
    %reduce_sum3A_180 = vector.shape_cast %squeeze3A_179 : vector<512x512xf32> to vector<1x512x512xf32>
    %reduce_sum3A_181 = arith.constant dense<0.000000e+00> : vector<1xf32>
    %reduce_sum3A_182 = vector.multi_reduction <add>, %reduce_sum3A_180, %reduce_sum3A_181 [1, 2] : vector<1x512x512xf32> to vector<1xf32>
    %reduce_sum3A_183 = vector.shape_cast %reduce_sum3A_182 : vector<1xf32> to vector<1x1x1xf32>
    %reduce_sum3A_184 = vector.extract %reduce_sum3A_183[0, 0, 0] : f32 from vector<1x1x1xf32>
    %mul3A_185 = arith.constant 4 : i32
    %mul3A_186 = arith.muli %arg0, %mul3A_185 : i32
    %add3A_187 = arith.constant 2 : i32
    %add3A_188 = arith.addi %mul3A_186, %add3A_187 : i32
    %swap3A_189 = arith.index_cast %add3A_188 : i32 to index
    %swap3A_190 = arith.constant 3 : index
    %swap3A_191 = memref.load %arg3[%swap3A_189, %swap3A_190] : memref<24x4xf32, #tpu.memory_space<smem>>
    memref.store %reduce_sum3A_184, %arg3[%swap3A_189, %swap3A_190] : memref<24x4xf32, #tpu.memory_space<smem>>
    %slice3A_192 = vector.extract_strided_slice %select_n3A {offsets = [3, 0, 0], sizes = [1, 512, 512], strides = [1, 1, 1]} : vector<4x512x512xf32> to vector<1x512x512xf32>
    %squeeze3A_193 = vector.shape_cast %slice3A_192 : vector<1x512x512xf32> to vector<512x512xf32>
    %reduce_sum3A_194 = vector.shape_cast %squeeze3A_193 : vector<512x512xf32> to vector<1x512x512xf32>
    %reduce_sum3A_195 = arith.constant dense<0.000000e+00> : vector<1xf32>
    %reduce_sum3A_196 = vector.multi_reduction <add>, %reduce_sum3A_194, %reduce_sum3A_195 [1, 2] : vector<1x512x512xf32> to vector<1xf32>
    %reduce_sum3A_197 = vector.shape_cast %reduce_sum3A_196 : vector<1xf32> to vector<1x1x1xf32>
    %reduce_sum3A_198 = vector.extract %reduce_sum3A_197[0, 0, 0] : f32 from vector<1x1x1xf32>
    %mul3A_199 = arith.constant 4 : i32
    %mul3A_200 = arith.muli %arg0, %mul3A_199 : i32
    %add3A_201 = arith.constant 3 : i32
    %add3A_202 = arith.addi %mul3A_200, %add3A_201 : i32
    %swap3A_203 = arith.index_cast %add3A_202 : i32 to index
    %swap3A_204 = arith.constant 0 : index
    %swap3A_205 = memref.load %arg3[%swap3A_203, %swap3A_204] : memref<24x4xf32, #tpu.memory_space<smem>>
    memref.store %reduce_sum3A_198, %arg3[%swap3A_203, %swap3A_204] : memref<24x4xf32, #tpu.memory_space<smem>>
    %slice3A_206 = vector.extract_strided_slice %select_n3A {offsets = [3, 0, 0], sizes = [1, 512, 512], strides = [1, 1, 1]} : vector<4x512x512xf32> to vector<1x512x512xf32>
    %squeeze3A_207 = vector.shape_cast %slice3A_206 : vector<1x512x512xf32> to vector<512x512xf32>
    %slice3A_208 = vector.extract_strided_slice %convert_element_type3A {offsets = [3, 0, 0], sizes = [1, 512, 512], strides = [1, 1, 1]} : vector<4x512x512xf32> to vector<1x512x512xf32>
    %squeeze3A_209 = vector.shape_cast %slice3A_208 : vector<1x512x512xf32> to vector<512x512xf32>
    %mul3A_210 = arith.mulf %squeeze3A_207, %squeeze3A_209 : vector<512x512xf32>
    %reduce_sum3A_211 = vector.shape_cast %mul3A_210 : vector<512x512xf32> to vector<1x512x512xf32>
    %reduce_sum3A_212 = arith.constant dense<0.000000e+00> : vector<1xf32>
    %reduce_sum3A_213 = vector.multi_reduction <add>, %reduce_sum3A_211, %reduce_sum3A_212 [1, 2] : vector<1x512x512xf32> to vector<1xf32>
    %reduce_sum3A_214 = vector.shape_cast %reduce_sum3A_213 : vector<1xf32> to vector<1x1x1xf32>
    %reduce_sum3A_215 = vector.extract %reduce_sum3A_214[0, 0, 0] : f32 from vector<1x1x1xf32>
    %mul3A_216 = arith.constant 4 : i32
    %mul3A_217 = arith.muli %arg0, %mul3A_216 : i32
    %add3A_218 = arith.constant 3 : i32
    %add3A_219 = arith.addi %mul3A_217, %add3A_218 : i32
    %swap3A_220 = arith.index_cast %add3A_219 : i32 to index
    %swap3A_221 = arith.constant 1 : index
    %swap3A_222 = memref.load %arg3[%swap3A_220, %swap3A_221] : memref<24x4xf32, #tpu.memory_space<smem>>
    memref.store %reduce_sum3A_215, %arg3[%swap3A_220, %swap3A_221] : memref<24x4xf32, #tpu.memory_space<smem>>
    %slice3A_223 = vector.extract_strided_slice %convert_element_type3A {offsets = [3, 0, 0], sizes = [1, 512, 512], strides = [1, 1, 1]} : vector<4x512x512xf32> to vector<1x512x512xf32>
    %squeeze3A_224 = vector.shape_cast %slice3A_223 : vector<1x512x512xf32> to vector<512x512xf32>
    %reduce_sum3A_225 = vector.shape_cast %squeeze3A_224 : vector<512x512xf32> to vector<1x512x512xf32>
    %reduce_sum3A_226 = arith.constant dense<0.000000e+00> : vector<1xf32>
    %reduce_sum3A_227 = vector.multi_reduction <add>, %reduce_sum3A_225, %reduce_sum3A_226 [1, 2] : vector<1x512x512xf32> to vector<1xf32>
    %reduce_sum3A_228 = vector.shape_cast %reduce_sum3A_227 : vector<1xf32> to vector<1x1x1xf32>
    %reduce_sum3A_229 = vector.extract %reduce_sum3A_228[0, 0, 0] : f32 from vector<1x1x1xf32>
    %mul3A_230 = arith.constant 4 : i32
    %mul3A_231 = arith.muli %arg0, %mul3A_230 : i32
    %add3A_232 = arith.constant 3 : i32
    %add3A_233 = arith.addi %mul3A_231, %add3A_232 : i32
    %swap3A_234 = arith.index_cast %add3A_233 : i32 to index
    %swap3A_235 = arith.constant 2 : index
    %swap3A_236 = memref.load %arg3[%swap3A_234, %swap3A_235] : memref<24x4xf32, #tpu.memory_space<smem>>
    memref.store %reduce_sum3A_229, %arg3[%swap3A_234, %swap3A_235] : memref<24x4xf32, #tpu.memory_space<smem>>
    %slice3A_237 = vector.extract_strided_slice %add3A_18 {offsets = [3, 0, 0], sizes = [1, 512, 512], strides = [1, 1, 1]} : vector<4x512x512xf32> to vector<1x512x512xf32>
    %squeeze3A_238 = vector.shape_cast %slice3A_237 : vector<1x512x512xf32> to vector<512x512xf32>
    %reduce_sum3A_239 = vector.shape_cast %squeeze3A_238 : vector<512x512xf32> to vector<1x512x512xf32>
    %reduce_sum3A_240 = arith.constant dense<0.000000e+00> : vector<1xf32>
    %reduce_sum3A_241 = vector.multi_reduction <add>, %reduce_sum3A_239, %reduce_sum3A_240 [1, 2] : vector<1x512x512xf32> to vector<1xf32>
    %reduce_sum3A_242 = vector.shape_cast %reduce_sum3A_241 : vector<1xf32> to vector<1x1x1xf32>
    %reduce_sum3A_243 = vector.extract %reduce_sum3A_242[0, 0, 0] : f32 from vector<1x1x1xf32>
    %mul3A_244 = arith.constant 4 : i32
    %mul3A_245 = arith.muli %arg0, %mul3A_244 : i32
    %add3A_246 = arith.constant 3 : i32
    %add3A_247 = arith.addi %mul3A_245, %add3A_246 : i32
    %swap3A_248 = arith.index_cast %add3A_247 : i32 to index
    %swap3A_249 = arith.constant 3 : index
    %swap3A_250 = memref.load %arg3[%swap3A_248, %swap3A_249] : memref<24x4xf32, #tpu.memory_space<smem>>
    memref.store %reduce_sum3A_243, %arg3[%swap3A_248, %swap3A_249] : memref<24x4xf32, #tpu.memory_space<smem>>
    return
  }
  func.func @transform_0(%arg0: i32) -> (i32, i32, i32) {
    %add3A = arith.constant 2 : i32
    %add3A_0 = arith.addi %add3A, %arg0 : i32
    %c0_i32 = arith.constant 0 : i32
    %c0_i32_1 = arith.constant 0 : i32
    %c0_i32_2 = arith.constant 0 : i32
    return %add3A_0, %c0_i32, %c0_i32_1 : i32, i32, i32
  }
  func.func @transform_1(%arg0: i32) -> (i32, i32, i32) {
    %add3A = arith.constant 2 : i32
    %add3A_0 = arith.addi %add3A, %arg0 : i32
    %c0_i32 = arith.constant 0 : i32
    %c0_i32_1 = arith.constant 0 : i32
    %c0_i32_2 = arith.constant 0 : i32
    return %add3A_0, %c0_i32, %c0_i32_1 : i32, i32, i32
  }
  func.func @transform_2(%arg0: i32) -> (i32, i32) {
    %c0_i32 = arith.constant 0 : i32
    %c0_i32_0 = arith.constant 0 : i32
    %c0_i32_1 = arith.constant 0 : i32
    return %c0_i32, %c0_i32_0 : i32, i32
  }
}

</mosaic_0001>

<sc_bundles>
// kernel: kernel.4.cloned.1.call-start
scs
__scs_entry_jumppad:
0x0: {  	(pc) =	sbr.rel $0x88, $3  }
0x1: {  	(tag) =	ssettag $0x0;
	lr =	simm.s32 $0x1  }
0x2: {  	[smem:$0x3F9F] =	sst lr;
	_ =	strace $0xD0000000  }
0x3: {  	_ = 	snop  }
0x4: {  	_ = 	snop  }
0x5: {  	_ = 	snop  }
0x6: {  	_ = 	snop  }
0x7: {  	_ = 	snop  }
__scs_overlays_trampoline_lowered:
0x8: {  	[smem:$0x3FAE] =	sst s0  }
0x9: {  	[smem:$0x3FAF] =	sst s1  }
0xa: {  	[smem:$0x3FB0] =	sst s2  }
0xb: {  	[smem:$0x3FB1] =	sst s3  }
0xc: {  	[smem:$0x3FB2] =	sst s4  }
0xd: {  	[smem:$0x3FB3] =	sst s5  }
0xe: {  	[smem:$0x3FB4] =	sst s6  }
0xf: {  	[smem:$0x3FB5] =	sst s7  }
0x10: {  	[smem:$0x3FB6] =	sst s8  }
0x11: {  	[smem:$0x3FB7] =	sst s9;
	s0 =	simm.s32 @!p0 $0x0  }
0x12: {  	s1 =	sld [smem:$0x3F9D];
	s0 =	simm.s32 @p0 $0x1  }
0x13: {  	[smem:$0x3FB8] =	sst s0;
	s0 =	simm.s32 @!p1 $0x0  }
0x14: {  	s2 =	sld [smem:$0x3F9C];
	s0 =	simm.s32 @p1 $0x1  }
0x15: {  	[smem:$0x3FB9] =	sst s0;
	s0 =	simm.s32 @!p2 $0x0  }
0x16: {  	s3 =	sld [smem:$0x3FDB];
	s0 =	simm.s32 @p2 $0x1  }
0x17: {  	s4 =	simm.s32 $0x1BF5;
	[smem:$0x3FBB] =	sst s0  }
0x18: {  	s0 =	sld [smem:$0x3F9E];
	_ =	swait.ge [sflag:s4], $0x0  }
0x19: {  	s7 =	sld [smem:$0x3F9F]  }
0x1a: {  	s8 =	sadd.s32 $0xFFFFE003, lr  }
0x1b: {  	s9 =	sadd.s32 $0xFFFFFEF7, lr;
	s5 =	simm.s32 $0xFFFFFFFF;
	p2 =	slt.u32 s8, $0xFFFFF086  }
0x1c: {  	p1 =	slt.u32 s9, $0xF7A;
	s5 =	simm.s32 @!p2 $0x0  }
0x1d: {  	s5 =	simm.s32 @p1 $0x1;
	p0 =	seq.s32 s7, s2  }
0x1e: {  	s7 =	smul.u32 @!p0 $0xF7A, s2;
	p2 =	seq.s32 @!p0 s5, $0x0  }
0x1f: {  	s9 =	smul.u32 $0xF7A, s1;
	s8 =	simm.s32 @!p0 $0x1BF5;
	p2 =	por !p2, p0  }
0x20: {  	[sflag:s8] =	ssyncset.s32 @!p0 $0xFFFFF086;
	s6 =	sadd.s32 @!p0 s3, s7;
	s7 =	simm.s32 @!p0 $0x108  }
0x21: {  	s3 =	sadd.s32 s3, s9;
	s6 =	sadd.s32 @!p0 $0x88, s6;
	s7 =	simm.s32 @p2 $0x1082  }
0x22: {  	[simem:s7], [sflag:s8] =	dma.local @!p0 [hbm:s6], $0xF7A  }
0x23: {  	s9 =	sor.u32 $0xD0000000, s2;
	s6 =	simm.s32 $0x108;
	_ =	swait.ge @!p0 [sflag:s8], $0x0  }
0x24: {  	s3 =	sadd.s32 $0x88, s3;
	s6 =	simm.s32 @!p1 $0x1082;
	[sflag:s4] =	ssyncset.s32 $0xFFFFF086  }
0x25: {  	[simem:s6], [sflag:s4] =	dma.local [hbm:s3], $0xF7A  }
0x26: {  	[smem:$0x3F9F] =	sst s1;
	(tag) =	ssettag s2;
	_ =	strace s9  }
0x27: {  	s1 =	sld [smem:$0x3FAF]  }
0x28: {  	s2 =	sld [smem:$0x3FB0]  }
0x29: {  	s4 =	sld [smem:$0x3FB2]  }
0x2a: {  	p0 =	seq.s32 s5, $0x0;
	s5 =	sld [smem:$0x3FB3]  }
0x2b: {  	s6 =	sld [smem:$0x3FB4]  }
0x2c: {  	s7 =	sld [smem:$0x3FB5]  }
0x2d: {  	s3 =	simm.s32 $0x108;
	s8 =	sld [smem:$0x3FB6]  }
0x2e: {  	s3 =	simm.s32 @!p0 $0x1082;
	s9 =	sld [smem:$0x3FB7]  }
0x2f: {  	lr =	sadd.s32 s0, s3;
	s0 =	sld [smem:$0x3FAE]  }
0x30: {  	s3 =	sld [smem:$0x3FB1]  }
0x31: {  	[smem:$0x3FBA] =	sst s10  }
0x32: {  	s10 =	sld [smem:$0x3FB8];
	_ =	sdelay $0x3  }
0x33: {  	p0 =	seq.s32 s10, $0x1;
	s10 =	sld [smem:$0x3FBA];
	_ =	sdelay $0x3  }
0x34: {  	[smem:$0x3FBA] =	sst s10  }
0x35: {  	s10 =	sld [smem:$0x3FB9];
	_ =	sdelay $0x3  }
0x36: {  	p1 =	seq.s32 s10, $0x1;
	s10 =	sld [smem:$0x3FBA];
	_ =	sdelay $0x3  }
0x37: {  	[smem:$0x3FBA] =	sst s10  }
0x38: {  	s10 =	sld [smem:$0x3FBB]  }
0x39: {  	_ = 	snop;
	(pc) =	sbr.ind lr, $3  }
0x3a: {  	_ = 	snop  }
0x3b: {  	_ = 	snop  }
0x3c: {  	p2 =	seq.s32 s10, $0x1;
	s10 =	sld [smem:$0x3FBA]  }
0x3d: {  	_ =	shalt  }
0x3e: {  	_ =	shalt  }
0x3f: {  	_ =	shalt  }
0x40: {  	_ =	shalt  }
0x41: {  	_ =	shalt  }
0x42: {  	_ =	shalt  }
0x43: {  	_ =	shalt  }
0x44: {  	_ =	shalt  }
0x45: {  	_ =	shalt  }
0x46: {  	_ =	shalt  }
0x47: {  	_ =	shalt  }
0x48: {  	_ =	shalt  }
0x49: {  	_ =	shalt  }
0x4a: {  	_ =	shalt  }
0x4b: {  	_ =	shalt  }
0x4c: {  	_ =	shalt  }
0x4d: {  	_ =	shalt  }
0x4e: {  	_ =	shalt  }
0x4f: {  	_ =	shalt  }
0x50: {  	_ =	shalt  }
0x51: {  	_ =	shalt  }
0x52: {  	_ =	shalt  }
0x53: {  	_ =	shalt  }
0x54: {  	_ =	shalt  }
0x55: {  	_ =	shalt  }
0x56: {  	_ =	shalt  }
0x57: {  	_ =	shalt  }
0x58: {  	_ =	shalt  }
0x59: {  	_ =	shalt  }
0x5a: {  	_ =	shalt  }
0x5b: {  	_ =	shalt  }
0x5c: {  	_ =	shalt  }
0x5d: {  	_ =	shalt  }
0x5e: {  	_ =	shalt  }
0x5f: {  	_ =	shalt  }
0x60: {  	_ =	shalt  }
0x61: {  	_ =	shalt  }
0x62: {  	_ =	shalt  }
0x63: {  	_ =	shalt  }
0x64: {  	_ =	shalt  }
0x65: {  	_ =	shalt  }
0x66: {  	_ =	shalt  }
0x67: {  	_ =	shalt  }
0x68: {  	_ =	shalt  }
0x69: {  	_ =	shalt  }
0x6a: {  	_ =	shalt  }
0x6b: {  	_ =	shalt  }
0x6c: {  	_ =	shalt  }
0x6d: {  	_ =	shalt  }
0x6e: {  	_ =	shalt  }
0x6f: {  	_ =	shalt  }
0x70: {  	_ =	shalt  }
0x71: {  	_ =	shalt  }
0x72: {  	_ =	shalt  }
0x73: {  	_ =	shalt  }
0x74: {  	_ =	shalt  }
0x75: {  	_ =	shalt  }
0x76: {  	_ =	shalt  }
0x77: {  	_ =	shalt  }
0x78: {  	_ =	shalt  }
0x79: {  	_ =	shalt  }
0x7a: {  	_ =	shalt  }
0x7b: {  	_ =	shalt  }
0x7c: {  	_ =	shalt  }
0x7d: {  	_ =	shalt  }
0x7e: {  	_ =	shalt  }
0x7f: {  	_ =	shalt  }
0x80: {  	_ =	shalt  }
0x81: {  	_ =	shalt  }
0x82: {  	_ =	shalt  }
0x83: {  	_ =	shalt  }
0x84: {  	_ =	shalt  }
0x85: {  	_ =	shalt  }
0x86: {  	_ =	shalt  }
0x87: {  	_ =	shalt  }
.Lfunc_end0:
.L_simem_size_0:
called_computation_lowered:
.L_overlay_start_0:
0x88: {  	s2 =	sld [smem:$0x3FD9]  }
0x89: {  	s3 =	sld [smem:$0x3FFE];
	_ =	sdelay $0x1  }
0x8a: {  	s1 =	srdreg.scid  }
0x8b: {  	s0 =	sand.u32 $0x1, s1  }
0x8c: {  	s17 =	sshll.u32 s0, $0xA;
	s2 =	sadd.s32 s3, s2  }
0x8d: {  	s2 =	sadd.s32 s2, s17  }
0x8e: {  	[smem:$0x3FC6] =	sst s2  }
0x8f: {  	_ = 	snop  }
0x90: {  	s2 =	sld [smem:$0x3FC9]  }
0x91: {  	s18 =	sld [smem:$0x3FC8];
	(tm) =	ssettm $0x1  }
0x92: {  	s4 =	sld [smem:$0x3FFB];
	_ =	sdelay $0x3  }
0x93: {  	_ =	strace s4  }
0x94: {  	s4 =	sld [smem:$0x3FFC];
	_ =	sdelay $0x3  }
0x95: {  	_ =	strace s4  }
0x96: {  	s4 =	sld [smem:$0x3FFD];
	_ =	sdelay $0x3  }
0x97: {  	_ =	strace s4  }
0x98: {  	_ =	strace $0x8FFFFFFF  }
0x99: {  	s19 =	sld [smem:$0x3FDB];
	_ =	sdelay $0x1  }
0x9a: {  	s5 =	simm.s32 $_scs_section_size  }
0x9b: {  	s6 =	simm.s32 $_size__tile_overlayer_lowered;
	s7 =	simm.s32 $_tile_overlayer_lowered  }
0x9c: {  	s22 =	simm.s32 $0x1BFF;
	s21 =	sshll.u32 s7, $0x1;
	s4 =	sadd.s32 s5, s19  }
0x9d: {  	s8 =	simm.s32 $0x0;
	s20 =	sshll.u32 s6, $0x1;
	s6 =	sadd.s32 s21, s4  }
0x9e: {  	[timem:s8], [sflag:s22] =	dma.local [hbm:s6], s20  }
0x9f: {  	_ =	swait.ge [sflag:s22], s20  }
0xa0: {  	s5 =	ssub.s32 $0x0, s20;
	[sflag:s22] =	ssyncset.done $0x0  }
0xa1: {  	[sflag:s22] =	ssyncadd.s32 s5;
	_ =	sdelay $0x1  }
0xa2: {  	s23 =	simm.s32 $0x1B8B  }
0xa3: {  	_ =	swait.ge [sflag:s23], $0x1  }
0xa4: {  	[sflag:s23] =	ssyncset.done $0x0  }
0xa5: {  	s25 =	simm.s32 $0x1B8E;
	s24 =	sld [smem:$0x3FFE];
	[sflag:s23] =	ssyncadd.s32 $0xFFFFFFFF  }
0xa6: {  	s26 =	simm.s32 $execute0_lowered;
	[smem:$0x3FD2] =	sst s25  }
0xa7: {  	s6 =	sshll.u32 s26, $0x1;
	_ =	strace $0x80000046;
	[dreg:$0x1] =	wrdreg $0xFFFFFFFF  }
0xa8: {  	s28 =	simm.s32 $_size_execute0_lowered;
	s4 =	sadd.s32 s4, s6;
	[dreg:$0x0] =	wrdreg $0x0  }
0xa9: {  	s6 =	sshll.u32 s28, $0x1;
	[dreg:$0x2] =	wrdreg s4  }
0xaa: {  	[dreg:$0x3] =	wrdreg s6  }
0xab: {  	[dreg:$0x4] =	wrdreg $0xC0  }
0xac: {  	_ =	task [dreg:s8], $0x5FFFF  }
0xad: {  	[dreg:$0x1] =	wrdreg $0xFFFFFFFF  }
0xae: {  	[dreg:$0x0] =	wrdreg $0x60  }
0xaf: {  	[dreg:$0x2] =	wrdreg s2  }
0xb0: {  	[dreg:$0x3] =	wrdreg s18  }
0xb1: {  	[dreg:$0x4] =	wrdreg s24  }
0xb2: {  	[dreg:$0x5] =	wrdreg $0x9  }
0xb3: {  	_ =	task.clear_ibuf [dreg:s8], $0x6FFFF;
	_ =	strace $0x90000046  }
0xb4: {  	s29 =	simm.s32 $0x9;
	_ =	strace $0x80000048  }
0xb5: {  	_ =	swait.ge [sflag:s29], $0x1  }
0xb6: {  	[sflag:s29] =	ssyncadd.s32 $0xFFFFFFFF  }
0xb7: {  	_ =	strace $0x90000048  }
0xb8: {  	_ =	sfence  }
0xb9: {  	s30 =	sld [smem:$0x0];
	_ =	sdelay $0x2  }
0xba: {  	s31 =	sshll.u32 s1, $0xD;
	s1 =	sshrl.u32 s1, $0x2  }
0xbb: {  	s3 =	sand.u32 $0x4000, s31;
	s1 =	sadd.s32 s1, s30  }
0xbc: {  	s0 =	sor.u32 s3, s0;
	s1 =	sshll.u32 s1, $0x11  }
0xbd: {  	s0 =	sor.u32 s1, s0  }
0xbe: {  	s0 =	sadd.s32 $0x8F2B, s0  }
0xbf: {  	[sflag:s0] =	ssyncadd.remote.s32 $0x1  }
0xc0: {  	_ =	sfence.sel $0xFFFF  }
0xc1: {  	[dreg:$0x0] =	wrdreg $0xFFFFFFFF;
	(pc) =	sbr.abs _section_cstart, $3  }
0xc2: {  	[dreg:$0x1] =	wrdreg $0xFFFFFFFF  }
0xc3: {  	_ =	task.clear_ibuf [dreg:s8], $0x2FFFF;
	_ =	strace $0x9FFFFFFF  }
0xc4: {  	(tm) =	ssettm $0x7FFFFFFF  }
0xc5: {  	_ =	shalt  }
tec
execute0_lowered:
.L_overlay_start_1:
0x0: {  	(tag) =	ssettag $0x1  }
0x1: {  	s9 =	rddreg [dreg:$0x0]  }
0x2: {  	s10 =	rddreg [dreg:$0x1];
	s1 =	srdreg.scid  }
0x3: {  	s0 =	stileid.u32;
	s11 =	rddreg [dreg:$0x2];
	s15 =	simm.s32 $0xC000  }
0x4: {  	s16 =	simm.s32 $0x1;
	s17 =	simm.s32 $0x2;
	s18 =	simm.s32 $0x10000  }
0x5: {  	s19 =	simm.s32 $0x3;
	s20 =	simm.s32 $0x0;
	s3 =	sand.u32 $0x1, s1  }
0x6: {  	s2 =	sshll.u32 s0, $0x1;
	s1 =	rddreg [dreg:$0x3];
	s5 =	sshll.u32 s0, $0xE  }
0x7: {  	s12 =	sor.u32 s3, s2;
	s2 =	simm.s32 $0x0;
	s3 =	ssub.s32 $0x2, s3  }
0x8: {  	s5 =	sand.u32 $0x38000, s5;
	s4 =	sshll.u32 s12, $0xD;
	[smem:$0x7FF] =	sst s2  }
0x9: {  	s6 =	sshrl.u32 s3, $0x1;
	s12 =	sshll.u32 s12, $0x4;
	s4 =	sand.u32 $0x6000, s4  }
0xa: {  	_ =	strace $0x80000047;
	s14 =	ssub.s32 s3, s6;
	s11 =	sadd.s32 s11, s12  }
0xb: {  	s13 =	sor.u32 s5, s4;
	s12 =	smax.u32 s14, $0x1;
	s14 =	simm.s32 $0x4000  }
0xc: {  	s3 =	sadd.s32 s9, s13;
	s4 =	sadd.s32 s10, s13;
	s31 =	sor.u32 $0x800, s13  }
0xd: {  	s8 =	sor.u32 $0x1000, s13;
	s13 =	sor.u32 $0x1800, s13;
	s5 =	sadd.s32 s9, s31  }
0xe: {  	s6 =	sadd.s32 s10, s31;
	s7 =	sadd.s32 s9, s8;
	s8 =	sadd.s32 s10, s8  }
0xf: {  	v0 =	vimm.f32 $0.0e+00;
	s9 =	sadd.s32 s9, s13;
	s10 =	sadd.s32 s10, s13;
	s13 =	simm.s32 $0x8000  }
.LBB2_1:
0x10: {  	[tilespmem:s2], [sflag:$0x1] =	stream.linear.gather [hbm4b:s3+s2], $0x4000, $0x38;
	[tilespmem:$0x10080] =	vst v63  }
0x11: {  	_ = 	snop  }
0x12: {  	[tilespmem:s13], [sflag:$0x1] =	stream.linear.gather [hbm4b:s4+s2], $0x4000, $0x38;
	[tilespmem:$0x10080] =	vst v63  }
0x13: {  	_ = 	snop  }
0x14: {  	[tilespmem:s14], [sflag:$0x2] =	stream.linear.gather [hbm4b:s5+s2], $0x4000, $0x38;
	[tilespmem:$0x10080] =	vst v63  }
0x15: {  	_ = 	snop  }
0x16: {  	[tilespmem:s15], [sflag:$0x2] =	stream.linear.gather [hbm4b:s6+s2], $0x4000, $0x38;
	[tilespmem:$0x10080] =	vst v63  }
0x17: {  	_ =	swait.ge [sflag:s16], $0x4000  }
0x18: {  	[sflag:s16] =	ssyncset.done $0x0  }
0x19: {  	[sflag:s16] =	ssyncadd.s32 $0xFFFFC000  }
0x1a: {  	_ =	swait.ge [sflag:s16], $0x4000  }
0x1b: {  	s21 =	sand.u32 $0x3000, s2;
	s22 =	sand.u32 $0x380, s2;
	[sflag:s16] =	ssyncset.done $0x0  }
0x1c: {  	s21 =	sor.u32 s22, s21;
	[sflag:s16] =	ssyncadd.s32 $0xFFFFC000  }
0x1d: {  	v1 =	vld [tilespmem:s21+$0x8000]  }
0x1e: {  	v2 =	vld [tilespmem:s21+$0x0]  }
0x1f: {  	v3 =	vld [tilespmem:s21+$0x8010]  }
0x20: {  	v4 =	vld [tilespmem:s21+$0x10]  }
0x21: {  	v5 =	vld [tilespmem:s21+$0x8020]  }
0x22: {  	v6 =	vld [tilespmem:s21+$0x20];
	v1 =	vcvt.s32.f32 v1  }
0x23: {  	v7 =	vld [tilespmem:s21+$0x8030]  }
0x24: {  	v8 =	vld [tilespmem:s21+$0x30];
	v2 =	vadd.f32 v2, v0;
	v3 =	vcvt.s32.f32 v3;
	v1 =	vadd.f32 v1, v0  }
0x25: {  	v9 =	vld [tilespmem:s21+$0x8040]  }
0x26: {  	v10 =	vld [tilespmem:s21+$0x40];
	v2 =	vadd.f32 v4, v2;
	v1 =	vadd.f32 v3, v1;
	v3 =	vcvt.s32.f32 v5  }
0x27: {  	v4 =	vld [tilespmem:s21+$0x8050]  }
0x28: {  	v5 =	vld [tilespmem:s21+$0x50];
	v2 =	vadd.f32 v6, v2;
	v1 =	vadd.f32 v3, v1;
	v3 =	vcvt.s32.f32 v7  }
0x29: {  	v6 =	vld [tilespmem:s21+$0x8060]  }
0x2a: {  	v7 =	vld [tilespmem:s21+$0x60];
	v2 =	vadd.f32 v8, v2;
	v1 =	vadd.f32 v3, v1;
	v3 =	vcvt.s32.f32 v9  }
0x2b: {  	v8 =	vld [tilespmem:s21+$0x8070]  }
0x2c: {  	v9 =	vld [tilespmem:s21+$0x70];
	v2 =	vadd.f32 v10, v2;
	v1 =	vadd.f32 v3, v1;
	v3 =	vcvt.s32.f32 v4  }
0x2d: {  	v4 =	vld [tilespmem:s21+$0x8400]  }
0x2e: {  	v10 =	vld [tilespmem:s21+$0x400];
	v2 =	vadd.f32 v5, v2;
	v1 =	vadd.f32 v3, v1;
	v3 =	vcvt.s32.f32 v6  }
0x2f: {  	v5 =	vld [tilespmem:s21+$0x8410]  }
0x30: {  	v6 =	vld [tilespmem:s21+$0x410];
	v2 =	vadd.f32 v7, v2;
	v1 =	vadd.f32 v3, v1;
	v3 =	vcvt.s32.f32 v8  }
0x31: {  	v7 =	vld [tilespmem:s21+$0x8420]  }
0x32: {  	v8 =	vld [tilespmem:s21+$0x420];
	v2 =	vadd.f32 v9, v2;
	v1 =	vadd.f32 v3, v1;
	v3 =	vcvt.s32.f32 v4  }
0x33: {  	v4 =	vld [tilespmem:s21+$0x8430]  }
0x34: {  	v9 =	vld [tilespmem:s21+$0x430];
	v2 =	vadd.f32 v10, v2;
	v1 =	vadd.f32 v3, v1;
	v3 =	vcvt.s32.f32 v5  }
0x35: {  	v5 =	vld [tilespmem:s21+$0x8440]  }
0x36: {  	v10 =	vld [tilespmem:s21+$0x440];
	v2 =	vadd.f32 v6, v2;
	v1 =	vadd.f32 v3, v1;
	v3 =	vcvt.s32.f32 v7  }
0x37: {  	v6 =	vld [tilespmem:s21+$0x8450]  }
0x38: {  	v7 =	vld [tilespmem:s21+$0x450];
	v2 =	vadd.f32 v8, v2;
	v1 =	vadd.f32 v3, v1;
	v3 =	vcvt.s32.f32 v4  }
0x39: {  	v4 =	vld [tilespmem:s21+$0x8460]  }
0x3a: {  	v8 =	vld [tilespmem:s21+$0x460];
	v2 =	vadd.f32 v9, v2;
	v1 =	vadd.f32 v3, v1;
	v3 =	vcvt.s32.f32 v5  }
0x3b: {  	v5 =	vld [tilespmem:s21+$0x8470]  }
0x3c: {  	v9 =	vld [tilespmem:s21+$0x470];
	v2 =	vadd.f32 v10, v2;
	v1 =	vadd.f32 v3, v1;
	v3 =	vcvt.s32.f32 v6  }
0x3d: {  	v6 =	vld [tilespmem:s21+$0x8800]  }
0x3e: {  	v10 =	vld [tilespmem:s21+$0x800];
	v2 =	vadd.f32 v7, v2;
	v1 =	vadd.f32 v3, v1;
	v3 =	vcvt.s32.f32 v4  }
0x3f: {  	v4 =	vld [tilespmem:s21+$0x8810]  }
0x40: {  	v7 =	vld [tilespmem:s21+$0x810];
	v2 =	vadd.f32 v8, v2;
	v1 =	vadd.f32 v3, v1;
	v3 =	vcvt.s32.f32 v5  }
0x41: {  	v5 =	vld [tilespmem:s21+$0x8820]  }
0x42: {  	v8 =	vld [tilespmem:s21+$0x820];
	v2 =	vadd.f32 v9, v2;
	v1 =	vadd.f32 v3, v1;
	v3 =	vcvt.s32.f32 v6  }
0x43: {  	v6 =	vld [tilespmem:s21+$0x8830]  }
0x44: {  	v9 =	vld [tilespmem:s21+$0x830];
	v2 =	vadd.f32 v10, v2;
	v1 =	vadd.f32 v3, v1;
	v3 =	vcvt.s32.f32 v4  }
0x45: {  	v4 =	vld [tilespmem:s21+$0x8840]  }
0x46: {  	v10 =	vld [tilespmem:s21+$0x840];
	v2 =	vadd.f32 v7, v2;
	v1 =	vadd.f32 v3, v1;
	v3 =	vcvt.s32.f32 v5  }
0x47: {  	v5 =	vld [tilespmem:s21+$0x8850]  }
0x48: {  	v7 =	vld [tilespmem:s21+$0x850];
	v2 =	vadd.f32 v8, v2;
	v1 =	vadd.f32 v3, v1;
	v3 =	vcvt.s32.f32 v6  }
0x49: {  	v6 =	vld [tilespmem:s21+$0x8860]  }
0x4a: {  	v8 =	vld [tilespmem:s21+$0x860];
	v2 =	vadd.f32 v9, v2;
	v1 =	vadd.f32 v3, v1;
	v3 =	vcvt.s32.f32 v4  }
0x4b: {  	v4 =	vld [tilespmem:s21+$0x8870]  }
0x4c: {  	v9 =	vld [tilespmem:s21+$0x870];
	v2 =	vadd.f32 v10, v2;
	v1 =	vadd.f32 v3, v1;
	v3 =	vcvt.s32.f32 v5  }
0x4d: {  	v5 =	vld [tilespmem:s21+$0x8C00]  }
0x4e: {  	v10 =	vld [tilespmem:s21+$0xC00];
	v2 =	vadd.f32 v7, v2;
	v1 =	vadd.f32 v3, v1;
	v3 =	vcvt.s32.f32 v6  }
0x4f: {  	v6 =	vld [tilespmem:s21+$0x8C10]  }
0x50: {  	v7 =	vld [tilespmem:s21+$0xC10];
	v2 =	vadd.f32 v8, v2;
	v1 =	vadd.f32 v3, v1;
	v3 =	vcvt.s32.f32 v4  }
0x51: {  	v4 =	vld [tilespmem:s21+$0x8C20]  }
0x52: {  	v8 =	vld [tilespmem:s21+$0xC20];
	v2 =	vadd.f32 v9, v2;
	v1 =	vadd.f32 v3, v1;
	v3 =	vcvt.s32.f32 v5  }
0x53: {  	v9 =	vld [tilespmem:s21+$0x8C30]  }
0x54: {  	v11 =	vld [tilespmem:s21+$0xC30];
	v2 =	vadd.f32 v10, v2;
	v5 =	vcvt.s32.f32 v6;
	v1 =	vadd.f32 v3, v1  }
0x55: {  	v6 =	vld [tilespmem:s21+$0x8C40]  }
0x56: {  	v3 =	vld [tilespmem:s21+$0xC40];
	v2 =	vadd.f32 v7, v2;
	v4 =	vcvt.s32.f32 v4;
	v7 =	vadd.f32 v5, v1  }
0x57: {  	v5 =	vld [tilespmem:s21+$0x8C50]  }
0x58: {  	v9 =	vcvt.s32.f32 v9;
	v1 =	vld [tilespmem:s21+$0xC50];
	v8 =	vadd.f32 v8, v2;
	v10 =	vadd.f32 v4, v7  }
0x59: {  	v4 =	vld [tilespmem:s21+$0x8C60]  }
0x5a: {  	s23 =	simm.s32 $0x200;
	s22 =	simm.s32 $0x80;
	v2 =	vld [tilespmem:s21+$0xC60];
	v7 =	vadd.f32 v11, v8;
	v8 =	vadd.f32 v9, v10;
	v9 =	vcvt.s32.f32 v6  }
0x5b: {  	s24 =	sand.u32 $0x3000, s23;
	s23 =	simm.s32 $0x400;
	s25 =	sand.u32 $0x380, s22;
	v6 =	vld [tilespmem:s21+$0x8C70]  }
.LBB2_2:
0x5c: {  	p0 =	sne.s32 s23, $0x3E00;
	v3 =	vadd.f32 v3, v7;
	v7 =	vadd.f32 v9, v8;
	v5 =	vcvt.s32.f32 v5;
	v8 =	vld [tilespmem:s21+$0xC70];
	s21 =	sor.u32 s25, s24  }
0x5d: {  	v9 =	vld [tilespmem:s21+$0x8000]  }
0x5e: {  	v10 =	vld [tilespmem:s21+$0x0];
	v1 =	vadd.f32 v1, v3;
	v3 =	vadd.f32 v5, v7;
	v4 =	vcvt.s32.f32 v4  }
0x5f: {  	v5 =	vld [tilespmem:s21+$0x8010]  }
0x60: {  	v7 =	vld [tilespmem:s21+$0x10];
	v1 =	vadd.f32 v2, v1;
	v2 =	vadd.f32 v4, v3;
	v3 =	vcvt.s32.f32 v6  }
0x61: {  	v4 =	vld [tilespmem:s21+$0x8020]  }
0x62: {  	v6 =	vcvt.s32.f32 v9;
	v9 =	vld [tilespmem:s21+$0x20];
	v1 =	vadd.f32 v8, v1;
	v2 =	vadd.f32 v3, v2  }
0x63: {  	v3 =	vld [tilespmem:s21+$0x8030]  }
0x64: {  	v1 =	vadd.f32 v10, v1;
	v2 =	vadd.f32 v6, v2;
	v5 =	vcvt.s32.f32 v5;
	v6 =	vld [tilespmem:s21+$0x30]  }
0x65: {  	v8 =	vld [tilespmem:s21+$0x8040]  }
0x66: {  	v1 =	vadd.f32 v7, v1;
	v2 =	vadd.f32 v5, v2;
	v4 =	vcvt.s32.f32 v4;
	v5 =	vld [tilespmem:s21+$0x40]  }
0x67: {  	v7 =	vld [tilespmem:s21+$0x8050]  }
0x68: {  	v1 =	vadd.f32 v9, v1;
	v2 =	vadd.f32 v4, v2;
	v3 =	vcvt.s32.f32 v3;
	v4 =	vld [tilespmem:s21+$0x50]  }
0x69: {  	v9 =	vld [tilespmem:s21+$0x8060]  }
0x6a: {  	v1 =	vadd.f32 v6, v1;
	v2 =	vadd.f32 v3, v2;
	v3 =	vcvt.s32.f32 v8;
	v6 =	vld [tilespmem:s21+$0x60]  }
0x6b: {  	v8 =	vld [tilespmem:s21+$0x8070]  }
0x6c: {  	v1 =	vadd.f32 v5, v1;
	v2 =	vadd.f32 v3, v2;
	v3 =	vcvt.s32.f32 v7;
	v5 =	vld [tilespmem:s21+$0x70]  }
0x6d: {  	v7 =	vld [tilespmem:s21+$0x8400]  }
0x6e: {  	v1 =	vadd.f32 v4, v1;
	v2 =	vadd.f32 v3, v2;
	v3 =	vcvt.s32.f32 v9;
	v4 =	vld [tilespmem:s21+$0x400]  }
0x6f: {  	v9 =	vld [tilespmem:s21+$0x8410]  }
0x70: {  	v1 =	vadd.f32 v6, v1;
	v2 =	vadd.f32 v3, v2;
	v3 =	vcvt.s32.f32 v8;
	v6 =	vld [tilespmem:s21+$0x410]  }
0x71: {  	v8 =	vld [tilespmem:s21+$0x8420]  }
0x72: {  	v1 =	vadd.f32 v5, v1;
	v2 =	vadd.f32 v3, v2;
	v3 =	vcvt.s32.f32 v7;
	v5 =	vld [tilespmem:s21+$0x420]  }
0x73: {  	v7 =	vld [tilespmem:s21+$0x8430]  }
0x74: {  	v1 =	vadd.f32 v4, v1;
	v2 =	vadd.f32 v3, v2;
	v3 =	vcvt.s32.f32 v9;
	v4 =	vld [tilespmem:s21+$0x430]  }
0x75: {  	v9 =	vld [tilespmem:s21+$0x8440]  }
0x76: {  	v1 =	vadd.f32 v6, v1;
	v2 =	vadd.f32 v3, v2;
	v3 =	vcvt.s32.f32 v8;
	v6 =	vld [tilespmem:s21+$0x440]  }
0x77: {  	v8 =	vld [tilespmem:s21+$0x8450]  }
0x78: {  	v1 =	vadd.f32 v5, v1;
	v2 =	vadd.f32 v3, v2;
	v3 =	vcvt.s32.f32 v7;
	v5 =	vld [tilespmem:s21+$0x450]  }
0x79: {  	v7 =	vld [tilespmem:s21+$0x8460]  }
0x7a: {  	v1 =	vadd.f32 v4, v1;
	v2 =	vadd.f32 v3, v2;
	v3 =	vcvt.s32.f32 v9;
	v4 =	vld [tilespmem:s21+$0x460]  }
0x7b: {  	v9 =	vld [tilespmem:s21+$0x8470]  }
0x7c: {  	v1 =	vadd.f32 v6, v1;
	v2 =	vadd.f32 v3, v2;
	v3 =	vcvt.s32.f32 v8;
	v6 =	vld [tilespmem:s21+$0x470]  }
0x7d: {  	v8 =	vld [tilespmem:s21+$0x8800]  }
0x7e: {  	v1 =	vadd.f32 v5, v1;
	v2 =	vadd.f32 v3, v2;
	v3 =	vcvt.s32.f32 v7;
	v5 =	vld [tilespmem:s21+$0x800]  }
0x7f: {  	v7 =	vld [tilespmem:s21+$0x8810]  }
0x80: {  	v1 =	vadd.f32 v4, v1;
	v2 =	vadd.f32 v3, v2;
	v3 =	vcvt.s32.f32 v9;
	v4 =	vld [tilespmem:s21+$0x810]  }
0x81: {  	v9 =	vld [tilespmem:s21+$0x8820]  }
0x82: {  	v1 =	vadd.f32 v6, v1;
	v2 =	vadd.f32 v3, v2;
	v3 =	vcvt.s32.f32 v8;
	v6 =	vld [tilespmem:s21+$0x820]  }
0x83: {  	v8 =	vld [tilespmem:s21+$0x8830]  }
0x84: {  	v1 =	vadd.f32 v5, v1;
	v2 =	vadd.f32 v3, v2;
	v3 =	vcvt.s32.f32 v7;
	v5 =	vld [tilespmem:s21+$0x830]  }
0x85: {  	v7 =	vld [tilespmem:s21+$0x8840]  }
0x86: {  	v1 =	vadd.f32 v4, v1;
	v2 =	vadd.f32 v3, v2;
	v3 =	vcvt.s32.f32 v9;
	v4 =	vld [tilespmem:s21+$0x840]  }
0x87: {  	v9 =	vld [tilespmem:s21+$0x8850]  }
0x88: {  	v1 =	vadd.f32 v6, v1;
	v2 =	vadd.f32 v3, v2;
	v3 =	vcvt.s32.f32 v8;
	v6 =	vld [tilespmem:s21+$0x850]  }
0x89: {  	v8 =	vld [tilespmem:s21+$0x8860]  }
0x8a: {  	v1 =	vadd.f32 v5, v1;
	v2 =	vadd.f32 v3, v2;
	v3 =	vcvt.s32.f32 v7;
	v5 =	vld [tilespmem:s21+$0x860]  }
0x8b: {  	v7 =	vld [tilespmem:s21+$0x8870]  }
0x8c: {  	v1 =	vadd.f32 v4, v1;
	v2 =	vadd.f32 v3, v2;
	v3 =	vcvt.s32.f32 v9;
	v4 =	vld [tilespmem:s21+$0x870]  }
0x8d: {  	v9 =	vld [tilespmem:s21+$0x8C00]  }
0x8e: {  	v1 =	vadd.f32 v6, v1;
	v2 =	vadd.f32 v3, v2;
	v3 =	vcvt.s32.f32 v8;
	v6 =	vld [tilespmem:s21+$0xC00]  }
0x8f: {  	v8 =	vld [tilespmem:s21+$0x8C10]  }
0x90: {  	v1 =	vadd.f32 v5, v1;
	v2 =	vadd.f32 v3, v2;
	v3 =	vcvt.s32.f32 v7;
	v5 =	vld [tilespmem:s21+$0xC10]  }
0x91: {  	v7 =	vld [tilespmem:s21+$0x8C20]  }
0x92: {  	v1 =	vadd.f32 v4, v1;
	v2 =	vadd.f32 v3, v2;
	v3 =	vcvt.s32.f32 v9;
	v4 =	vld [tilespmem:s21+$0xC20]  }
0x93: {  	v9 =	vld [tilespmem:s21+$0x8C30]  }
0x94: {  	v1 =	vadd.f32 v6, v1;
	v2 =	vadd.f32 v3, v2;
	v3 =	vcvt.s32.f32 v8;
	v6 =	vld [tilespmem:s21+$0xC30]  }
0x95: {  	v10 =	vld [tilespmem:s21+$0x8C40]  }
0x96: {  	v1 =	vadd.f32 v5, v1;
	v2 =	vadd.f32 v3, v2;
	v7 =	vcvt.s32.f32 v7;
	v3 =	vld [tilespmem:s21+$0xC40]  }
.Ltmp0:
0x97: {  	v5 =	vld [tilespmem:s21+$0x8C50];
	(pc) =	sbr.rel @p0 .LBB2_2-.Ltmp0, $4  }
0x98: {  	v8 =	vadd.f32 v4, v1;
	v2 =	vadd.f32 v7, v2;
	v9 =	vcvt.s32.f32 v9;
	v1 =	vld [tilespmem:s21+$0xC50]  }
0x99: {  	v4 =	vld [tilespmem:s21+$0x8C60]  }
0x9a: {  	s22 =	sadd.s32 $0x80, s22;
	v7 =	vadd.f32 v6, v8;
	v8 =	vadd.f32 v9, v2;
	v9 =	vcvt.s32.f32 v10;
	v2 =	vld [tilespmem:s21+$0xC60]  }
0x9b: {  	s24 =	sand.u32 $0x3000, s23;
	s23 =	sadd.s32 $0x200, s23;
	s25 =	sand.u32 $0x380, s22;
	v6 =	vld [tilespmem:s21+$0x8C70]  }
0x9c: {  	s22 =	sor.u32 s25, s24;
	v10 =	vld [tilespmem:s21+$0xC70]  }
0x9d: {  	v11 =	vld [tilespmem:s22+$0x8000]  }
0x9e: {  	v12 =	vld [tilespmem:s22+$0x0]  }
0x9f: {  	v13 =	vld [tilespmem:s22+$0x8010]  }
0xa0: {  	v14 =	vld [tilespmem:s22+$0x10]  }
0xa1: {  	v15 =	vld [tilespmem:s22+$0x8020]  }
0xa2: {  	v16 =	vld [tilespmem:s22+$0x20]  }
0xa3: {  	v17 =	vld [tilespmem:s22+$0x8030]  }
0xa4: {  	v3 =	vadd.f32 v3, v7;
	v7 =	vadd.f32 v9, v8;
	v5 =	vcvt.s32.f32 v5;
	v18 =	vld [tilespmem:s22+$0x30]  }
0xa5: {  	v19 =	vld [tilespmem:s22+$0x8040]  }
0xa6: {  	v8 =	vld [tilespmem:s22+$0x40];
	v1 =	vadd.f32 v1, v3;
	v3 =	vadd.f32 v5, v7;
	v4 =	vcvt.s32.f32 v4  }
0xa7: {  	v9 =	vld [tilespmem:s22+$0x8050]  }
0xa8: {  	v40 =	vld [tilespmem:s22+$0x400];
	v1 =	vadd.f32 v2, v1;
	v2 =	vadd.f32 v4, v3;
	v3 =	vcvt.s32.f32 v6  }
0xa9: {  	v41 =	vld [tilespmem:s22+$0x8410]  }
0xaa: {  	v42 =	vld [tilespmem:s22+$0x410];
	v11 =	vcvt.s32.f32 v11;
	v1 =	vadd.f32 v10, v1;
	v2 =	vadd.f32 v3, v2  }
0xab: {  	v43 =	vld [tilespmem:s22+$0x8420]  }
0xac: {  	v44 =	vld [tilespmem:s22+$0x420];
	v1 =	vadd.f32 v12, v1;
	v2 =	vadd.f32 v11, v2;
	v11 =	vcvt.s32.f32 v13  }
0xad: {  	v45 =	vld [tilespmem:s22+$0x8430]  }
0xae: {  	v46 =	vld [tilespmem:s22+$0x430];
	v1 =	vadd.f32 v14, v1;
	v2 =	vadd.f32 v11, v2;
	v11 =	vcvt.s32.f32 v15  }
0xaf: {  	v47 =	vld [tilespmem:s22+$0x8440]  }
0xb0: {  	v5 =	vld [tilespmem:s22+$0x50];
	v1 =	vadd.f32 v16, v1;
	v2 =	vadd.f32 v11, v2;
	v11 =	vcvt.s32.f32 v17  }
0xb1: {  	v7 =	vld [tilespmem:s22+$0x8060]  }
0xb2: {  	v4 =	vld [tilespmem:s22+$0x60];
	v1 =	vadd.f32 v18, v1;
	v2 =	vadd.f32 v11, v2;
	v11 =	vcvt.s32.f32 v19  }
0xb3: {  	v6 =	vld [tilespmem:s22+$0x8070]  }
0xb4: {  	v3 =	vld [tilespmem:s22+$0x70];
	v1 =	vadd.f32 v8, v1;
	v2 =	vadd.f32 v11, v2;
	v8 =	vcvt.s32.f32 v9  }
0xb5: {  	v10 =	vld [tilespmem:s22+$0x8400]  }
0xb6: {  	v48 =	vld [tilespmem:s22+$0x800];
	v1 =	vadd.f32 v5, v1;
	v2 =	vadd.f32 v8, v2;
	v5 =	vcvt.s32.f32 v7  }
0xb7: {  	v49 =	vld [tilespmem:s22+$0x8810]  }
0xb8: {  	v50 =	vld [tilespmem:s22+$0x810];
	v1 =	vadd.f32 v4, v1;
	v2 =	vadd.f32 v5, v2;
	v4 =	vcvt.s32.f32 v6  }
0xb9: {  	v51 =	vld [tilespmem:s22+$0x8820]  }
0xba: {  	v52 =	vld [tilespmem:s22+$0x820];
	v1 =	vadd.f32 v3, v1;
	v2 =	vadd.f32 v4, v2;
	v3 =	vcvt.s32.f32 v10  }
0xbb: {  	v53 =	vld [tilespmem:s22+$0x8830]  }
0xbc: {  	v54 =	vld [tilespmem:s22+$0x830];
	v1 =	vadd.f32 v40, v1;
	v2 =	vadd.f32 v3, v2;
	v3 =	vcvt.s32.f32 v41  }
0xbd: {  	v55 =	vld [tilespmem:s22+$0x8840]  }
0xbe: {  	v9 =	vld [tilespmem:s22+$0x440];
	v1 =	vadd.f32 v42, v1;
	v2 =	vadd.f32 v3, v2;
	v3 =	vcvt.s32.f32 v43  }
0xbf: {  	v11 =	vld [tilespmem:s22+$0x8450]  }
0xc0: {  	v7 =	vld [tilespmem:s22+$0x450];
	v1 =	vadd.f32 v44, v1;
	v2 =	vadd.f32 v3, v2;
	v3 =	vcvt.s32.f32 v45  }
0xc1: {  	v8 =	vld [tilespmem:s22+$0x8460]  }
0xc2: {  	v5 =	vld [tilespmem:s22+$0x460];
	v1 =	vadd.f32 v46, v1;
	v2 =	vadd.f32 v3, v2;
	v3 =	vcvt.s32.f32 v47  }
0xc3: {  	v6 =	vld [tilespmem:s22+$0x8470]  }
0xc4: {  	v4 =	vld [tilespmem:s22+$0x470];
	v1 =	vadd.f32 v9, v1;
	v2 =	vadd.f32 v3, v2;
	v3 =	vcvt.s32.f32 v11  }
0xc5: {  	v10 =	vld [tilespmem:s22+$0x8800]  }
0xc6: {  	v56 =	vld [tilespmem:s22+$0xC00];
	v1 =	vadd.f32 v7, v1;
	v2 =	vadd.f32 v3, v2;
	v3 =	vcvt.s32.f32 v8  }
0xc7: {  	v57 =	vld [tilespmem:s22+$0x8C10]  }
0xc8: {  	v58 =	vld [tilespmem:s22+$0xC10];
	v1 =	vadd.f32 v5, v1;
	v2 =	vadd.f32 v3, v2;
	v3 =	vcvt.s32.f32 v6  }
0xc9: {  	v59 =	vld [tilespmem:s22+$0x8C20]  }
0xca: {  	v60 =	vld [tilespmem:s22+$0xC20];
	v1 =	vadd.f32 v4, v1;
	v2 =	vadd.f32 v3, v2;
	v3 =	vcvt.s32.f32 v10  }
0xcb: {  	v61 =	vld [tilespmem:s22+$0x8C30]  }
0xcc: {  	v62 =	vld [tilespmem:s22+$0xC30];
	v1 =	vadd.f32 v48, v1;
	v2 =	vadd.f32 v3, v2;
	v3 =	vcvt.s32.f32 v49  }
0xcd: {  	v63 =	vld [tilespmem:s22+$0x8C40]  }
0xce: {  	v9 =	vld [tilespmem:s22+$0x840];
	v1 =	vadd.f32 v50, v1;
	v2 =	vadd.f32 v3, v2;
	v3 =	vcvt.s32.f32 v51  }
0xcf: {  	v11 =	vld [tilespmem:s22+$0x8850]  }
0xd0: {  	v7 =	vld [tilespmem:s22+$0x850];
	v1 =	vadd.f32 v52, v1;
	v2 =	vadd.f32 v3, v2;
	v3 =	vcvt.s32.f32 v53  }
0xd1: {  	v8 =	vld [tilespmem:s22+$0x8860]  }
0xd2: {  	v5 =	vld [tilespmem:s22+$0x860];
	v1 =	vadd.f32 v54, v1;
	v2 =	vadd.f32 v3, v2;
	v3 =	vcvt.s32.f32 v55  }
0xd3: {  	v6 =	vld [tilespmem:s22+$0x8870]  }
0xd4: {  	v4 =	vld [tilespmem:s22+$0x870];
	v1 =	vadd.f32 v9, v1;
	v2 =	vadd.f32 v3, v2;
	v3 =	vcvt.s32.f32 v11  }
0xd5: {  	v10 =	vld [tilespmem:s22+$0x8C00]  }
0xd6: {  	v9 =	vld [tilespmem:s22+$0xC40];
	v1 =	vadd.f32 v7, v1;
	v2 =	vadd.f32 v3, v2;
	v3 =	vcvt.s32.f32 v8  }
0xd7: {  	v11 =	vld [tilespmem:s22+$0x8C50]  }
0xd8: {  	v7 =	vld [tilespmem:s22+$0xC50];
	v1 =	vadd.f32 v5, v1;
	v2 =	vadd.f32 v3, v2;
	v3 =	vcvt.s32.f32 v6  }
0xd9: {  	v8 =	vld [tilespmem:s22+$0x8C60]  }
0xda: {  	v5 =	vld [tilespmem:s22+$0xC60];
	v1 =	vadd.f32 v4, v1;
	v2 =	vadd.f32 v3, v2;
	v3 =	vcvt.s32.f32 v10  }
0xdb: {  	s30 =	simm.s32 $0x0;
	v6 =	vld [tilespmem:s22+$0x8C70]  }
0xdc: {  	v4 =	vld [tilespmem:s22+$0xC70];
	[tilespmem:s30], [sflag:$0x1] =	stream.linear.gather [hbm4b:s7+s30], $0x4000, $0x38;
	v1 =	vadd.f32 v56, v1;
	v2 =	vadd.f32 v3, v2;
	v3 =	vcvt.s32.f32 v57  }
0xdd: {  	_ = 	snop  }
0xde: {  	[tilespmem:s13], [sflag:$0x1] =	stream.linear.gather [hbm4b:s8+s30], $0x4000, $0x38;
	v1 =	vadd.f32 v58, v1;
	v2 =	vadd.f32 v3, v2;
	v3 =	vcvt.s32.f32 v59;
	[tilespmem:$0x10080] =	vst v63  }
0xdf: {  	_ =	swait.ge [sflag:s17], $0x4000  }
0xe0: {  	[sflag:s17] =	ssyncset.done $0x0;
	v1 =	vadd.f32 v60, v1;
	v2 =	vadd.f32 v3, v2;
	v3 =	vcvt.s32.f32 v61  }
0xe1: {  	[sflag:s17] =	ssyncadd.s32 $0xFFFFC000  }
0xe2: {  	_ =	swait.ge [sflag:s17], $0x4000;
	v1 =	vadd.f32 v62, v1;
	v2 =	vadd.f32 v3, v2;
	v3 =	vcvt.s32.f32 v63  }
0xe3: {  	s31 =	sand.u32 $0x3000, s30;
	s21 =	sand.u32 $0x380, s30;
	[sflag:s17] =	ssyncset.done $0x0  }
0xe4: {  	s21 =	sor.u32 s21, s31;
	[sflag:s17] =	ssyncadd.s32 $0xFFFFC000;
	v1 =	vadd.f32 v9, v1;
	v2 =	vadd.f32 v3, v2;
	v3 =	vcvt.s32.f32 v11  }
0xe5: {  	v9 =	vld [tilespmem:s21+$0xC000]  }
0xe6: {  	v10 =	vld [tilespmem:s21+$0x4000];
	v1 =	vadd.f32 v7, v1;
	v2 =	vadd.f32 v3, v2;
	v3 =	vcvt.s32.f32 v8  }
0xe7: {  	v7 =	vld [tilespmem:s21+$0xC010]  }
0xe8: {  	v8 =	vld [tilespmem:s21+$0x4010];
	v1 =	vadd.f32 v5, v1;
	v2 =	vadd.f32 v3, v2;
	v3 =	vcvt.s32.f32 v6  }
0xe9: {  	v5 =	vld [tilespmem:s21+$0xC020]  }
0xea: {  	v6 =	vld [tilespmem:s21+$0x4020];
	v1 =	vadd.f32 v4, v1;
	v2 =	vadd.f32 v3, v2;
	v3 =	vcvt.s32.f32 v9  }
0xeb: {  	v4 =	vld [tilespmem:s21+$0xC030]  }
0xec: {  	v9 =	vld [tilespmem:s21+$0x4030];
	v1 =	vadd.f32 v10, v1;
	v2 =	vadd.f32 v3, v2;
	v3 =	vcvt.s32.f32 v7  }
0xed: {  	v7 =	vld [tilespmem:s21+$0xC040]  }
0xee: {  	v10 =	vld [tilespmem:s21+$0x4040];
	v1 =	vadd.f32 v8, v1;
	v2 =	vadd.f32 v3, v2;
	v3 =	vcvt.s32.f32 v5  }
0xef: {  	v5 =	vld [tilespmem:s21+$0xC050]  }
0xf0: {  	v8 =	vld [tilespmem:s21+$0x4050];
	v1 =	vadd.f32 v6, v1;
	v2 =	vadd.f32 v3, v2;
	v3 =	vcvt.s32.f32 v4  }
0xf1: {  	v4 =	vld [tilespmem:s21+$0xC060]  }
0xf2: {  	v6 =	vld [tilespmem:s21+$0x4060];
	v1 =	vadd.f32 v9, v1;
	v2 =	vadd.f32 v3, v2;
	v3 =	vcvt.s32.f32 v7  }
0xf3: {  	v7 =	vld [tilespmem:s21+$0xC070]  }
0xf4: {  	v9 =	vld [tilespmem:s21+$0x4070];
	v1 =	vadd.f32 v10, v1;
	v2 =	vadd.f32 v3, v2;
	v3 =	vcvt.s32.f32 v5  }
0xf5: {  	v5 =	vld [tilespmem:s21+$0xC400]  }
0xf6: {  	v10 =	vld [tilespmem:s21+$0x4400];
	v1 =	vadd.f32 v8, v1;
	v2 =	vadd.f32 v3, v2;
	v3 =	vcvt.s32.f32 v4  }
0xf7: {  	v4 =	vld [tilespmem:s21+$0xC410]  }
0xf8: {  	v8 =	vld [tilespmem:s21+$0x4410];
	v1 =	vadd.f32 v6, v1;
	v2 =	vadd.f32 v3, v2;
	v3 =	vcvt.s32.f32 v7  }
0xf9: {  	v6 =	vld [tilespmem:s21+$0xC420]  }
0xfa: {  	v7 =	vld [tilespmem:s21+$0x4420];
	v1 =	vadd.f32 v9, v1;
	v2 =	vadd.f32 v3, v2;
	v3 =	vcvt.s32.f32 v5  }
0xfb: {  	v5 =	vld [tilespmem:s21+$0xC430]  }
0xfc: {  	v9 =	vld [tilespmem:s21+$0x4430];
	v1 =	vadd.f32 v10, v1;
	v2 =	vadd.f32 v3, v2;
	v3 =	vcvt.s32.f32 v4  }
0xfd: {  	v4 =	vld [tilespmem:s21+$0xC440]  }
0xfe: {  	v10 =	vld [tilespmem:s21+$0x4440];
	v1 =	vadd.f32 v8, v1;
	v2 =	vadd.f32 v3, v2;
	v3 =	vcvt.s32.f32 v6  }
0xff: {  	v6 =	vld [tilespmem:s21+$0xC450]  }
0x100: {  	v8 =	vld [tilespmem:s21+$0x4450];
	v1 =	vadd.f32 v7, v1;
	v2 =	vadd.f32 v3, v2;
	v3 =	vcvt.s32.f32 v5  }
0x101: {  	v5 =	vld [tilespmem:s21+$0xC460]  }
0x102: {  	v7 =	vld [tilespmem:s21+$0x4460];
	v1 =	vadd.f32 v9, v1;
	v2 =	vadd.f32 v3, v2;
	v3 =	vcvt.s32.f32 v4  }
0x103: {  	v4 =	vld [tilespmem:s21+$0xC470]  }
0x104: {  	v9 =	vld [tilespmem:s21+$0x4470];
	v1 =	vadd.f32 v10, v1;
	v2 =	vadd.f32 v3, v2;
	v3 =	vcvt.s32.f32 v6  }
0x105: {  	v6 =	vld [tilespmem:s21+$0xC800]  }
0x106: {  	v10 =	vld [tilespmem:s21+$0x4800];
	v1 =	vadd.f32 v8, v1;
	v2 =	vadd.f32 v3, v2;
	v3 =	vcvt.s32.f32 v5  }
0x107: {  	v5 =	vld [tilespmem:s21+$0xC810]  }
0x108: {  	v8 =	vld [tilespmem:s21+$0x4810];
	v1 =	vadd.f32 v7, v1;
	v2 =	vadd.f32 v3, v2;
	v3 =	vcvt.s32.f32 v4  }
0x109: {  	v4 =	vld [tilespmem:s21+$0xC820]  }
0x10a: {  	v7 =	vld [tilespmem:s21+$0x4820];
	v1 =	vadd.f32 v9, v1;
	v2 =	vadd.f32 v3, v2;
	v3 =	vcvt.s32.f32 v6  }
0x10b: {  	v6 =	vld [tilespmem:s21+$0xC830]  }
0x10c: {  	v9 =	vld [tilespmem:s21+$0x4830];
	v1 =	vadd.f32 v10, v1;
	v2 =	vadd.f32 v3, v2;
	v3 =	vcvt.s32.f32 v5  }
0x10d: {  	v5 =	vld [tilespmem:s21+$0xC840]  }
0x10e: {  	v10 =	vld [tilespmem:s21+$0x4840];
	v1 =	vadd.f32 v8, v1;
	v2 =	vadd.f32 v3, v2;
	v3 =	vcvt.s32.f32 v4  }
0x10f: {  	v4 =	vld [tilespmem:s21+$0xC850]  }
0x110: {  	v8 =	vld [tilespmem:s21+$0x4850];
	v1 =	vadd.f32 v7, v1;
	v2 =	vadd.f32 v3, v2;
	v3 =	vcvt.s32.f32 v6  }
0x111: {  	v6 =	vld [tilespmem:s21+$0xC860]  }
0x112: {  	v7 =	vld [tilespmem:s21+$0x4860];
	v1 =	vadd.f32 v9, v1;
	v2 =	vadd.f32 v3, v2;
	v3 =	vcvt.s32.f32 v5  }
0x113: {  	v5 =	vld [tilespmem:s21+$0xC870]  }
0x114: {  	v9 =	vld [tilespmem:s21+$0x4870];
	v1 =	vadd.f32 v10, v1;
	v2 =	vadd.f32 v3, v2;
	v3 =	vcvt.s32.f32 v4  }
0x115: {  	v4 =	vld [tilespmem:s21+$0xCC00]  }
0x116: {  	v10 =	vld [tilespmem:s21+$0x4C00];
	v1 =	vadd.f32 v8, v1;
	v2 =	vadd.f32 v3, v2;
	v3 =	vcvt.s32.f32 v6  }
0x117: {  	v6 =	vld [tilespmem:s21+$0xCC10]  }
0x118: {  	v8 =	vld [tilespmem:s21+$0x4C10];
	v1 =	vadd.f32 v7, v1;
	v2 =	vadd.f32 v3, v2;
	v3 =	vcvt.s32.f32 v5  }
0x119: {  	v5 =	vld [tilespmem:s21+$0xCC20]  }
0x11a: {  	v7 =	vld [tilespmem:s21+$0x4C20];
	v1 =	vadd.f32 v9, v1;
	v2 =	vadd.f32 v3, v2;
	v3 =	vcvt.s32.f32 v4  }
0x11b: {  	v4 =	vld [tilespmem:s21+$0xCC30]  }
0x11c: {  	v9 =	vld [tilespmem:s21+$0x4C30];
	v6 =	vcvt.s32.f32 v6;
	v1 =	vadd.f32 v10, v1;
	v2 =	vadd.f32 v3, v2  }
0x11d: {  	v10 =	vld [tilespmem:s21+$0xCC40]  }
0x11e: {  	v3 =	vld [tilespmem:s21+$0x4C40];
	v8 =	vadd.f32 v8, v1;
	v2 =	vadd.f32 v6, v2;
	v6 =	vcvt.s32.f32 v5  }
0x11f: {  	v5 =	vld [tilespmem:s21+$0xCC50]  }
0x120: {  	v1 =	vld [tilespmem:s21+$0x4C50];
	v7 =	vadd.f32 v7, v8;
	v6 =	vadd.f32 v6, v2;
	v8 =	vcvt.s32.f32 v4  }
0x121: {  	v4 =	vld [tilespmem:s21+$0xCC60]  }
0x122: {  	s23 =	simm.s32 $0x200;
	s22 =	simm.s32 $0x80;
	v2 =	vld [tilespmem:s21+$0x4C60];
	v7 =	vadd.f32 v9, v7;
	v8 =	vadd.f32 v8, v6;
	v9 =	vcvt.s32.f32 v10  }
0x123: {  	s24 =	sand.u32 $0x3000, s23;
	s23 =	simm.s32 $0x400;
	s25 =	sand.u32 $0x380, s22;
	v6 =	vld [tilespmem:s21+$0xCC70]  }
.LBB2_4:
0x124: {  	p0 =	sne.s32 s23, $0x3E00;
	v3 =	vadd.f32 v3, v7;
	v7 =	vadd.f32 v9, v8;
	v5 =	vcvt.s32.f32 v5;
	v8 =	vld [tilespmem:s21+$0x4C70];
	s21 =	sor.u32 s25, s24  }
0x125: {  	v9 =	vld [tilespmem:s21+$0xC000]  }
0x126: {  	v10 =	vld [tilespmem:s21+$0x4000];
	v1 =	vadd.f32 v1, v3;
	v3 =	vadd.f32 v5, v7;
	v4 =	vcvt.s32.f32 v4  }
0x127: {  	v5 =	vld [tilespmem:s21+$0xC010]  }
0x128: {  	v7 =	vld [tilespmem:s21+$0x4010];
	v1 =	vadd.f32 v2, v1;
	v2 =	vadd.f32 v4, v3;
	v3 =	vcvt.s32.f32 v6  }
0x129: {  	v4 =	vld [tilespmem:s21+$0xC020]  }
0x12a: {  	v6 =	vcvt.s32.f32 v9;
	v9 =	vld [tilespmem:s21+$0x4020];
	v1 =	vadd.f32 v8, v1;
	v2 =	vadd.f32 v3, v2  }
0x12b: {  	v3 =	vld [tilespmem:s21+$0xC030]  }
0x12c: {  	v1 =	vadd.f32 v10, v1;
	v2 =	vadd.f32 v6, v2;
	v5 =	vcvt.s32.f32 v5;
	v6 =	vld [tilespmem:s21+$0x4030]  }
0x12d: {  	v8 =	vld [tilespmem:s21+$0xC040]  }
0x12e: {  	v1 =	vadd.f32 v7, v1;
	v2 =	vadd.f32 v5, v2;
	v4 =	vcvt.s32.f32 v4;
	v5 =	vld [tilespmem:s21+$0x4040]  }
0x12f: {  	v7 =	vld [tilespmem:s21+$0xC050]  }
0x130: {  	v1 =	vadd.f32 v9, v1;
	v2 =	vadd.f32 v4, v2;
	v3 =	vcvt.s32.f32 v3;
	v4 =	vld [tilespmem:s21+$0x4050]  }
0x131: {  	v9 =	vld [tilespmem:s21+$0xC060]  }
0x132: {  	v1 =	vadd.f32 v6, v1;
	v2 =	vadd.f32 v3, v2;
	v3 =	vcvt.s32.f32 v8;
	v6 =	vld [tilespmem:s21+$0x4060]  }
0x133: {  	v8 =	vld [tilespmem:s21+$0xC070]  }
0x134: {  	v1 =	vadd.f32 v5, v1;
	v2 =	vadd.f32 v3, v2;
	v3 =	vcvt.s32.f32 v7;
	v5 =	vld [tilespmem:s21+$0x4070]  }
0x135: {  	v7 =	vld [tilespmem:s21+$0xC400]  }
0x136: {  	v1 =	vadd.f32 v4, v1;
	v2 =	vadd.f32 v3, v2;
	v3 =	vcvt.s32.f32 v9;
	v4 =	vld [tilespmem:s21+$0x4400]  }
0x137: {  	v9 =	vld [tilespmem:s21+$0xC410]  }
0x138: {  	v1 =	vadd.f32 v6, v1;
	v2 =	vadd.f32 v3, v2;
	v3 =	vcvt.s32.f32 v8;
	v6 =	vld [tilespmem:s21+$0x4410]  }
0x139: {  	v8 =	vld [tilespmem:s21+$0xC420]  }
0x13a: {  	v1 =	vadd.f32 v5, v1;
	v2 =	vadd.f32 v3, v2;
	v3 =	vcvt.s32.f32 v7;
	v5 =	vld [tilespmem:s21+$0x4420]  }
0x13b: {  	v7 =	vld [tilespmem:s21+$0xC430]  }
0x13c: {  	v1 =	vadd.f32 v4, v1;
	v2 =	vadd.f32 v3, v2;
	v3 =	vcvt.s32.f32 v9;
	v4 =	vld [tilespmem:s21+$0x4430]  }
0x13d: {  	v9 =	vld [tilespmem:s21+$0xC440]  }
0x13e: {  	v1 =	vadd.f32 v6, v1;
	v2 =	vadd.f32 v3, v2;
	v3 =	vcvt.s32.f32 v8;
	v6 =	vld [tilespmem:s21+$0x4440]  }
0x13f: {  	v8 =	vld [tilespmem:s21+$0xC450]  }
0x140: {  	v1 =	vadd.f32 v5, v1;
	v2 =	vadd.f32 v3, v2;
	v3 =	vcvt.s32.f32 v7;
	v5 =	vld [tilespmem:s21+$0x4450]  }
0x141: {  	v7 =	vld [tilespmem:s21+$0xC460]  }
0x142: {  	v1 =	vadd.f32 v4, v1;
	v2 =	vadd.f32 v3, v2;
	v3 =	vcvt.s32.f32 v9;
	v4 =	vld [tilespmem:s21+$0x4460]  }
0x143: {  	v9 =	vld [tilespmem:s21+$0xC470]  }
0x144: {  	v1 =	vadd.f32 v6, v1;
	v2 =	vadd.f32 v3, v2;
	v3 =	vcvt.s32.f32 v8;
	v6 =	vld [tilespmem:s21+$0x4470]  }
0x145: {  	v8 =	vld [tilespmem:s21+$0xC800]  }
0x146: {  	v1 =	vadd.f32 v5, v1;
	v2 =	vadd.f32 v3, v2;
	v3 =	vcvt.s32.f32 v7;
	v5 =	vld [tilespmem:s21+$0x4800]  }
0x147: {  	v7 =	vld [tilespmem:s21+$0xC810]  }
0x148: {  	v1 =	vadd.f32 v4, v1;
	v2 =	vadd.f32 v3, v2;
	v3 =	vcvt.s32.f32 v9;
	v4 =	vld [tilespmem:s21+$0x4810]  }
0x149: {  	v9 =	vld [tilespmem:s21+$0xC820]  }
0x14a: {  	v1 =	vadd.f32 v6, v1;
	v2 =	vadd.f32 v3, v2;
	v3 =	vcvt.s32.f32 v8;
	v6 =	vld [tilespmem:s21+$0x4820]  }
0x14b: {  	v8 =	vld [tilespmem:s21+$0xC830]  }
0x14c: {  	v1 =	vadd.f32 v5, v1;
	v2 =	vadd.f32 v3, v2;
	v3 =	vcvt.s32.f32 v7;
	v5 =	vld [tilespmem:s21+$0x4830]  }
0x14d: {  	v7 =	vld [tilespmem:s21+$0xC840]  }
0x14e: {  	v1 =	vadd.f32 v4, v1;
	v2 =	vadd.f32 v3, v2;
	v3 =	vcvt.s32.f32 v9;
	v4 =	vld [tilespmem:s21+$0x4840]  }
0x14f: {  	v9 =	vld [tilespmem:s21+$0xC850]  }
0x150: {  	v1 =	vadd.f32 v6, v1;
	v2 =	vadd.f32 v3, v2;
	v3 =	vcvt.s32.f32 v8;
	v6 =	vld [tilespmem:s21+$0x4850]  }
0x151: {  	v8 =	vld [tilespmem:s21+$0xC860]  }
0x152: {  	v1 =	vadd.f32 v5, v1;
	v2 =	vadd.f32 v3, v2;
	v3 =	vcvt.s32.f32 v7;
	v5 =	vld [tilespmem:s21+$0x4860]  }
0x153: {  	v7 =	vld [tilespmem:s21+$0xC870]  }
0x154: {  	v1 =	vadd.f32 v4, v1;
	v2 =	vadd.f32 v3, v2;
	v3 =	vcvt.s32.f32 v9;
	v4 =	vld [tilespmem:s21+$0x4870]  }
0x155: {  	v9 =	vld [tilespmem:s21+$0xCC00]  }
0x156: {  	v1 =	vadd.f32 v6, v1;
	v2 =	vadd.f32 v3, v2;
	v3 =	vcvt.s32.f32 v8;
	v6 =	vld [tilespmem:s21+$0x4C00]  }
0x157: {  	v8 =	vld [tilespmem:s21+$0xCC10]  }
0x158: {  	v1 =	vadd.f32 v5, v1;
	v2 =	vadd.f32 v3, v2;
	v3 =	vcvt.s32.f32 v7;
	v5 =	vld [tilespmem:s21+$0x4C10]  }
0x159: {  	v7 =	vld [tilespmem:s21+$0xCC20]  }
0x15a: {  	v1 =	vadd.f32 v4, v1;
	v2 =	vadd.f32 v3, v2;
	v3 =	vcvt.s32.f32 v9;
	v4 =	vld [tilespmem:s21+$0x4C20]  }
0x15b: {  	v9 =	vld [tilespmem:s21+$0xCC30]  }
0x15c: {  	v1 =	vadd.f32 v6, v1;
	v2 =	vadd.f32 v3, v2;
	v3 =	vcvt.s32.f32 v8;
	v6 =	vld [tilespmem:s21+$0x4C30]  }
0x15d: {  	v10 =	vld [tilespmem:s21+$0xCC40]  }
0x15e: {  	v1 =	vadd.f32 v5, v1;
	v2 =	vadd.f32 v3, v2;
	v7 =	vcvt.s32.f32 v7;
	v3 =	vld [tilespmem:s21+$0x4C40]  }
.Ltmp1:
0x15f: {  	v5 =	vld [tilespmem:s21+$0xCC50];
	(pc) =	sbr.rel @p0 .LBB2_4-.Ltmp1, $4  }
0x160: {  	v8 =	vadd.f32 v4, v1;
	v2 =	vadd.f32 v7, v2;
	v9 =	vcvt.s32.f32 v9;
	v1 =	vld [tilespmem:s21+$0x4C50]  }
0x161: {  	v4 =	vld [tilespmem:s21+$0xCC60]  }
0x162: {  	s22 =	sadd.s32 $0x80, s22;
	v7 =	vadd.f32 v6, v8;
	v8 =	vadd.f32 v9, v2;
	v9 =	vcvt.s32.f32 v10;
	v2 =	vld [tilespmem:s21+$0x4C60]  }
0x163: {  	s24 =	sand.u32 $0x3000, s23;
	s23 =	sadd.s32 $0x200, s23;
	s25 =	sand.u32 $0x380, s22;
	v6 =	vld [tilespmem:s21+$0xCC70]  }
0x164: {  	s22 =	sor.u32 s25, s24;
	v10 =	vld [tilespmem:s21+$0x4C70]  }
0x165: {  	v11 =	vld [tilespmem:s22+$0xC000]  }
0x166: {  	v12 =	vld [tilespmem:s22+$0x4000]  }
0x167: {  	v13 =	vld [tilespmem:s22+$0xC010]  }
0x168: {  	v14 =	vld [tilespmem:s22+$0x4010]  }
0x169: {  	v15 =	vld [tilespmem:s22+$0xC020]  }
0x16a: {  	v16 =	vld [tilespmem:s22+$0x4020]  }
0x16b: {  	v17 =	vld [tilespmem:s22+$0xC030]  }
0x16c: {  	v3 =	vadd.f32 v3, v7;
	v7 =	vadd.f32 v9, v8;
	v5 =	vcvt.s32.f32 v5;
	v18 =	vld [tilespmem:s22+$0x4030]  }
0x16d: {  	v19 =	vld [tilespmem:s22+$0xC040]  }
0x16e: {  	v8 =	vld [tilespmem:s22+$0x4040];
	v1 =	vadd.f32 v1, v3;
	v3 =	vadd.f32 v5, v7;
	v4 =	vcvt.s32.f32 v4  }
0x16f: {  	v9 =	vld [tilespmem:s22+$0xC050]  }
0x170: {  	v40 =	vld [tilespmem:s22+$0x4400];
	v1 =	vadd.f32 v2, v1;
	v2 =	vadd.f32 v4, v3;
	v3 =	vcvt.s32.f32 v6  }
0x171: {  	v41 =	vld [tilespmem:s22+$0xC410]  }
0x172: {  	v42 =	vld [tilespmem:s22+$0x4410];
	v11 =	vcvt.s32.f32 v11;
	v1 =	vadd.f32 v10, v1;
	v2 =	vadd.f32 v3, v2  }
0x173: {  	v43 =	vld [tilespmem:s22+$0xC420]  }
0x174: {  	v44 =	vld [tilespmem:s22+$0x4420];
	v1 =	vadd.f32 v12, v1;
	v2 =	vadd.f32 v11, v2;
	v11 =	vcvt.s32.f32 v13  }
0x175: {  	v45 =	vld [tilespmem:s22+$0xC430]  }
0x176: {  	v46 =	vld [tilespmem:s22+$0x4430];
	v1 =	vadd.f32 v14, v1;
	v2 =	vadd.f32 v11, v2;
	v11 =	vcvt.s32.f32 v15  }
0x177: {  	v47 =	vld [tilespmem:s22+$0xC440]  }
0x178: {  	v5 =	vld [tilespmem:s22+$0x4050];
	v1 =	vadd.f32 v16, v1;
	v2 =	vadd.f32 v11, v2;
	v11 =	vcvt.s32.f32 v17  }
0x179: {  	v7 =	vld [tilespmem:s22+$0xC060]  }
0x17a: {  	v4 =	vld [tilespmem:s22+$0x4060];
	v1 =	vadd.f32 v18, v1;
	v2 =	vadd.f32 v11, v2;
	v11 =	vcvt.s32.f32 v19  }
0x17b: {  	v6 =	vld [tilespmem:s22+$0xC070]  }
0x17c: {  	v3 =	vld [tilespmem:s22+$0x4070];
	v1 =	vadd.f32 v8, v1;
	v2 =	vadd.f32 v11, v2;
	v8 =	vcvt.s32.f32 v9  }
0x17d: {  	v10 =	vld [tilespmem:s22+$0xC400]  }
0x17e: {  	v48 =	vld [tilespmem:s22+$0x4800];
	v1 =	vadd.f32 v5, v1;
	v2 =	vadd.f32 v8, v2;
	v5 =	vcvt.s32.f32 v7  }
0x17f: {  	v49 =	vld [tilespmem:s22+$0xC810]  }
0x180: {  	v50 =	vld [tilespmem:s22+$0x4810];
	v1 =	vadd.f32 v4, v1;
	v2 =	vadd.f32 v5, v2;
	v4 =	vcvt.s32.f32 v6  }
0x181: {  	v51 =	vld [tilespmem:s22+$0xC820]  }
0x182: {  	v52 =	vld [tilespmem:s22+$0x4820];
	v1 =	vadd.f32 v3, v1;
	v2 =	vadd.f32 v4, v2;
	v3 =	vcvt.s32.f32 v10  }
0x183: {  	v53 =	vld [tilespmem:s22+$0xC830]  }
0x184: {  	v54 =	vld [tilespmem:s22+$0x4830];
	v1 =	vadd.f32 v40, v1;
	v2 =	vadd.f32 v3, v2;
	v3 =	vcvt.s32.f32 v41  }
0x185: {  	v55 =	vld [tilespmem:s22+$0xC840]  }
0x186: {  	v9 =	vld [tilespmem:s22+$0x4440];
	v1 =	vadd.f32 v42, v1;
	v2 =	vadd.f32 v3, v2;
	v3 =	vcvt.s32.f32 v43  }
0x187: {  	v11 =	vld [tilespmem:s22+$0xC450]  }
0x188: {  	v7 =	vld [tilespmem:s22+$0x4450];
	v1 =	vadd.f32 v44, v1;
	v2 =	vadd.f32 v3, v2;
	v3 =	vcvt.s32.f32 v45  }
0x189: {  	v8 =	vld [tilespmem:s22+$0xC460]  }
0x18a: {  	v5 =	vld [tilespmem:s22+$0x4460];
	v1 =	vadd.f32 v46, v1;
	v2 =	vadd.f32 v3, v2;
	v3 =	vcvt.s32.f32 v47  }
0x18b: {  	v6 =	vld [tilespmem:s22+$0xC470]  }
0x18c: {  	v4 =	vld [tilespmem:s22+$0x4470];
	v1 =	vadd.f32 v9, v1;
	v2 =	vadd.f32 v3, v2;
	v3 =	vcvt.s32.f32 v11  }
0x18d: {  	v10 =	vld [tilespmem:s22+$0xC800]  }
0x18e: {  	v56 =	vld [tilespmem:s22+$0x4C00];
	v1 =	vadd.f32 v7, v1;
	v2 =	vadd.f32 v3, v2;
	v3 =	vcvt.s32.f32 v8  }
0x18f: {  	v57 =	vld [tilespmem:s22+$0xCC10]  }
0x190: {  	v58 =	vld [tilespmem:s22+$0x4C10];
	v1 =	vadd.f32 v5, v1;
	v2 =	vadd.f32 v3, v2;
	v3 =	vcvt.s32.f32 v6  }
0x191: {  	v59 =	vld [tilespmem:s22+$0xCC20]  }
0x192: {  	v60 =	vld [tilespmem:s22+$0x4C20];
	v1 =	vadd.f32 v4, v1;
	v2 =	vadd.f32 v3, v2;
	v3 =	vcvt.s32.f32 v10  }
0x193: {  	v61 =	vld [tilespmem:s22+$0xCC30]  }
0x194: {  	v62 =	vld [tilespmem:s22+$0x4C30];
	v1 =	vadd.f32 v48, v1;
	v2 =	vadd.f32 v3, v2;
	v3 =	vcvt.s32.f32 v49  }
0x195: {  	v63 =	vld [tilespmem:s22+$0xCC40]  }
0x196: {  	v9 =	vld [tilespmem:s22+$0x4840];
	v1 =	vadd.f32 v50, v1;
	v2 =	vadd.f32 v3, v2;
	v3 =	vcvt.s32.f32 v51  }
0x197: {  	v11 =	vld [tilespmem:s22+$0xC850]  }
0x198: {  	v7 =	vld [tilespmem:s22+$0x4850];
	v1 =	vadd.f32 v52, v1;
	v2 =	vadd.f32 v3, v2;
	v3 =	vcvt.s32.f32 v53  }
0x199: {  	v8 =	vld [tilespmem:s22+$0xC860]  }
0x19a: {  	v5 =	vld [tilespmem:s22+$0x4860];
	v1 =	vadd.f32 v54, v1;
	v2 =	vadd.f32 v3, v2;
	v3 =	vcvt.s32.f32 v55  }
0x19b: {  	v6 =	vld [tilespmem:s22+$0xC870]  }
0x19c: {  	v4 =	vld [tilespmem:s22+$0x4870];
	v1 =	vadd.f32 v9, v1;
	v2 =	vadd.f32 v3, v2;
	v3 =	vcvt.s32.f32 v11  }
0x19d: {  	v10 =	vld [tilespmem:s22+$0xCC00]  }
0x19e: {  	v9 =	vld [tilespmem:s22+$0x4C40];
	v1 =	vadd.f32 v7, v1;
	v2 =	vadd.f32 v3, v2;
	v3 =	vcvt.s32.f32 v8  }
0x19f: {  	v11 =	vld [tilespmem:s22+$0xCC50]  }
0x1a0: {  	v7 =	vld [tilespmem:s22+$0x4C50];
	v1 =	vadd.f32 v5, v1;
	v2 =	vadd.f32 v3, v2;
	v3 =	vcvt.s32.f32 v6  }
0x1a1: {  	v8 =	vld [tilespmem:s22+$0xCC60]  }
0x1a2: {  	v5 =	vld [tilespmem:s22+$0x4C60];
	v1 =	vadd.f32 v4, v1;
	v2 =	vadd.f32 v3, v2;
	v3 =	vcvt.s32.f32 v10  }
0x1a3: {  	s30 =	simm.s32 $0x0;
	v6 =	vld [tilespmem:s22+$0xCC70]  }
0x1a4: {  	v4 =	vld [tilespmem:s22+$0x4C70];
	[tilespmem:s14], [sflag:$0x2] =	stream.linear.gather [hbm4b:s9+s30], $0x4000, $0x38;
	v1 =	vadd.f32 v56, v1;
	v2 =	vadd.f32 v3, v2;
	v3 =	vcvt.s32.f32 v57  }
0x1a5: {  	_ = 	snop  }
0x1a6: {  	[tilespmem:s15], [sflag:$0x2] =	stream.linear.gather [hbm4b:s10+s30], $0x4000, $0x38;
	v1 =	vadd.f32 v58, v1;
	v2 =	vadd.f32 v3, v2;
	v3 =	vcvt.s32.f32 v59;
	[tilespmem:$0x10080] =	vst v63  }
0x1a7: {  	_ =	swait.ge [sflag:s16], $0x4000  }
0x1a8: {  	[sflag:s16] =	ssyncset.done $0x0;
	v1 =	vadd.f32 v60, v1;
	v2 =	vadd.f32 v3, v2;
	v3 =	vcvt.s32.f32 v61  }
0x1a9: {  	[sflag:s16] =	ssyncadd.s32 $0xFFFFC000  }
0x1aa: {  	_ =	swait.ge [sflag:s16], $0x4000;
	v1 =	vadd.f32 v62, v1;
	v2 =	vadd.f32 v3, v2;
	v3 =	vcvt.s32.f32 v63  }
0x1ab: {  	s31 =	sand.u32 $0x3000, s30;
	s21 =	sand.u32 $0x380, s30;
	[sflag:s16] =	ssyncset.done $0x0  }
0x1ac: {  	s21 =	sor.u32 s21, s31;
	[sflag:s16] =	ssyncadd.s32 $0xFFFFC000;
	v1 =	vadd.f32 v9, v1;
	v2 =	vadd.f32 v3, v2;
	v3 =	vcvt.s32.f32 v11  }
0x1ad: {  	v9 =	vld [tilespmem:s21+$0x8000]  }
0x1ae: {  	v10 =	vld [tilespmem:s21+$0x0];
	v1 =	vadd.f32 v7, v1;
	v2 =	vadd.f32 v3, v2;
	v3 =	vcvt.s32.f32 v8  }
0x1af: {  	v7 =	vld [tilespmem:s21+$0x8010]  }
0x1b0: {  	v8 =	vld [tilespmem:s21+$0x10];
	v1 =	vadd.f32 v5, v1;
	v2 =	vadd.f32 v3, v2;
	v3 =	vcvt.s32.f32 v6  }
0x1b1: {  	v5 =	vld [tilespmem:s21+$0x8020]  }
0x1b2: {  	v6 =	vld [tilespmem:s21+$0x20];
	v1 =	vadd.f32 v4, v1;
	v2 =	vadd.f32 v3, v2;
	v3 =	vcvt.s32.f32 v9  }
0x1b3: {  	v4 =	vld [tilespmem:s21+$0x8030]  }
0x1b4: {  	v9 =	vld [tilespmem:s21+$0x30];
	v1 =	vadd.f32 v10, v1;
	v2 =	vadd.f32 v3, v2;
	v3 =	vcvt.s32.f32 v7  }
0x1b5: {  	v7 =	vld [tilespmem:s21+$0x8040]  }
0x1b6: {  	v10 =	vld [tilespmem:s21+$0x40];
	v1 =	vadd.f32 v8, v1;
	v2 =	vadd.f32 v3, v2;
	v3 =	vcvt.s32.f32 v5  }
0x1b7: {  	v5 =	vld [tilespmem:s21+$0x8050]  }
0x1b8: {  	v8 =	vld [tilespmem:s21+$0x50];
	v1 =	vadd.f32 v6, v1;
	v2 =	vadd.f32 v3, v2;
	v3 =	vcvt.s32.f32 v4  }
0x1b9: {  	v4 =	vld [tilespmem:s21+$0x8060]  }
0x1ba: {  	v6 =	vld [tilespmem:s21+$0x60];
	v1 =	vadd.f32 v9, v1;
	v2 =	vadd.f32 v3, v2;
	v3 =	vcvt.s32.f32 v7  }
0x1bb: {  	v7 =	vld [tilespmem:s21+$0x8070]  }
0x1bc: {  	v9 =	vld [tilespmem:s21+$0x70];
	v1 =	vadd.f32 v10, v1;
	v2 =	vadd.f32 v3, v2;
	v3 =	vcvt.s32.f32 v5  }
0x1bd: {  	v5 =	vld [tilespmem:s21+$0x8400]  }
0x1be: {  	v10 =	vld [tilespmem:s21+$0x400];
	v1 =	vadd.f32 v8, v1;
	v2 =	vadd.f32 v3, v2;
	v3 =	vcvt.s32.f32 v4  }
0x1bf: {  	v4 =	vld [tilespmem:s21+$0x8410]  }
0x1c0: {  	v8 =	vld [tilespmem:s21+$0x410];
	v1 =	vadd.f32 v6, v1;
	v2 =	vadd.f32 v3, v2;
	v3 =	vcvt.s32.f32 v7  }
0x1c1: {  	v6 =	vld [tilespmem:s21+$0x8420]  }
0x1c2: {  	v7 =	vld [tilespmem:s21+$0x420];
	v1 =	vadd.f32 v9, v1;
	v2 =	vadd.f32 v3, v2;
	v3 =	vcvt.s32.f32 v5  }
0x1c3: {  	v5 =	vld [tilespmem:s21+$0x8430]  }
0x1c4: {  	v9 =	vld [tilespmem:s21+$0x430];
	v1 =	vadd.f32 v10, v1;
	v2 =	vadd.f32 v3, v2;
	v3 =	vcvt.s32.f32 v4  }
0x1c5: {  	v4 =	vld [tilespmem:s21+$0x8440]  }
0x1c6: {  	v10 =	vld [tilespmem:s21+$0x440];
	v1 =	vadd.f32 v8, v1;
	v2 =	vadd.f32 v3, v2;
	v3 =	vcvt.s32.f32 v6  }
0x1c7: {  	v6 =	vld [tilespmem:s21+$0x8450]  }
0x1c8: {  	v8 =	vld [tilespmem:s21+$0x450];
	v1 =	vadd.f32 v7, v1;
	v2 =	vadd.f32 v3, v2;
	v3 =	vcvt.s32.f32 v5  }
0x1c9: {  	v5 =	vld [tilespmem:s21+$0x8460]  }
0x1ca: {  	v7 =	vld [tilespmem:s21+$0x460];
	v1 =	vadd.f32 v9, v1;
	v2 =	vadd.f32 v3, v2;
	v3 =	vcvt.s32.f32 v4  }
0x1cb: {  	v4 =	vld [tilespmem:s21+$0x8470]  }
0x1cc: {  	v9 =	vld [tilespmem:s21+$0x470];
	v1 =	vadd.f32 v10, v1;
	v2 =	vadd.f32 v3, v2;
	v3 =	vcvt.s32.f32 v6  }
0x1cd: {  	v6 =	vld [tilespmem:s21+$0x8800]  }
0x1ce: {  	v10 =	vld [tilespmem:s21+$0x800];
	v1 =	vadd.f32 v8, v1;
	v2 =	vadd.f32 v3, v2;
	v3 =	vcvt.s32.f32 v5  }
0x1cf: {  	v5 =	vld [tilespmem:s21+$0x8810]  }
0x1d0: {  	v8 =	vld [tilespmem:s21+$0x810];
	v1 =	vadd.f32 v7, v1;
	v2 =	vadd.f32 v3, v2;
	v3 =	vcvt.s32.f32 v4  }
0x1d1: {  	v4 =	vld [tilespmem:s21+$0x8820]  }
0x1d2: {  	v7 =	vld [tilespmem:s21+$0x820];
	v1 =	vadd.f32 v9, v1;
	v2 =	vadd.f32 v3, v2;
	v3 =	vcvt.s32.f32 v6  }
0x1d3: {  	v6 =	vld [tilespmem:s21+$0x8830]  }
0x1d4: {  	v9 =	vld [tilespmem:s21+$0x830];
	v1 =	vadd.f32 v10, v1;
	v2 =	vadd.f32 v3, v2;
	v3 =	vcvt.s32.f32 v5  }
0x1d5: {  	v5 =	vld [tilespmem:s21+$0x8840]  }
0x1d6: {  	v10 =	vld [tilespmem:s21+$0x840];
	v1 =	vadd.f32 v8, v1;
	v2 =	vadd.f32 v3, v2;
	v3 =	vcvt.s32.f32 v4  }
0x1d7: {  	v4 =	vld [tilespmem:s21+$0x8850]  }
0x1d8: {  	v8 =	vld [tilespmem:s21+$0x850];
	v1 =	vadd.f32 v7, v1;
	v2 =	vadd.f32 v3, v2;
	v3 =	vcvt.s32.f32 v6  }
0x1d9: {  	v6 =	vld [tilespmem:s21+$0x8860]  }
0x1da: {  	v7 =	vld [tilespmem:s21+$0x860];
	v1 =	vadd.f32 v9, v1;
	v2 =	vadd.f32 v3, v2;
	v3 =	vcvt.s32.f32 v5  }
0x1db: {  	v5 =	vld [tilespmem:s21+$0x8870]  }
0x1dc: {  	v9 =	vld [tilespmem:s21+$0x870];
	v1 =	vadd.f32 v10, v1;
	v2 =	vadd.f32 v3, v2;
	v3 =	vcvt.s32.f32 v4  }
0x1dd: {  	v4 =	vld [tilespmem:s21+$0x8C00]  }
0x1de: {  	v10 =	vld [tilespmem:s21+$0xC00];
	v1 =	vadd.f32 v8, v1;
	v2 =	vadd.f32 v3, v2;
	v3 =	vcvt.s32.f32 v6  }
0x1df: {  	v6 =	vld [tilespmem:s21+$0x8C10]  }
0x1e0: {  	v8 =	vld [tilespmem:s21+$0xC10];
	v1 =	vadd.f32 v7, v1;
	v2 =	vadd.f32 v3, v2;
	v3 =	vcvt.s32.f32 v5  }
0x1e1: {  	v5 =	vld [tilespmem:s21+$0x8C20]  }
0x1e2: {  	v7 =	vld [tilespmem:s21+$0xC20];
	v1 =	vadd.f32 v9, v1;
	v2 =	vadd.f32 v3, v2;
	v3 =	vcvt.s32.f32 v4  }
0x1e3: {  	v4 =	vld [tilespmem:s21+$0x8C30]  }
0x1e4: {  	v9 =	vld [tilespmem:s21+$0xC30];
	v6 =	vcvt.s32.f32 v6;
	v1 =	vadd.f32 v10, v1;
	v2 =	vadd.f32 v3, v2  }
0x1e5: {  	v10 =	vld [tilespmem:s21+$0x8C40]  }
0x1e6: {  	v3 =	vld [tilespmem:s21+$0xC40];
	v8 =	vadd.f32 v8, v1;
	v2 =	vadd.f32 v6, v2;
	v6 =	vcvt.s32.f32 v5  }
0x1e7: {  	v5 =	vld [tilespmem:s21+$0x8C50]  }
0x1e8: {  	v1 =	vld [tilespmem:s21+$0xC50];
	v7 =	vadd.f32 v7, v8;
	v6 =	vadd.f32 v6, v2;
	v8 =	vcvt.s32.f32 v4  }
0x1e9: {  	v4 =	vld [tilespmem:s21+$0x8C60]  }
0x1ea: {  	s23 =	simm.s32 $0x200;
	s22 =	simm.s32 $0x80;
	v2 =	vld [tilespmem:s21+$0xC60];
	v7 =	vadd.f32 v9, v7;
	v8 =	vadd.f32 v8, v6;
	v9 =	vcvt.s32.f32 v10  }
0x1eb: {  	s24 =	sand.u32 $0x3000, s23;
	s23 =	simm.s32 $0x400;
	s25 =	sand.u32 $0x380, s22;
	v6 =	vld [tilespmem:s21+$0x8C70]  }
.LBB2_6:
0x1ec: {  	p0 =	sne.s32 s23, $0x3E00;
	v3 =	vadd.f32 v3, v7;
	v7 =	vadd.f32 v9, v8;
	v5 =	vcvt.s32.f32 v5;
	v8 =	vld [tilespmem:s21+$0xC70];
	s21 =	sor.u32 s25, s24  }
0x1ed: {  	v9 =	vld [tilespmem:s21+$0x8000]  }
0x1ee: {  	v10 =	vld [tilespmem:s21+$0x0];
	v1 =	vadd.f32 v1, v3;
	v3 =	vadd.f32 v5, v7;
	v4 =	vcvt.s32.f32 v4  }
0x1ef: {  	v5 =	vld [tilespmem:s21+$0x8010]  }
0x1f0: {  	v7 =	vld [tilespmem:s21+$0x10];
	v1 =	vadd.f32 v2, v1;
	v2 =	vadd.f32 v4, v3;
	v3 =	vcvt.s32.f32 v6  }
0x1f1: {  	v4 =	vld [tilespmem:s21+$0x8020]  }
0x1f2: {  	v6 =	vcvt.s32.f32 v9;
	v9 =	vld [tilespmem:s21+$0x20];
	v1 =	vadd.f32 v8, v1;
	v2 =	vadd.f32 v3, v2  }
0x1f3: {  	v3 =	vld [tilespmem:s21+$0x8030]  }
0x1f4: {  	v1 =	vadd.f32 v10, v1;
	v2 =	vadd.f32 v6, v2;
	v5 =	vcvt.s32.f32 v5;
	v6 =	vld [tilespmem:s21+$0x30]  }
0x1f5: {  	v8 =	vld [tilespmem:s21+$0x8040]  }
0x1f6: {  	v1 =	vadd.f32 v7, v1;
	v2 =	vadd.f32 v5, v2;
	v4 =	vcvt.s32.f32 v4;
	v5 =	vld [tilespmem:s21+$0x40]  }
0x1f7: {  	v7 =	vld [tilespmem:s21+$0x8050]  }
0x1f8: {  	v1 =	vadd.f32 v9, v1;
	v2 =	vadd.f32 v4, v2;
	v3 =	vcvt.s32.f32 v3;
	v4 =	vld [tilespmem:s21+$0x50]  }
0x1f9: {  	v9 =	vld [tilespmem:s21+$0x8060]  }
0x1fa: {  	v1 =	vadd.f32 v6, v1;
	v2 =	vadd.f32 v3, v2;
	v3 =	vcvt.s32.f32 v8;
	v6 =	vld [tilespmem:s21+$0x60]  }
0x1fb: {  	v8 =	vld [tilespmem:s21+$0x8070]  }
0x1fc: {  	v1 =	vadd.f32 v5, v1;
	v2 =	vadd.f32 v3, v2;
	v3 =	vcvt.s32.f32 v7;
	v5 =	vld [tilespmem:s21+$0x70]  }
0x1fd: {  	v7 =	vld [tilespmem:s21+$0x8400]  }
0x1fe: {  	v1 =	vadd.f32 v4, v1;
	v2 =	vadd.f32 v3, v2;
	v3 =	vcvt.s32.f32 v9;
	v4 =	vld [tilespmem:s21+$0x400]  }
0x1ff: {  	v9 =	vld [tilespmem:s21+$0x8410]  }
0x200: {  	v1 =	vadd.f32 v6, v1;
	v2 =	vadd.f32 v3, v2;
	v3 =	vcvt.s32.f32 v8;
	v6 =	vld [tilespmem:s21+$0x410]  }
0x201: {  	v8 =	vld [tilespmem:s21+$0x8420]  }
0x202: {  	v1 =	vadd.f32 v5, v1;
	v2 =	vadd.f32 v3, v2;
	v3 =	vcvt.s32.f32 v7;
	v5 =	vld [tilespmem:s21+$0x420]  }
0x203: {  	v7 =	vld [tilespmem:s21+$0x8430]  }
0x204: {  	v1 =	vadd.f32 v4, v1;
	v2 =	vadd.f32 v3, v2;
	v3 =	vcvt.s32.f32 v9;
	v4 =	vld [tilespmem:s21+$0x430]  }
0x205: {  	v9 =	vld [tilespmem:s21+$0x8440]  }
0x206: {  	v1 =	vadd.f32 v6, v1;
	v2 =	vadd.f32 v3, v2;
	v3 =	vcvt.s32.f32 v8;
	v6 =	vld [tilespmem:s21+$0x440]  }
0x207: {  	v8 =	vld [tilespmem:s21+$0x8450]  }
0x208: {  	v1 =	vadd.f32 v5, v1;
	v2 =	vadd.f32 v3, v2;
	v3 =	vcvt.s32.f32 v7;
	v5 =	vld [tilespmem:s21+$0x450]  }
0x209: {  	v7 =	vld [tilespmem:s21+$0x8460]  }
0x20a: {  	v1 =	vadd.f32 v4, v1;
	v2 =	vadd.f32 v3, v2;
	v3 =	vcvt.s32.f32 v9;
	v4 =	vld [tilespmem:s21+$0x460]  }
0x20b: {  	v9 =	vld [tilespmem:s21+$0x8470]  }
0x20c: {  	v1 =	vadd.f32 v6, v1;
	v2 =	vadd.f32 v3, v2;
	v3 =	vcvt.s32.f32 v8;
	v6 =	vld [tilespmem:s21+$0x470]  }
0x20d: {  	v8 =	vld [tilespmem:s21+$0x8800]  }
0x20e: {  	v1 =	vadd.f32 v5, v1;
	v2 =	vadd.f32 v3, v2;
	v3 =	vcvt.s32.f32 v7;
	v5 =	vld [tilespmem:s21+$0x800]  }
0x20f: {  	v7 =	vld [tilespmem:s21+$0x8810]  }
0x210: {  	v1 =	vadd.f32 v4, v1;
	v2 =	vadd.f32 v3, v2;
	v3 =	vcvt.s32.f32 v9;
	v4 =	vld [tilespmem:s21+$0x810]  }
0x211: {  	v9 =	vld [tilespmem:s21+$0x8820]  }
0x212: {  	v1 =	vadd.f32 v6, v1;
	v2 =	vadd.f32 v3, v2;
	v3 =	vcvt.s32.f32 v8;
	v6 =	vld [tilespmem:s21+$0x820]  }
0x213: {  	v8 =	vld [tilespmem:s21+$0x8830]  }
0x214: {  	v1 =	vadd.f32 v5, v1;
	v2 =	vadd.f32 v3, v2;
	v3 =	vcvt.s32.f32 v7;
	v5 =	vld [tilespmem:s21+$0x830]  }
0x215: {  	v7 =	vld [tilespmem:s21+$0x8840]  }
0x216: {  	v1 =	vadd.f32 v4, v1;
	v2 =	vadd.f32 v3, v2;
	v3 =	vcvt.s32.f32 v9;
	v4 =	vld [tilespmem:s21+$0x840]  }
0x217: {  	v9 =	vld [tilespmem:s21+$0x8850]  }
0x218: {  	v1 =	vadd.f32 v6, v1;
	v2 =	vadd.f32 v3, v2;
	v3 =	vcvt.s32.f32 v8;
	v6 =	vld [tilespmem:s21+$0x850]  }
0x219: {  	v8 =	vld [tilespmem:s21+$0x8860]  }
0x21a: {  	v1 =	vadd.f32 v5, v1;
	v2 =	vadd.f32 v3, v2;
	v3 =	vcvt.s32.f32 v7;
	v5 =	vld [tilespmem:s21+$0x860]  }
0x21b: {  	v7 =	vld [tilespmem:s21+$0x8870]  }
0x21c: {  	v1 =	vadd.f32 v4, v1;
	v2 =	vadd.f32 v3, v2;
	v3 =	vcvt.s32.f32 v9;
	v4 =	vld [tilespmem:s21+$0x870]  }
0x21d: {  	v9 =	vld [tilespmem:s21+$0x8C00]  }
0x21e: {  	v1 =	vadd.f32 v6, v1;
	v2 =	vadd.f32 v3, v2;
	v3 =	vcvt.s32.f32 v8;
	v6 =	vld [tilespmem:s21+$0xC00]  }
0x21f: {  	v8 =	vld [tilespmem:s21+$0x8C10]  }
0x220: {  	v1 =	vadd.f32 v5, v1;
	v2 =	vadd.f32 v3, v2;
	v3 =	vcvt.s32.f32 v7;
	v5 =	vld [tilespmem:s21+$0xC10]  }
0x221: {  	v7 =	vld [tilespmem:s21+$0x8C20]  }
0x222: {  	v1 =	vadd.f32 v4, v1;
	v2 =	vadd.f32 v3, v2;
	v3 =	vcvt.s32.f32 v9;
	v4 =	vld [tilespmem:s21+$0xC20]  }
0x223: {  	v9 =	vld [tilespmem:s21+$0x8C30]  }
0x224: {  	v1 =	vadd.f32 v6, v1;
	v2 =	vadd.f32 v3, v2;
	v3 =	vcvt.s32.f32 v8;
	v6 =	vld [tilespmem:s21+$0xC30]  }
0x225: {  	v10 =	vld [tilespmem:s21+$0x8C40]  }
0x226: {  	v1 =	vadd.f32 v5, v1;
	v2 =	vadd.f32 v3, v2;
	v7 =	vcvt.s32.f32 v7;
	v3 =	vld [tilespmem:s21+$0xC40]  }
.Ltmp2:
0x227: {  	v5 =	vld [tilespmem:s21+$0x8C50];
	(pc) =	sbr.rel @p0 .LBB2_6-.Ltmp2, $4  }
0x228: {  	v8 =	vadd.f32 v4, v1;
	v2 =	vadd.f32 v7, v2;
	v9 =	vcvt.s32.f32 v9;
	v1 =	vld [tilespmem:s21+$0xC50]  }
0x229: {  	v4 =	vld [tilespmem:s21+$0x8C60]  }
0x22a: {  	s22 =	sadd.s32 $0x80, s22;
	v7 =	vadd.f32 v6, v8;
	v8 =	vadd.f32 v9, v2;
	v9 =	vcvt.s32.f32 v10;
	v2 =	vld [tilespmem:s21+$0xC60]  }
0x22b: {  	s24 =	sand.u32 $0x3000, s23;
	s23 =	sadd.s32 $0x200, s23;
	s25 =	sand.u32 $0x380, s22;
	v6 =	vld [tilespmem:s21+$0x8C70]  }
0x22c: {  	s22 =	sor.u32 s25, s24;
	v10 =	vld [tilespmem:s21+$0xC70]  }
0x22d: {  	v11 =	vld [tilespmem:s22+$0x8000]  }
0x22e: {  	v12 =	vld [tilespmem:s22+$0x0]  }
0x22f: {  	v13 =	vld [tilespmem:s22+$0x8010]  }
0x230: {  	v14 =	vld [tilespmem:s22+$0x10]  }
0x231: {  	v3 =	vadd.f32 v3, v7;
	v7 =	vadd.f32 v9, v8;
	v5 =	vcvt.s32.f32 v5;
	v15 =	vld [tilespmem:s22+$0x8020]  }
0x232: {  	v16 =	vld [tilespmem:s22+$0x20]  }
0x233: {  	v8 =	vld [tilespmem:s22+$0x8030];
	v1 =	vadd.f32 v1, v3;
	v3 =	vadd.f32 v5, v7;
	v4 =	vcvt.s32.f32 v4  }
0x234: {  	v9 =	vld [tilespmem:s22+$0x30]  }
0x235: {  	v43 =	vld [tilespmem:s22+$0x8070];
	v1 =	vadd.f32 v2, v1;
	v2 =	vadd.f32 v4, v3;
	v3 =	vcvt.s32.f32 v6  }
0x236: {  	v44 =	vld [tilespmem:s22+$0x70]  }
0x237: {  	v45 =	vld [tilespmem:s22+$0x8400];
	v11 =	vcvt.s32.f32 v11;
	v1 =	vadd.f32 v10, v1;
	v2 =	vadd.f32 v3, v2  }
0x238: {  	v46 =	vld [tilespmem:s22+$0x400]  }
0x239: {  	v47 =	vld [tilespmem:s22+$0x410];
	v1 =	vadd.f32 v12, v1;
	v2 =	vadd.f32 v11, v2;
	v11 =	vcvt.s32.f32 v13  }
0x23a: {  	v5 =	vld [tilespmem:s22+$0x8040]  }
0x23b: {  	v7 =	vld [tilespmem:s22+$0x40];
	v1 =	vadd.f32 v14, v1;
	v2 =	vadd.f32 v11, v2;
	v11 =	vcvt.s32.f32 v15  }
0x23c: {  	v4 =	vld [tilespmem:s22+$0x8050]  }
0x23d: {  	v6 =	vld [tilespmem:s22+$0x50];
	v8 =	vcvt.s32.f32 v8;
	v1 =	vadd.f32 v16, v1;
	v2 =	vadd.f32 v11, v2  }
0x23e: {  	v3 =	vld [tilespmem:s22+$0x8060]  }
0x23f: {  	v48 =	vld [tilespmem:s22+$0x450];
	v5 =	vcvt.s32.f32 v5;
	v1 =	vadd.f32 v9, v1;
	v2 =	vadd.f32 v8, v2  }
0x240: {  	v10 =	vld [tilespmem:s22+$0x60]  }
0x241: {  	v49 =	vld [tilespmem:s22+$0x8460];
	v4 =	vcvt.s32.f32 v4;
	v1 =	vadd.f32 v7, v1;
	v2 =	vadd.f32 v5, v2  }
0x242: {  	v50 =	vld [tilespmem:s22+$0x460]  }
0x243: {  	v51 =	vld [tilespmem:s22+$0x470];
	v3 =	vcvt.s32.f32 v3;
	v1 =	vadd.f32 v6, v1;
	v2 =	vadd.f32 v4, v2  }
0x244: {  	v11 =	vld [tilespmem:s22+$0x8410]  }
0x245: {  	v52 =	vld [tilespmem:s22+$0x800];
	v1 =	vadd.f32 v10, v1;
	v2 =	vadd.f32 v3, v2;
	v3 =	vcvt.s32.f32 v43  }
0x246: {  	v8 =	vld [tilespmem:s22+$0x8420]  }
0x247: {  	v9 =	vld [tilespmem:s22+$0x420];
	v1 =	vadd.f32 v44, v1;
	v2 =	vadd.f32 v3, v2;
	v3 =	vcvt.s32.f32 v45  }
0x248: {  	v5 =	vld [tilespmem:s22+$0x8430]  }
0x249: {  	v7 =	vld [tilespmem:s22+$0x430];
	v1 =	vadd.f32 v46, v1;
	v2 =	vadd.f32 v3, v2;
	v3 =	vcvt.s32.f32 v11  }
0x24a: {  	v4 =	vld [tilespmem:s22+$0x8440]  }
0x24b: {  	v6 =	vld [tilespmem:s22+$0x440];
	v1 =	vadd.f32 v47, v1;
	v2 =	vadd.f32 v3, v2;
	v3 =	vcvt.s32.f32 v8  }
0x24c: {  	v10 =	vld [tilespmem:s22+$0x8450]  }
0x24d: {  	v53 =	vld [tilespmem:s22+$0x8840];
	v1 =	vadd.f32 v9, v1;
	v2 =	vadd.f32 v3, v2;
	v3 =	vcvt.s32.f32 v5  }
0x24e: {  	v54 =	vld [tilespmem:s22+$0x840]  }
0x24f: {  	v55 =	vld [tilespmem:s22+$0x850];
	v1 =	vadd.f32 v7, v1;
	v2 =	vadd.f32 v3, v2;
	v3 =	vcvt.s32.f32 v4  }
0x250: {  	v11 =	vld [tilespmem:s22+$0x8470]  }
0x251: {  	v56 =	vld [tilespmem:s22+$0x860];
	v1 =	vadd.f32 v6, v1;
	v2 =	vadd.f32 v3, v2;
	v3 =	vcvt.s32.f32 v10  }
0x252: {  	v8 =	vld [tilespmem:s22+$0x8800]  }
0x253: {  	v57 =	vld [tilespmem:s22+$0x870];
	v1 =	vadd.f32 v48, v1;
	v2 =	vadd.f32 v3, v2;
	v3 =	vcvt.s32.f32 v49  }
0x254: {  	v5 =	vld [tilespmem:s22+$0x8810]  }
0x255: {  	v9 =	vld [tilespmem:s22+$0x810];
	v1 =	vadd.f32 v50, v1;
	v2 =	vadd.f32 v3, v2;
	v3 =	vcvt.s32.f32 v11  }
0x256: {  	v4 =	vld [tilespmem:s22+$0x8820]  }
0x257: {  	v7 =	vld [tilespmem:s22+$0x820];
	v1 =	vadd.f32 v51, v1;
	v2 =	vadd.f32 v3, v2;
	v3 =	vcvt.s32.f32 v8  }
0x258: {  	v6 =	vld [tilespmem:s22+$0x8830]  }
0x259: {  	v58 =	vld [tilespmem:s22+$0xC20];
	v1 =	vadd.f32 v52, v1;
	v2 =	vadd.f32 v3, v2;
	v3 =	vcvt.s32.f32 v5  }
0x25a: {  	v10 =	vld [tilespmem:s22+$0x830]  }
0x25b: {  	v59 =	vld [tilespmem:s22+$0xC30];
	v1 =	vadd.f32 v9, v1;
	v2 =	vadd.f32 v3, v2;
	v3 =	vcvt.s32.f32 v4  }
0x25c: {  	v11 =	vld [tilespmem:s22+$0x8850]  }
0x25d: {  	v60 =	vld [tilespmem:s22+$0xC40];
	v1 =	vadd.f32 v7, v1;
	v2 =	vadd.f32 v3, v2;
	v3 =	vcvt.s32.f32 v6  }
0x25e: {  	v8 =	vld [tilespmem:s22+$0x8860]  }
0x25f: {  	v61 =	vld [tilespmem:s22+$0xC50];
	v1 =	vadd.f32 v10, v1;
	v2 =	vadd.f32 v3, v2;
	v3 =	vcvt.s32.f32 v53  }
0x260: {  	v5 =	vld [tilespmem:s22+$0x8870]  }
0x261: {  	v62 =	vld [tilespmem:s22+$0xC60];
	v1 =	vadd.f32 v54, v1;
	v2 =	vadd.f32 v3, v2;
	v3 =	vcvt.s32.f32 v11  }
0x262: {  	v4 =	vld [tilespmem:s22+$0x8C00]  }
0x263: {  	v9 =	vld [tilespmem:s22+$0xC00];
	v1 =	vadd.f32 v55, v1;
	v2 =	vadd.f32 v3, v2;
	v3 =	vcvt.s32.f32 v8  }
0x264: {  	v6 =	vld [tilespmem:s22+$0x8C10]  }
0x265: {  	v7 =	vld [tilespmem:s22+$0xC10];
	v1 =	vadd.f32 v56, v1;
	v2 =	vadd.f32 v3, v2;
	v3 =	vcvt.s32.f32 v5  }
0x266: {  	v10 =	vld [tilespmem:s22+$0x8C20]  }
0x267: {  	v11 =	vld [tilespmem:s22+$0x8C30];
	v1 =	vadd.f32 v57, v1;
	v2 =	vadd.f32 v3, v2;
	v3 =	vcvt.s32.f32 v4  }
0x268: {  	v8 =	vld [tilespmem:s22+$0x8C40]  }
0x269: {  	v5 =	vld [tilespmem:s22+$0x8C50];
	v1 =	vadd.f32 v9, v1;
	v2 =	vadd.f32 v3, v2;
	v3 =	vcvt.s32.f32 v6  }
0x26a: {  	v4 =	vld [tilespmem:s22+$0x8C60]  }
0x26b: {  	v6 =	vld [tilespmem:s22+$0x8C70];
	v1 =	vadd.f32 v7, v1;
	v2 =	vadd.f32 v3, v2;
	v3 =	vcvt.s32.f32 v10  }
0x26c: {  	v9 =	vld [tilespmem:s22+$0xC70];
	_ =	swait.ge [sflag:s17], $0x4000  }
0x26d: {  	[sflag:s17] =	ssyncset.done $0x0;
	v1 =	vadd.f32 v58, v1;
	v2 =	vadd.f32 v3, v2;
	v3 =	vcvt.s32.f32 v11  }
0x26e: {  	[sflag:s17] =	ssyncadd.s32 $0xFFFFC000  }
0x26f: {  	s30 =	simm.s32 $0x0;
	_ =	swait.ge [sflag:s17], $0x4000;
	v1 =	vadd.f32 v59, v1;
	v2 =	vadd.f32 v3, v2;
	v3 =	vcvt.s32.f32 v8  }
0x270: {  	s31 =	sand.u32 $0x3000, s30;
	s21 =	sand.u32 $0x380, s30;
	[sflag:s17] =	ssyncset.done $0x0  }
0x271: {  	s21 =	sor.u32 s21, s31;
	[sflag:s17] =	ssyncadd.s32 $0xFFFFC000;
	v1 =	vadd.f32 v60, v1;
	v2 =	vadd.f32 v3, v2;
	v3 =	vcvt.s32.f32 v5  }
0x272: {  	v5 =	vld [tilespmem:s21+$0xC000]  }
0x273: {  	v7 =	vld [tilespmem:s21+$0x4000];
	v1 =	vadd.f32 v61, v1;
	v2 =	vadd.f32 v3, v2;
	v3 =	vcvt.s32.f32 v4  }
0x274: {  	v4 =	vld [tilespmem:s21+$0xC010]  }
0x275: {  	v8 =	vld [tilespmem:s21+$0x4010];
	v1 =	vadd.f32 v62, v1;
	v2 =	vadd.f32 v3, v2;
	v3 =	vcvt.s32.f32 v6  }
0x276: {  	v6 =	vld [tilespmem:s21+$0xC020]  }
0x277: {  	v10 =	vld [tilespmem:s21+$0x4020];
	v1 =	vadd.f32 v9, v1;
	v2 =	vadd.f32 v3, v2;
	v3 =	vcvt.s32.f32 v5  }
0x278: {  	v5 =	vld [tilespmem:s21+$0xC030]  }
0x279: {  	v9 =	vld [tilespmem:s21+$0x4030];
	v1 =	vadd.f32 v7, v1;
	v2 =	vadd.f32 v3, v2;
	v3 =	vcvt.s32.f32 v4  }
0x27a: {  	v4 =	vld [tilespmem:s21+$0xC040]  }
0x27b: {  	v7 =	vld [tilespmem:s21+$0x4040];
	v1 =	vadd.f32 v8, v1;
	v2 =	vadd.f32 v3, v2;
	v3 =	vcvt.s32.f32 v6  }
0x27c: {  	v6 =	vld [tilespmem:s21+$0xC050]  }
0x27d: {  	v8 =	vld [tilespmem:s21+$0x4050];
	v1 =	vadd.f32 v10, v1;
	v2 =	vadd.f32 v3, v2;
	v3 =	vcvt.s32.f32 v5  }
0x27e: {  	v5 =	vld [tilespmem:s21+$0xC060]  }
0x27f: {  	v10 =	vld [tilespmem:s21+$0x4060];
	v1 =	vadd.f32 v9, v1;
	v2 =	vadd.f32 v3, v2;
	v3 =	vcvt.s32.f32 v4  }
0x280: {  	v4 =	vld [tilespmem:s21+$0xC070]  }
0x281: {  	v9 =	vld [tilespmem:s21+$0x4070];
	v1 =	vadd.f32 v7, v1;
	v2 =	vadd.f32 v3, v2;
	v3 =	vcvt.s32.f32 v6  }
0x282: {  	v6 =	vld [tilespmem:s21+$0xC400]  }
0x283: {  	v7 =	vld [tilespmem:s21+$0x4400];
	v1 =	vadd.f32 v8, v1;
	v2 =	vadd.f32 v3, v2;
	v3 =	vcvt.s32.f32 v5  }
0x284: {  	v5 =	vld [tilespmem:s21+$0xC410]  }
0x285: {  	v8 =	vld [tilespmem:s21+$0x4410];
	v1 =	vadd.f32 v10, v1;
	v2 =	vadd.f32 v3, v2;
	v3 =	vcvt.s32.f32 v4  }
0x286: {  	v4 =	vld [tilespmem:s21+$0xC420]  }
0x287: {  	v10 =	vld [tilespmem:s21+$0x4420];
	v1 =	vadd.f32 v9, v1;
	v2 =	vadd.f32 v3, v2;
	v3 =	vcvt.s32.f32 v6  }
0x288: {  	v6 =	vld [tilespmem:s21+$0xC430]  }
0x289: {  	v9 =	vld [tilespmem:s21+$0x4430];
	v1 =	vadd.f32 v7, v1;
	v2 =	vadd.f32 v3, v2;
	v3 =	vcvt.s32.f32 v5  }
0x28a: {  	v5 =	vld [tilespmem:s21+$0xC440]  }
0x28b: {  	v7 =	vld [tilespmem:s21+$0x4440];
	v1 =	vadd.f32 v8, v1;
	v2 =	vadd.f32 v3, v2;
	v3 =	vcvt.s32.f32 v4  }
0x28c: {  	v4 =	vld [tilespmem:s21+$0xC450]  }
0x28d: {  	v8 =	vld [tilespmem:s21+$0x4450];
	v1 =	vadd.f32 v10, v1;
	v2 =	vadd.f32 v3, v2;
	v3 =	vcvt.s32.f32 v6  }
0x28e: {  	v6 =	vld [tilespmem:s21+$0xC460]  }
0x28f: {  	v10 =	vld [tilespmem:s21+$0x4460];
	v1 =	vadd.f32 v9, v1;
	v2 =	vadd.f32 v3, v2;
	v3 =	vcvt.s32.f32 v5  }
0x290: {  	v5 =	vld [tilespmem:s21+$0xC470]  }
0x291: {  	v9 =	vld [tilespmem:s21+$0x4470];
	v1 =	vadd.f32 v7, v1;
	v2 =	vadd.f32 v3, v2;
	v3 =	vcvt.s32.f32 v4  }
0x292: {  	v4 =	vld [tilespmem:s21+$0xC800]  }
0x293: {  	v7 =	vld [tilespmem:s21+$0x4800];
	v1 =	vadd.f32 v8, v1;
	v2 =	vadd.f32 v3, v2;
	v3 =	vcvt.s32.f32 v6  }
0x294: {  	v6 =	vld [tilespmem:s21+$0xC810]  }
0x295: {  	v8 =	vld [tilespmem:s21+$0x4810];
	v1 =	vadd.f32 v10, v1;
	v2 =	vadd.f32 v3, v2;
	v3 =	vcvt.s32.f32 v5  }
0x296: {  	v5 =	vld [tilespmem:s21+$0xC820]  }
0x297: {  	v10 =	vld [tilespmem:s21+$0x4820];
	v1 =	vadd.f32 v9, v1;
	v2 =	vadd.f32 v3, v2;
	v3 =	vcvt.s32.f32 v4  }
0x298: {  	v4 =	vld [tilespmem:s21+$0xC830]  }
0x299: {  	v9 =	vld [tilespmem:s21+$0x4830];
	v1 =	vadd.f32 v7, v1;
	v2 =	vadd.f32 v3, v2;
	v3 =	vcvt.s32.f32 v6  }
0x29a: {  	v6 =	vld [tilespmem:s21+$0xC840]  }
0x29b: {  	v7 =	vld [tilespmem:s21+$0x4840];
	v1 =	vadd.f32 v8, v1;
	v2 =	vadd.f32 v3, v2;
	v3 =	vcvt.s32.f32 v5  }
0x29c: {  	v5 =	vld [tilespmem:s21+$0xC850]  }
0x29d: {  	v8 =	vld [tilespmem:s21+$0x4850];
	v1 =	vadd.f32 v10, v1;
	v2 =	vadd.f32 v3, v2;
	v3 =	vcvt.s32.f32 v4  }
0x29e: {  	v4 =	vld [tilespmem:s21+$0xC860]  }
0x29f: {  	v10 =	vld [tilespmem:s21+$0x4860];
	v1 =	vadd.f32 v9, v1;
	v2 =	vadd.f32 v3, v2;
	v3 =	vcvt.s32.f32 v6  }
0x2a0: {  	v6 =	vld [tilespmem:s21+$0xC870]  }
0x2a1: {  	v9 =	vld [tilespmem:s21+$0x4870];
	v1 =	vadd.f32 v7, v1;
	v2 =	vadd.f32 v3, v2;
	v3 =	vcvt.s32.f32 v5  }
0x2a2: {  	v5 =	vld [tilespmem:s21+$0xCC00]  }
0x2a3: {  	v7 =	vld [tilespmem:s21+$0x4C00];
	v1 =	vadd.f32 v8, v1;
	v2 =	vadd.f32 v3, v2;
	v3 =	vcvt.s32.f32 v4  }
0x2a4: {  	v4 =	vld [tilespmem:s21+$0xCC10]  }
0x2a5: {  	v8 =	vld [tilespmem:s21+$0x4C10];
	v1 =	vadd.f32 v10, v1;
	v2 =	vadd.f32 v3, v2;
	v3 =	vcvt.s32.f32 v6  }
0x2a6: {  	v6 =	vld [tilespmem:s21+$0xCC20]  }
0x2a7: {  	v10 =	vld [tilespmem:s21+$0x4C20];
	v1 =	vadd.f32 v9, v1;
	v2 =	vadd.f32 v3, v2;
	v3 =	vcvt.s32.f32 v5  }
0x2a8: {  	v9 =	vld [tilespmem:s21+$0xCC30]  }
0x2a9: {  	v11 =	vld [tilespmem:s21+$0x4C30];
	v1 =	vadd.f32 v7, v1;
	v2 =	vadd.f32 v3, v2;
	v3 =	vcvt.s32.f32 v4  }
0x2aa: {  	v63 =	vld [tilespmem:s21+$0xCC40]  }
0x2ab: {  	v5 =	vld [tilespmem:s21+$0xCC50];
	v7 =	vadd.f32 v8, v1;
	v2 =	vadd.f32 v3, v2;
	v3 =	vcvt.s32.f32 v6  }
0x2ac: {  	v4 =	vld [tilespmem:s21+$0x4C40]  }
0x2ad: {  	v1 =	vld [tilespmem:s21+$0x4C50];
	v9 =	vcvt.s32.f32 v9;
	v6 =	vadd.f32 v10, v7;
	v7 =	vadd.f32 v3, v2  }
0x2ae: {  	v2 =	vld [tilespmem:s21+$0xCC60]  }
0x2af: {  	s23 =	simm.s32 $0x200;
	s22 =	simm.s32 $0x80;
	v3 =	vld [tilespmem:s21+$0x4C60];
	v8 =	vadd.f32 v11, v6;
	v7 =	vadd.f32 v9, v7;
	v9 =	vcvt.s32.f32 v63  }
0x2b0: {  	s24 =	sand.u32 $0x3000, s23;
	s23 =	simm.s32 $0x400;
	s25 =	sand.u32 $0x380, s22;
	v6 =	vld [tilespmem:s21+$0xCC70]  }
.LBB2_8:
0x2b1: {  	p0 =	sne.s32 s23, $0x3E00;
	v4 =	vadd.f32 v4, v8;
	v7 =	vadd.f32 v9, v7;
	v5 =	vcvt.s32.f32 v5;
	v8 =	vld [tilespmem:s21+$0x4C70];
	s21 =	sor.u32 s25, s24  }
0x2b2: {  	v9 =	vld [tilespmem:s21+$0xC000]  }
0x2b3: {  	v10 =	vld [tilespmem:s21+$0x4000];
	v1 =	vadd.f32 v1, v4;
	v4 =	vadd.f32 v5, v7;
	v2 =	vcvt.s32.f32 v2  }
0x2b4: {  	v5 =	vld [tilespmem:s21+$0xC010]  }
0x2b5: {  	v7 =	vld [tilespmem:s21+$0x4010];
	v1 =	vadd.f32 v3, v1;
	v2 =	vadd.f32 v2, v4;
	v3 =	vcvt.s32.f32 v6  }
0x2b6: {  	v4 =	vld [tilespmem:s21+$0xC020]  }
0x2b7: {  	v6 =	vcvt.s32.f32 v9;
	v9 =	vld [tilespmem:s21+$0x4020];
	v1 =	vadd.f32 v8, v1;
	v2 =	vadd.f32 v3, v2  }
0x2b8: {  	v3 =	vld [tilespmem:s21+$0xC030]  }
0x2b9: {  	v1 =	vadd.f32 v10, v1;
	v2 =	vadd.f32 v6, v2;
	v5 =	vcvt.s32.f32 v5;
	v6 =	vld [tilespmem:s21+$0x4030]  }
0x2ba: {  	v8 =	vld [tilespmem:s21+$0xC040]  }
0x2bb: {  	v1 =	vadd.f32 v7, v1;
	v2 =	vadd.f32 v5, v2;
	v4 =	vcvt.s32.f32 v4;
	v5 =	vld [tilespmem:s21+$0x4040]  }
0x2bc: {  	v7 =	vld [tilespmem:s21+$0xC050]  }
0x2bd: {  	v1 =	vadd.f32 v9, v1;
	v2 =	vadd.f32 v4, v2;
	v3 =	vcvt.s32.f32 v3;
	v4 =	vld [tilespmem:s21+$0x4050]  }
0x2be: {  	v9 =	vld [tilespmem:s21+$0xC060]  }
0x2bf: {  	v1 =	vadd.f32 v6, v1;
	v2 =	vadd.f32 v3, v2;
	v3 =	vcvt.s32.f32 v8;
	v6 =	vld [tilespmem:s21+$0x4060]  }
0x2c0: {  	v8 =	vld [tilespmem:s21+$0xC070]  }
0x2c1: {  	v1 =	vadd.f32 v5, v1;
	v2 =	vadd.f32 v3, v2;
	v3 =	vcvt.s32.f32 v7;
	v5 =	vld [tilespmem:s21+$0x4070]  }
0x2c2: {  	v7 =	vld [tilespmem:s21+$0xC400]  }
0x2c3: {  	v1 =	vadd.f32 v4, v1;
	v2 =	vadd.f32 v3, v2;
	v3 =	vcvt.s32.f32 v9;
	v4 =	vld [tilespmem:s21+$0x4400]  }
0x2c4: {  	v9 =	vld [tilespmem:s21+$0xC410]  }
0x2c5: {  	v1 =	vadd.f32 v6, v1;
	v2 =	vadd.f32 v3, v2;
	v3 =	vcvt.s32.f32 v8;
	v6 =	vld [tilespmem:s21+$0x4410]  }
0x2c6: {  	v8 =	vld [tilespmem:s21+$0xC420]  }
0x2c7: {  	v1 =	vadd.f32 v5, v1;
	v2 =	vadd.f32 v3, v2;
	v3 =	vcvt.s32.f32 v7;
	v5 =	vld [tilespmem:s21+$0x4420]  }
0x2c8: {  	v7 =	vld [tilespmem:s21+$0xC430]  }
0x2c9: {  	v1 =	vadd.f32 v4, v1;
	v2 =	vadd.f32 v3, v2;
	v3 =	vcvt.s32.f32 v9;
	v4 =	vld [tilespmem:s21+$0x4430]  }
0x2ca: {  	v9 =	vld [tilespmem:s21+$0xC440]  }
0x2cb: {  	v1 =	vadd.f32 v6, v1;
	v2 =	vadd.f32 v3, v2;
	v3 =	vcvt.s32.f32 v8;
	v6 =	vld [tilespmem:s21+$0x4440]  }
0x2cc: {  	v8 =	vld [tilespmem:s21+$0xC450]  }
0x2cd: {  	v1 =	vadd.f32 v5, v1;
	v2 =	vadd.f32 v3, v2;
	v3 =	vcvt.s32.f32 v7;
	v5 =	vld [tilespmem:s21+$0x4450]  }
0x2ce: {  	v7 =	vld [tilespmem:s21+$0xC460]  }
0x2cf: {  	v1 =	vadd.f32 v4, v1;
	v2 =	vadd.f32 v3, v2;
	v3 =	vcvt.s32.f32 v9;
	v4 =	vld [tilespmem:s21+$0x4460]  }
0x2d0: {  	v9 =	vld [tilespmem:s21+$0xC470]  }
0x2d1: {  	v1 =	vadd.f32 v6, v1;
	v2 =	vadd.f32 v3, v2;
	v3 =	vcvt.s32.f32 v8;
	v6 =	vld [tilespmem:s21+$0x4470]  }
0x2d2: {  	v8 =	vld [tilespmem:s21+$0xC800]  }
0x2d3: {  	v1 =	vadd.f32 v5, v1;
	v2 =	vadd.f32 v3, v2;
	v3 =	vcvt.s32.f32 v7;
	v5 =	vld [tilespmem:s21+$0x4800]  }
0x2d4: {  	v7 =	vld [tilespmem:s21+$0xC810]  }
0x2d5: {  	v1 =	vadd.f32 v4, v1;
	v2 =	vadd.f32 v3, v2;
	v3 =	vcvt.s32.f32 v9;
	v4 =	vld [tilespmem:s21+$0x4810]  }
0x2d6: {  	v9 =	vld [tilespmem:s21+$0xC820]  }
0x2d7: {  	v1 =	vadd.f32 v6, v1;
	v2 =	vadd.f32 v3, v2;
	v3 =	vcvt.s32.f32 v8;
	v6 =	vld [tilespmem:s21+$0x4820]  }
0x2d8: {  	v8 =	vld [tilespmem:s21+$0xC830]  }
0x2d9: {  	v1 =	vadd.f32 v5, v1;
	v2 =	vadd.f32 v3, v2;
	v3 =	vcvt.s32.f32 v7;
	v5 =	vld [tilespmem:s21+$0x4830]  }
0x2da: {  	v7 =	vld [tilespmem:s21+$0xC840]  }
0x2db: {  	v1 =	vadd.f32 v4, v1;
	v2 =	vadd.f32 v3, v2;
	v3 =	vcvt.s32.f32 v9;
	v4 =	vld [tilespmem:s21+$0x4840]  }
0x2dc: {  	v9 =	vld [tilespmem:s21+$0xC850]  }
0x2dd: {  	v1 =	vadd.f32 v6, v1;
	v2 =	vadd.f32 v3, v2;
	v3 =	vcvt.s32.f32 v8;
	v6 =	vld [tilespmem:s21+$0x4850]  }
0x2de: {  	v8 =	vld [tilespmem:s21+$0xC860]  }
0x2df: {  	v1 =	vadd.f32 v5, v1;
	v2 =	vadd.f32 v3, v2;
	v3 =	vcvt.s32.f32 v7;
	v5 =	vld [tilespmem:s21+$0x4860]  }
0x2e0: {  	v7 =	vld [tilespmem:s21+$0xC870]  }
0x2e1: {  	v1 =	vadd.f32 v4, v1;
	v2 =	vadd.f32 v3, v2;
	v3 =	vcvt.s32.f32 v9;
	v4 =	vld [tilespmem:s21+$0x4870]  }
0x2e2: {  	v9 =	vld [tilespmem:s21+$0xCC00]  }
0x2e3: {  	v1 =	vadd.f32 v6, v1;
	v2 =	vadd.f32 v3, v2;
	v3 =	vcvt.s32.f32 v8;
	v6 =	vld [tilespmem:s21+$0x4C00]  }
0x2e4: {  	v8 =	vld [tilespmem:s21+$0xCC10]  }
0x2e5: {  	v1 =	vadd.f32 v5, v1;
	v2 =	vadd.f32 v3, v2;
	v3 =	vcvt.s32.f32 v7;
	v5 =	vld [tilespmem:s21+$0x4C10]  }
0x2e6: {  	v7 =	vld [tilespmem:s21+$0xCC20]  }
0x2e7: {  	v1 =	vadd.f32 v4, v1;
	v2 =	vadd.f32 v3, v2;
	v3 =	vcvt.s32.f32 v9;
	v9 =	vld [tilespmem:s21+$0x4C20]  }
0x2e8: {  	v10 =	vld [tilespmem:s21+$0xCC30]  }
0x2e9: {  	v1 =	vadd.f32 v6, v1;
	v2 =	vadd.f32 v3, v2;
	v3 =	vcvt.s32.f32 v8;
	v6 =	vld [tilespmem:s21+$0x4C30]  }
0x2ea: {  	v11 =	vld [tilespmem:s21+$0xCC40]  }
0x2eb: {  	v1 =	vadd.f32 v5, v1;
	v2 =	vadd.f32 v3, v2;
	v3 =	vcvt.s32.f32 v7;
	v4 =	vld [tilespmem:s21+$0x4C40]  }
.Ltmp3:
0x2ec: {  	v5 =	vld [tilespmem:s21+$0xCC50];
	(pc) =	sbr.rel @p0 .LBB2_8-.Ltmp3, $4  }
0x2ed: {  	v7 =	vadd.f32 v9, v1;
	v3 =	vadd.f32 v3, v2;
	v9 =	vcvt.s32.f32 v10;
	v1 =	vld [tilespmem:s21+$0x4C50]  }
0x2ee: {  	v2 =	vld [tilespmem:s21+$0xCC60]  }
0x2ef: {  	s22 =	sadd.s32 $0x80, s22;
	v8 =	vadd.f32 v6, v7;
	v7 =	vadd.f32 v9, v3;
	v9 =	vcvt.s32.f32 v11;
	v3 =	vld [tilespmem:s21+$0x4C60]  }
0x2f0: {  	s24 =	sand.u32 $0x3000, s23;
	s23 =	sadd.s32 $0x200, s23;
	s25 =	sand.u32 $0x380, s22;
	v6 =	vld [tilespmem:s21+$0xCC70]  }
0x2f1: {  	v4 =	vadd.f32 v4, v8  }
0x2f2: {  	s22 =	sor.u32 s25, s24;
	v33 =	vld [tilespmem:s21+$0x4C70];
	v7 =	vadd.f32 v9, v7;
	v5 =	vcvt.s32.f32 v5  }
0x2f3: {  	v34 =	vld [tilespmem:s22+$0xC000];
	v1 =	vadd.f32 v1, v4  }
0x2f4: {  	v35 =	vld [tilespmem:s22+$0x4000];
	v5 =	vadd.f32 v5, v7;
	v2 =	vcvt.s32.f32 v2  }
0x2f5: {  	v36 =	vld [tilespmem:s22+$0xC010];
	v1 =	vadd.f32 v3, v1  }
0x2f6: {  	v3 =	vld [tilespmem:s22+$0x4010];
	v2 =	vadd.f32 v2, v5;
	v37 =	vcvt.s32.f32 v6  }
0x2f7: {  	v38 =	vld [tilespmem:s22+$0xC020];
	v1 =	vadd.f32 v33, v1  }
0x2f8: {  	v39 =	vld [tilespmem:s22+$0x4020];
	v9 =	vcvt.s32.f32 v34;
	v2 =	vadd.f32 v37, v2  }
0x2f9: {  	v40 =	vld [tilespmem:s22+$0xC030];
	v1 =	vadd.f32 v35, v1  }
0x2fa: {  	v41 =	vld [tilespmem:s22+$0x4030];
	v7 =	vcvt.s32.f32 v36;
	v2 =	vadd.f32 v9, v2  }
0x2fb: {  	v42 =	vld [tilespmem:s22+$0xC040];
	v1 =	vadd.f32 v3, v1  }
0x2fc: {  	v6 =	vcvt.s32.f32 v38;
	v3 =	vld [tilespmem:s22+$0x4040];
	v2 =	vadd.f32 v7, v2  }
0x2fd: {  	v43 =	vld [tilespmem:s22+$0xC050];
	v1 =	vadd.f32 v39, v1  }
0x2fe: {  	v44 =	vld [tilespmem:s22+$0x4050];
	v5 =	vcvt.s32.f32 v40;
	v2 =	vadd.f32 v6, v2  }
0x2ff: {  	v45 =	vld [tilespmem:s22+$0xC060];
	v1 =	vadd.f32 v41, v1  }
0x300: {  	v46 =	vld [tilespmem:s22+$0x4060];
	v47 =	vcvt.s32.f32 v42;
	v2 =	vadd.f32 v5, v2  }
0x301: {  	v48 =	vld [tilespmem:s22+$0xC070];
	v1 =	vadd.f32 v3, v1  }
0x302: {  	v49 =	vcvt.s32.f32 v43;
	v3 =	vld [tilespmem:s22+$0x4070];
	v2 =	vadd.f32 v47, v2  }
0x303: {  	v50 =	vld [tilespmem:s22+$0xC400];
	v1 =	vadd.f32 v44, v1  }
0x304: {  	v51 =	vld [tilespmem:s22+$0x4400];
	v52 =	vcvt.s32.f32 v45;
	v2 =	vadd.f32 v49, v2  }
0x305: {  	v53 =	vld [tilespmem:s22+$0xC410];
	v1 =	vadd.f32 v46, v1  }
0x306: {  	v54 =	vld [tilespmem:s22+$0x4410];
	v55 =	vcvt.s32.f32 v48;
	v2 =	vadd.f32 v52, v2  }
0x307: {  	v56 =	vld [tilespmem:s22+$0xC420];
	v1 =	vadd.f32 v3, v1  }
0x308: {  	v57 =	vcvt.s32.f32 v50;
	v3 =	vld [tilespmem:s22+$0x4420];
	v2 =	vadd.f32 v55, v2  }
0x309: {  	v58 =	vld [tilespmem:s22+$0xC430];
	v1 =	vadd.f32 v51, v1  }
0x30a: {  	v59 =	vld [tilespmem:s22+$0x4430];
	v60 =	vcvt.s32.f32 v53;
	v2 =	vadd.f32 v57, v2  }
0x30b: {  	v61 =	vld [tilespmem:s22+$0xC440];
	v1 =	vadd.f32 v54, v1  }
0x30c: {  	v62 =	vld [tilespmem:s22+$0x4440];
	v63 =	vcvt.s32.f32 v56;
	v2 =	vadd.f32 v60, v2  }
0x30d: {  	v12 =	vld [tilespmem:s22+$0xC450];
	v1 =	vadd.f32 v3, v1  }
0x30e: {  	v13 =	vcvt.s32.f32 v58;
	v3 =	vld [tilespmem:s22+$0x4450];
	v2 =	vadd.f32 v63, v2  }
0x30f: {  	v14 =	vld [tilespmem:s22+$0xC460];
	v1 =	vadd.f32 v59, v1  }
0x310: {  	v15 =	vld [tilespmem:s22+$0x4460];
	v16 =	vcvt.s32.f32 v61;
	v2 =	vadd.f32 v13, v2  }
0x311: {  	v17 =	vld [tilespmem:s22+$0xC470];
	v1 =	vadd.f32 v62, v1  }
0x312: {  	v18 =	vld [tilespmem:s22+$0x4470];
	v19 =	vcvt.s32.f32 v12;
	v2 =	vadd.f32 v16, v2  }
0x313: {  	v20 =	vld [tilespmem:s22+$0xC800];
	v1 =	vadd.f32 v3, v1  }
0x314: {  	v21 =	vcvt.s32.f32 v14;
	v3 =	vld [tilespmem:s22+$0x4800];
	v2 =	vadd.f32 v19, v2  }
0x315: {  	v22 =	vld [tilespmem:s22+$0xC810];
	v1 =	vadd.f32 v15, v1  }
0x316: {  	v23 =	vld [tilespmem:s22+$0x4810];
	v24 =	vcvt.s32.f32 v17;
	v2 =	vadd.f32 v21, v2  }
0x317: {  	v25 =	vld [tilespmem:s22+$0xC820];
	v1 =	vadd.f32 v18, v1  }
0x318: {  	v26 =	vld [tilespmem:s22+$0x4820];
	v27 =	vcvt.s32.f32 v20;
	v2 =	vadd.f32 v24, v2  }
0x319: {  	v28 =	vld [tilespmem:s22+$0xC830];
	v1 =	vadd.f32 v3, v1  }
0x31a: {  	v29 =	vcvt.s32.f32 v22;
	v3 =	vld [tilespmem:s22+$0x4830];
	v2 =	vadd.f32 v27, v2  }
0x31b: {  	v30 =	vld [tilespmem:s22+$0xC840];
	v1 =	vadd.f32 v23, v1  }
0x31c: {  	v31 =	vld [tilespmem:s22+$0x4840];
	v32 =	vcvt.s32.f32 v25;
	v2 =	vadd.f32 v29, v2  }
0x31d: {  	v33 =	vld [tilespmem:s22+$0xC850];
	v1 =	vadd.f32 v26, v1  }
0x31e: {  	v34 =	vld [tilespmem:s22+$0x4850];
	v35 =	vcvt.s32.f32 v28;
	v2 =	vadd.f32 v32, v2  }
0x31f: {  	v36 =	vld [tilespmem:s22+$0xC860];
	v1 =	vadd.f32 v3, v1  }
0x320: {  	v37 =	vcvt.s32.f32 v30;
	v3 =	vld [tilespmem:s22+$0x4860];
	v2 =	vadd.f32 v35, v2  }
0x321: {  	v38 =	vld [tilespmem:s22+$0xC870];
	v1 =	vadd.f32 v31, v1  }
0x322: {  	v40 =	vcvt.s32.f32 v33;
	v39 =	vld [tilespmem:s22+$0x4870];
	v2 =	vadd.f32 v37, v2  }
0x323: {  	v41 =	vld [tilespmem:s22+$0xCC00];
	v1 =	vadd.f32 v34, v1  }
0x324: {  	v42 =	vld [tilespmem:s22+$0x4C00];
	v43 =	vcvt.s32.f32 v36;
	v2 =	vadd.f32 v40, v2  }
0x325: {  	v44 =	vld [tilespmem:s22+$0xCC10];
	v1 =	vadd.f32 v3, v1  }
0x326: {  	v45 =	vcvt.s32.f32 v38;
	v3 =	vld [tilespmem:s22+$0x4C10];
	v2 =	vadd.f32 v43, v2  }
0x327: {  	v46 =	vld [tilespmem:s22+$0xCC20];
	v1 =	vadd.f32 v39, v1  }
0x328: {  	v47 =	vld [tilespmem:s22+$0x4C20];
	v48 =	vcvt.s32.f32 v41;
	v2 =	vadd.f32 v45, v2  }
0x329: {  	v49 =	vld [tilespmem:s22+$0xCC30];
	v1 =	vadd.f32 v42, v1  }
0x32a: {  	v50 =	vld [tilespmem:s22+$0x4C30];
	v51 =	vcvt.s32.f32 v44;
	v2 =	vadd.f32 v48, v2  }
0x32b: {  	v52 =	vld [tilespmem:s22+$0xCC40];
	v1 =	vadd.f32 v3, v1  }
0x32c: {  	v53 =	vcvt.s32.f32 v46;
	v3 =	vld [tilespmem:s22+$0x4C40];
	v2 =	vadd.f32 v51, v2  }
0x32d: {  	v54 =	vld [tilespmem:s22+$0xCC50];
	v1 =	vadd.f32 v47, v1  }
0x32e: {  	v55 =	vld [tilespmem:s22+$0x4C50];
	v56 =	vcvt.s32.f32 v49;
	v2 =	vadd.f32 v53, v2  }
0x32f: {  	v57 =	vld [tilespmem:s22+$0xCC60];
	v1 =	vadd.f32 v50, v1  }
0x330: {  	v58 =	vld [tilespmem:s22+$0x4C60];
	v59 =	vcvt.s32.f32 v52;
	v2 =	vadd.f32 v56, v2  }
0x331: {  	v60 =	vld [tilespmem:s22+$0xCC70];
	v1 =	vadd.f32 v3, v1  }
0x332: {  	v61 =	vcvt.s32.f32 v54;
	v3 =	vld [tilespmem:s22+$0x4C70];
	v2 =	vadd.f32 v59, v2  }
0x333: {  	v1 =	vadd.f32 v55, v1  }
0x334: {  	v62 =	vcvt.s32.f32 v57;
	v2 =	vadd.f32 v61, v2  }
0x335: {  	v1 =	vadd.f32 v58, v1  }
0x336: {  	v63 =	vcvt.s32.f32 v60;
	v2 =	vadd.f32 v62, v2  }
0x337: {  	[tilespmem:$0x10010] =	vst v0;
	v1 =	vadd.f32 v3, v1  }
0x338: {  	s20 =	sadd.s32 $0x1, s20;
	[tilespmem:$0x10030] =	vst v0;
	v2 =	vadd.f32 v63, v2  }
0x339: {  	p0 =	sne.s32 s20, s12;
	[tilespmem:$0x10000] =	vst v1  }
.Ltmp4:
0x33a: {  	[tilespmem:$0x10020] =	vst v2;
	(pc) =	sbr.rel @p0 .LBB2_1-.Ltmp4, $4  }
0x33b: {  	[hbm4b:s11+s2] =	stream.linear.scatter [tilespmem:s18], [sflag:$0x3], $0x80, $0x38;
	[tilespmem:$0x10080] =	vst v63  }
0x33c: {  	_ =	swait.ge [sflag:s19], $0x80  }
0x33d: {  	[sflag:s19] =	ssyncset.done $0x0  }
0x33e: {  	[sflag:s19] =	ssyncadd.s32 $0xFFFFFF80  }
0x33f: {  	_ =	sfence.sel $0x180000  }
0x340: {  	[bflag:$0x0] =	sbarrier.arrive $0xFFFF  }
0x341: {  	p0 =	sne.s32 s0, $0x0;
	_ =	strace $0x90000047  }
0x342: {  	s0 =	sadd.s32 @!p0 $0x100000, s1;
	[bflag:$0x2] =	sbarrier.arrive $0xFFFF  }
0x343: {  	[sflag:s0] =	ssyncadd.tile.s32 @!p0 $0x1;
	_ =	shalt  }
.Lfunc_end2:
_tile_overlayer_lowered:
.L_overlay_start_2:
0x344: {  	(tag) =	ssettag $0x2  }
0x345: {  	s0 =	rddreg [dreg:$0x0];
	s2 =	stileid.u32  }
0x346: {  	s1 =	rddreg [dreg:$0x1];
	p0 =	sne.s32 s2, $0x0  }
0x347: {  	s3 =	rddreg [dreg:$0x2];
	[bflag:$0x3] =	sbarrier.arrive $0xFFFF;
	s2 =	simm.s32 @!p0 $0x1C03  }
0x348: {  	[timem:s3], [sflag:s2] =	dma.local @!p0 [hbm:s0], s1  }
0x349: {  	s0 =	simm.s32 @!p0 $0x3  }
0x34a: {  	_ =	swait.ge @!p0 [sflag:s0], s1  }
0x34b: {  	s1 =	ssub.s32 @!p0 $0x0, s1;
	[sflag:s0] =	ssyncset.done @!p0 $0x0  }
0x34c: {  	[sflag:s0] =	ssyncadd.s32 @!p0 s1  }
0x34d: {  	[bflag:$0x3] =	sbarrier.arrive $0xFFFF  }
0x34e: {  	_ =	shalt  }

</sc_bundles>
